<compile_context>
chip_gen: v7x
topology: tpu7x:2x2x1
jax: 0.10.2.dev20260603
libtpu: 0.0.44.dev20260713+nightly
codegen_flags: <defaults>
</compile_context>

<pallas_src>
import functools

import jax
import jax.numpy as jnp
from jax import lax
from jax.experimental import pallas as pl
from jax.experimental.pallas import tpu as pltpu
from jax.experimental.pallas import tpu_sc as plsc

VOCAB = 1000000
EMB = 64
BATCH = 4096
SEQ = 200

NW = 32
BPW = BATCH // NW
NPAIR = SEQ // 2
LANES = 16
ETILES = EMB // 8
TPAD = BPW + 1

_mesh = plsc.VectorSubcoreMesh(core_axis_name="c", subcore_axis_name="s")


def _transpose_tile(rbuf, tbuf):
    iota = lax.iota(jnp.int32, LANES)
    erows = [iota + k * LANES for k in range(EMB // LANES)]

    def brow(b, carry):
        col = jnp.full((LANES,), b, dtype=jnp.int32)
        for k in range(EMB // LANES):
            vals = rbuf[b, pl.ds(k * LANES, LANES)]
            plsc.store_scatter(tbuf, [erows[k], col], vals)
        return carry

    lax.fori_loop(0, BPW, brow, 0, unroll=8)


@functools.partial(
    pl.kernel,
    out_type=jax.ShapeDtypeStruct((SEQ * ETILES, NW, 8, BPW), jnp.float32),
    mesh=_mesh,
    scratch_types=[
        pltpu.VMEM((BPW * SEQ,), jnp.int32),
        pltpu.VMEM((SEQ, BPW), jnp.int32),
        pltpu.VMEM((BPW, EMB), jnp.float32),
        pltpu.VMEM((BPW, EMB), jnp.float32),
        pltpu.VMEM((EMB, TPAD), jnp.float32),
        pltpu.VMEM((EMB, TPAD), jnp.float32),
        pltpu.SemaphoreType.DMA,
        pltpu.SemaphoreType.DMA,
        pltpu.SemaphoreType.DMA,
        pltpu.SemaphoreType.DMA,
    ],
    compiler_params=pltpu.CompilerParams(
        use_tc_tiling_on_sc=False,
        vmem_limit_bytes=4 * 1024 * 1024,
        needs_layout_passes=False,
    ),
)
def _embed_gather(idx_hbm, table_hbm, out_hbm, idx_stage, idx_v,
                  rbuf0, rbuf1, tbuf0, tbuf1, gsem0, gsem1, ssem0, ssem1):
    cid = lax.axis_index("c")
    sid = lax.axis_index("s")
    wid = sid * 2 + cid

    pltpu.sync_copy(idx_hbm.at[pl.ds(wid * BPW * SEQ, BPW * SEQ)], idx_stage)
    iota = lax.iota(jnp.int32, LANES)
    brows = [(iota + k * LANES) * SEQ for k in range(BPW // LANES)]

    def idx_t(s, carry):
        for k in range(BPW // LANES):
            idx_v[s, pl.ds(k * LANES, LANES)] = plsc.load_gather(
                idx_stage, [brows[k] + s]
            )
        return carry

    lax.fori_loop(0, SEQ, idx_t, 0)

    def gather(s, rbuf, gsem):
        return pltpu.make_async_copy(table_hbm.at[idx_v.at[s]], rbuf, gsem)

    def stores(s, tbuf, ssem):
        return [
            pltpu.make_async_copy(
                tbuf.at[pl.ds(et * 8, 8), pl.ds(0, BPW)],
                out_hbm.at[s * ETILES + et, wid],
                ssem,
            )
            for et in range(ETILES)
        ]

    gather(0, rbuf0, gsem0).start()

    def body(t, carry):
        s0 = 2 * t
        s1 = s0 + 1

        gather(s1, rbuf1, gsem1).start()

        @pl.when(t > 0)
        def _():
            for st in stores(s0, tbuf0, ssem0):
                st.wait()
        gather(s0, rbuf0, gsem0).wait()
        _transpose_tile(rbuf0, tbuf0)
        for st in stores(s0, tbuf0, ssem0):
            st.start()

        @pl.when(t < NPAIR - 1)
        def _():
            gather(s0 + 2, rbuf0, gsem0).start()

        @pl.when(t > 0)
        def _():
            for st in stores(s1, tbuf1, ssem1):
                st.wait()
        gather(s1, rbuf1, gsem1).wait()
        _transpose_tile(rbuf1, tbuf1)
        for st in stores(s1, tbuf1, ssem1):
            st.start()
        return carry

    lax.fori_loop(0, NPAIR, body, 0)

    for st in stores(SEQ - 2, tbuf0, ssem0):
        st.wait()
    for st in stores(SEQ - 1, tbuf1, ssem1):
        st.wait()


def kernel(inp, hidden, embed_weight):
    del hidden
    out_t = _embed_gather(inp.astype(jnp.int32).reshape(-1), embed_weight)
    out5 = out_t.reshape(SEQ, ETILES, NW, 8, BPW)
    return out5.transpose(2, 4, 0, 1, 3).reshape(BATCH, SEQ, EMB)

# --- scband reference (transcript-rebuilt; emitter-appended) ---
"""Pipeline reference for scband-embed-encoder-41223096107334 (READ-ONLY COPY).

The authoritative reference and input builder live on the scoring server;
editing this copy changes nothing except your own understanding.
"""

import jax, jax.numpy as jnp
import numpy as np

VOCAB = 1000000
EMB = 64
BATCH = 4096
SEQ = 200

def setup_inputs(seed: int = 0) -> dict:
    key = jax.random.key(seed)
    k1, k2 = jax.random.split(key)
    inp = jax.random.randint(k1, (BATCH, SEQ), 0, VOCAB, dtype=jnp.int64 if jax.config.jax_enable_x64 else jnp.int32)
    hidden = jnp.zeros((1, BATCH, EMB), dtype=jnp.float32)
    embed_weight = jax.random.uniform(k2, (VOCAB, EMB), dtype=jnp.float32, minval=-0.1, maxval=0.1)
    return {"inp": inp, "hidden": hidden, "embed_weight": embed_weight}

def reference(inp, hidden, embed_weight):
    # dropout with p=0.0 is identity; hidden is unused in forward (matches torch module)
    emb = jnp.take(embed_weight, inp, axis=0)
    return emb

if __name__ == "__main__":
    import jax
    _d = setup_inputs()
    print(jax.jit(kernel)(*tuple(_d.values())))

</pallas_src>

<mosaic_0001>
#map = affine_map<(d0, d1) -> (0)>
#map1 = affine_map<(d0, d1) -> (0, 0)>
#map2 = affine_map<(d0, d1) -> (0, 0, 0, 0)>
module attributes {stable_mosaic.version = 14 : i64} {
  func.func @_embed_gather(%arg0: i32, %arg1: i32, %arg2: memref<819200xi32, #tpu.memory_space<hbm>>, %arg3: memref<1000000x64xf32, #tpu.memory_space<hbm>>, %arg4: memref<1600x32x8x128xf32, #tpu.memory_space<hbm>>, %arg5: memref<25600xi32, #tpu.memory_space<vmem>>, %arg6: memref<200x128xi32, #tpu.memory_space<vmem>>, %arg7: memref<128x64xf32, #tpu.memory_space<vmem>>, %arg8: memref<128x64xf32, #tpu.memory_space<vmem>>, %arg9: memref<64x129xf32, #tpu.memory_space<vmem>>, %arg10: memref<64x129xf32, #tpu.memory_space<vmem>>, %arg11: memref<!tpu.dma_semaphore, #tpu.memory_space<semaphore_mem>>, %arg12: memref<!tpu.dma_semaphore, #tpu.memory_space<semaphore_mem>>, %arg13: memref<!tpu.dma_semaphore, #tpu.memory_space<semaphore_mem>>, %arg14: memref<!tpu.dma_semaphore, #tpu.memory_space<semaphore_mem>>) attributes {dimension_semantics = [#tpu.dimension_semantics<core_parallel>, #tpu.dimension_semantics<subcore_parallel>], iteration_bounds = array<i64: 2, 16>, scalar_prefetch = 0 : i64, scratch_operands = 10 : i64, tpu.core_type = #tpu.core_type<sc_vector_subcore>, window_params = [{transform_indices = #map}, {transform_indices = #map1}, {transform_indices = #map2}]} {
    %mul3A = arith.constant 2 : i32
    %mul3A_0 = arith.muli %arg1, %mul3A : i32
    %add3A = arith.addi %mul3A_0, %arg0 : i32
    %mul3A_1 = arith.constant 128 : i32
    %mul3A_2 = arith.muli %add3A, %mul3A_1 : i32
    %mul3A_3 = arith.constant 200 : i32
    %mul3A_4 = arith.muli %mul3A_2, %mul3A_3 : i32
    "tpu.region"() ({
      %run_scoped3A = tpu.sem_alloc : memref<!tpu.dma_semaphore, #tpu.memory_space<semaphore_mem>>
      %dma_start3A_309 = tpu.memref_slice %arg2[%mul3A_4] : memref<819200xi32, #tpu.memory_space<hbm>> -> memref<25600xi32, #tpu.memory_space<hbm>>
      %dma_start3A_310 = tpu.memref_slice %arg2[%mul3A_4] : memref<819200xi32, #tpu.memory_space<hbm>> -> memref<25600xi32, #tpu.memory_space<hbm>>
      tpu.enqueue_dma source(%dma_start3A_310 : memref<25600xi32, #tpu.memory_space<hbm>>) target(%arg5 : memref<25600xi32, #tpu.memory_space<vmem>>) target_semaphore(%run_scoped3A : memref<!tpu.dma_semaphore, #tpu.memory_space<semaphore_mem>>)
      %dma_wait3A_311 = tpu.memref_slice %arg2[%mul3A_4] : memref<819200xi32, #tpu.memory_space<hbm>> -> memref<25600xi32, #tpu.memory_space<hbm>>
      %dma_wait3A_312 = tpu.memref_slice %arg2[%mul3A_4] : memref<819200xi32, #tpu.memory_space<hbm>> -> memref<25600xi32, #tpu.memory_space<hbm>>
      tpu.wait_dma2 semaphore(%run_scoped3A : memref<!tpu.dma_semaphore, #tpu.memory_space<semaphore_mem>>) src(%dma_wait3A_312 : memref<25600xi32, #tpu.memory_space<hbm>>) dst(%arg5 : memref<25600xi32, #tpu.memory_space<vmem>>)
      tpu.yield
    }) : () -> ()
    %iota3A = tpu.iota {dimensions = array<i32: 0>} : vector<16xi32>
    %add3A_5 = arith.constant 0 : i32
    %add3A_6 = vector.broadcast %add3A_5 : i32 to vector<16xi32>
    %add3A_7 = arith.addi %iota3A, %add3A_6 : vector<16xi32>
    %mul3A_8 = arith.constant 200 : i32
    %mul3A_9 = vector.broadcast %mul3A_8 : i32 to vector<16xi32>
    %mul3A_10 = arith.muli %add3A_7, %mul3A_9 : vector<16xi32>
    %add3A_11 = arith.constant 16 : i32
    %add3A_12 = vector.broadcast %add3A_11 : i32 to vector<16xi32>
    %add3A_13 = arith.addi %iota3A, %add3A_12 : vector<16xi32>
    %mul3A_14 = arith.constant 200 : i32
    %mul3A_15 = vector.broadcast %mul3A_14 : i32 to vector<16xi32>
    %mul3A_16 = arith.muli %add3A_13, %mul3A_15 : vector<16xi32>
    %add3A_17 = arith.constant 32 : i32
    %add3A_18 = vector.broadcast %add3A_17 : i32 to vector<16xi32>
    %add3A_19 = arith.addi %iota3A, %add3A_18 : vector<16xi32>
    %mul3A_20 = arith.constant 200 : i32
    %mul3A_21 = vector.broadcast %mul3A_20 : i32 to vector<16xi32>
    %mul3A_22 = arith.muli %add3A_19, %mul3A_21 : vector<16xi32>
    %add3A_23 = arith.constant 48 : i32
    %add3A_24 = vector.broadcast %add3A_23 : i32 to vector<16xi32>
    %add3A_25 = arith.addi %iota3A, %add3A_24 : vector<16xi32>
    %mul3A_26 = arith.constant 200 : i32
    %mul3A_27 = vector.broadcast %mul3A_26 : i32 to vector<16xi32>
    %mul3A_28 = arith.muli %add3A_25, %mul3A_27 : vector<16xi32>
    %add3A_29 = arith.constant 64 : i32
    %add3A_30 = vector.broadcast %add3A_29 : i32 to vector<16xi32>
    %add3A_31 = arith.addi %iota3A, %add3A_30 : vector<16xi32>
    %mul3A_32 = arith.constant 200 : i32
    %mul3A_33 = vector.broadcast %mul3A_32 : i32 to vector<16xi32>
    %mul3A_34 = arith.muli %add3A_31, %mul3A_33 : vector<16xi32>
    %add3A_35 = arith.constant 80 : i32
    %add3A_36 = vector.broadcast %add3A_35 : i32 to vector<16xi32>
    %add3A_37 = arith.addi %iota3A, %add3A_36 : vector<16xi32>
    %mul3A_38 = arith.constant 200 : i32
    %mul3A_39 = vector.broadcast %mul3A_38 : i32 to vector<16xi32>
    %mul3A_40 = arith.muli %add3A_37, %mul3A_39 : vector<16xi32>
    %add3A_41 = arith.constant 96 : i32
    %add3A_42 = vector.broadcast %add3A_41 : i32 to vector<16xi32>
    %add3A_43 = arith.addi %iota3A, %add3A_42 : vector<16xi32>
    %mul3A_44 = arith.constant 200 : i32
    %mul3A_45 = vector.broadcast %mul3A_44 : i32 to vector<16xi32>
    %mul3A_46 = arith.muli %add3A_43, %mul3A_45 : vector<16xi32>
    %add3A_47 = arith.constant 112 : i32
    %add3A_48 = vector.broadcast %add3A_47 : i32 to vector<16xi32>
    %add3A_49 = arith.addi %iota3A, %add3A_48 : vector<16xi32>
    %mul3A_50 = arith.constant 200 : i32
    %mul3A_51 = vector.broadcast %mul3A_50 : i32 to vector<16xi32>
    %mul3A_52 = arith.muli %add3A_49, %mul3A_51 : vector<16xi32>
    %scan3A = arith.constant 0 : i32
    %scan3A_53 = arith.constant 0 : i32
    %scan3A_54 = arith.constant 200 : i32
    %scan3A_55 = arith.addi %scan3A_53, %scan3A_54 : i32
    %scan3A_56 = arith.constant 1 : i32
    scf.for %scan3A_309 = %scan3A_53 to %scan3A_55 step %scan3A_56  : i32 {
      %add3A_310 = vector.broadcast %scan3A_309 : i32 to vector<16xi32>
      %add3A_311 = arith.addi %mul3A_10, %add3A_310 : vector<16xi32>
      %gather3A = tpu.vector_load_idx %arg5[%add3A_311] : memref<25600xi32, #tpu.memory_space<vmem>>[vector<16xi32>], vector<16xi32>,
      %swap3A = arith.index_cast %scan3A_309 : i32 to index
      %swap3A_312 = arith.constant 0 : index
      %swap3A_313 = tpu.vector_load %arg6[%swap3A, %swap3A_312] {strides = array<i32>} : memref<200x128xi32, #tpu.memory_space<vmem>>, vector<16xi32>,
      tpu.vector_store %arg6[%swap3A, %swap3A_312], %gather3A {strides = array<i32>} : memref<200x128xi32, #tpu.memory_space<vmem>>, vector<16xi32>,
      %add3A_314 = vector.broadcast %scan3A_309 : i32 to vector<16xi32>
      %add3A_315 = arith.addi %mul3A_16, %add3A_314 : vector<16xi32>
      %gather3A_316 = tpu.vector_load_idx %arg5[%add3A_315] : memref<25600xi32, #tpu.memory_space<vmem>>[vector<16xi32>], vector<16xi32>,
      %swap3A_317 = arith.index_cast %scan3A_309 : i32 to index
      %swap3A_318 = arith.constant 16 : index
      %swap3A_319 = tpu.vector_load %arg6[%swap3A_317, %swap3A_318] {strides = array<i32>} : memref<200x128xi32, #tpu.memory_space<vmem>>, vector<16xi32>,
      tpu.vector_store %arg6[%swap3A_317, %swap3A_318], %gather3A_316 {strides = array<i32>} : memref<200x128xi32, #tpu.memory_space<vmem>>, vector<16xi32>,
      %add3A_320 = vector.broadcast %scan3A_309 : i32 to vector<16xi32>
      %add3A_321 = arith.addi %mul3A_22, %add3A_320 : vector<16xi32>
      %gather3A_322 = tpu.vector_load_idx %arg5[%add3A_321] : memref<25600xi32, #tpu.memory_space<vmem>>[vector<16xi32>], vector<16xi32>,
      %swap3A_323 = arith.index_cast %scan3A_309 : i32 to index
      %swap3A_324 = arith.constant 32 : index
      %swap3A_325 = tpu.vector_load %arg6[%swap3A_323, %swap3A_324] {strides = array<i32>} : memref<200x128xi32, #tpu.memory_space<vmem>>, vector<16xi32>,
      tpu.vector_store %arg6[%swap3A_323, %swap3A_324], %gather3A_322 {strides = array<i32>} : memref<200x128xi32, #tpu.memory_space<vmem>>, vector<16xi32>,
      %add3A_326 = vector.broadcast %scan3A_309 : i32 to vector<16xi32>
      %add3A_327 = arith.addi %mul3A_28, %add3A_326 : vector<16xi32>
      %gather3A_328 = tpu.vector_load_idx %arg5[%add3A_327] : memref<25600xi32, #tpu.memory_space<vmem>>[vector<16xi32>], vector<16xi32>,
      %swap3A_329 = arith.index_cast %scan3A_309 : i32 to index
      %swap3A_330 = arith.constant 48 : index
      %swap3A_331 = tpu.vector_load %arg6[%swap3A_329, %swap3A_330] {strides = array<i32>} : memref<200x128xi32, #tpu.memory_space<vmem>>, vector<16xi32>,
      tpu.vector_store %arg6[%swap3A_329, %swap3A_330], %gather3A_328 {strides = array<i32>} : memref<200x128xi32, #tpu.memory_space<vmem>>, vector<16xi32>,
      %add3A_332 = vector.broadcast %scan3A_309 : i32 to vector<16xi32>
      %add3A_333 = arith.addi %mul3A_34, %add3A_332 : vector<16xi32>
      %gather3A_334 = tpu.vector_load_idx %arg5[%add3A_333] : memref<25600xi32, #tpu.memory_space<vmem>>[vector<16xi32>], vector<16xi32>,
      %swap3A_335 = arith.index_cast %scan3A_309 : i32 to index
      %swap3A_336 = arith.constant 64 : index
      %swap3A_337 = tpu.vector_load %arg6[%swap3A_335, %swap3A_336] {strides = array<i32>} : memref<200x128xi32, #tpu.memory_space<vmem>>, vector<16xi32>,
      tpu.vector_store %arg6[%swap3A_335, %swap3A_336], %gather3A_334 {strides = array<i32>} : memref<200x128xi32, #tpu.memory_space<vmem>>, vector<16xi32>,
      %add3A_338 = vector.broadcast %scan3A_309 : i32 to vector<16xi32>
      %add3A_339 = arith.addi %mul3A_40, %add3A_338 : vector<16xi32>
      %gather3A_340 = tpu.vector_load_idx %arg5[%add3A_339] : memref<25600xi32, #tpu.memory_space<vmem>>[vector<16xi32>], vector<16xi32>,
      %swap3A_341 = arith.index_cast %scan3A_309 : i32 to index
      %swap3A_342 = arith.constant 80 : index
      %swap3A_343 = tpu.vector_load %arg6[%swap3A_341, %swap3A_342] {strides = array<i32>} : memref<200x128xi32, #tpu.memory_space<vmem>>, vector<16xi32>,
      tpu.vector_store %arg6[%swap3A_341, %swap3A_342], %gather3A_340 {strides = array<i32>} : memref<200x128xi32, #tpu.memory_space<vmem>>, vector<16xi32>,
      %add3A_344 = vector.broadcast %scan3A_309 : i32 to vector<16xi32>
      %add3A_345 = arith.addi %mul3A_46, %add3A_344 : vector<16xi32>
      %gather3A_346 = tpu.vector_load_idx %arg5[%add3A_345] : memref<25600xi32, #tpu.memory_space<vmem>>[vector<16xi32>], vector<16xi32>,
      %swap3A_347 = arith.index_cast %scan3A_309 : i32 to index
      %swap3A_348 = arith.constant 96 : index
      %swap3A_349 = tpu.vector_load %arg6[%swap3A_347, %swap3A_348] {strides = array<i32>} : memref<200x128xi32, #tpu.memory_space<vmem>>, vector<16xi32>,
      tpu.vector_store %arg6[%swap3A_347, %swap3A_348], %gather3A_346 {strides = array<i32>} : memref<200x128xi32, #tpu.memory_space<vmem>>, vector<16xi32>,
      %add3A_350 = vector.broadcast %scan3A_309 : i32 to vector<16xi32>
      %add3A_351 = arith.addi %mul3A_52, %add3A_350 : vector<16xi32>
      %gather3A_352 = tpu.vector_load_idx %arg5[%add3A_351] : memref<25600xi32, #tpu.memory_space<vmem>>[vector<16xi32>], vector<16xi32>,
      %swap3A_353 = arith.index_cast %scan3A_309 : i32 to index
      %swap3A_354 = arith.constant 112 : index
      %swap3A_355 = tpu.vector_load %arg6[%swap3A_353, %swap3A_354] {strides = array<i32>} : memref<200x128xi32, #tpu.memory_space<vmem>>, vector<16xi32>,
      tpu.vector_store %arg6[%swap3A_353, %swap3A_354], %gather3A_352 {strides = array<i32>} : memref<200x128xi32, #tpu.memory_space<vmem>>, vector<16xi32>,
    }
    %scan3A_57 = arith.constant 200 : i32
    %dma_start3A = arith.constant 0 : i32
    %dma_start3A_58 = arith.constant 0 : i32
    %dma_start3A_59 = tpu.memref_slice %arg6[%dma_start3A, %dma_start3A_58] : memref<200x128xi32, #tpu.memory_space<vmem>> -> memref<1x128xi32, #tpu.memory_space<vmem>>
    %dma_start3A_60 = tpu.memref_squeeze %dma_start3A_59 : memref<1x128xi32, #tpu.memory_space<vmem>> -> memref<128xi32, #tpu.memory_space<vmem>>
    %dma_start3A_61 = arith.constant 0 : i32
    %dma_start3A_62 = arith.constant 0 : i32
    %dma_start3A_63 = tpu.memref_slice %arg3[%dma_start3A_61, %dma_start3A_62] : memref<1000000x64xf32, #tpu.memory_space<hbm>> -> memref<1000000x64xf32, #tpu.memory_space<hbm>>
    tpu.enqueue_indirect_dma source(%dma_start3A_63 : memref<1000000x64xf32, #tpu.memory_space<hbm>>) target(%arg7 : memref<128x64xf32, #tpu.memory_space<vmem>>) offsets(%dma_start3A_60 : memref<128xi32, #tpu.memory_space<vmem>>) semaphore(%arg11 : memref<!tpu.dma_semaphore, #tpu.memory_space<semaphore_mem>>)
    %scan3A_64 = arith.constant 0 : i32
    %scan3A_65 = arith.constant 0 : i32
    %scan3A_66 = arith.constant 100 : i32
    %scan3A_67 = arith.addi %scan3A_65, %scan3A_66 : i32
    %scan3A_68 = arith.constant 1 : i32
    scf.for %scan3A_309 = %scan3A_65 to %scan3A_67 step %scan3A_68  : i32 {
      %mul3A_310 = arith.constant 2 : i32
      %mul3A_311 = arith.muli %mul3A_310, %scan3A_309 : i32
      %add3A_312 = arith.constant 1 : i32
      %add3A_313 = arith.addi %mul3A_311, %add3A_312 : i32
      %dma_start3A_314 = arith.constant 0 : i32
      %dma_start3A_315 = tpu.memref_slice %arg6[%add3A_313, %dma_start3A_314] : memref<200x128xi32, #tpu.memory_space<vmem>> -> memref<1x128xi32, #tpu.memory_space<vmem>>
      %dma_start3A_316 = tpu.memref_squeeze %dma_start3A_315 : memref<1x128xi32, #tpu.memory_space<vmem>> -> memref<128xi32, #tpu.memory_space<vmem>>
      %dma_start3A_317 = arith.constant 0 : i32
      %dma_start3A_318 = arith.constant 0 : i32
      %dma_start3A_319 = tpu.memref_slice %arg3[%dma_start3A_317, %dma_start3A_318] : memref<1000000x64xf32, #tpu.memory_space<hbm>> -> memref<1000000x64xf32, #tpu.memory_space<hbm>>
      tpu.enqueue_indirect_dma source(%dma_start3A_319 : memref<1000000x64xf32, #tpu.memory_space<hbm>>) target(%arg8 : memref<128x64xf32, #tpu.memory_space<vmem>>) offsets(%dma_start3A_316 : memref<128xi32, #tpu.memory_space<vmem>>) semaphore(%arg12 : memref<!tpu.dma_semaphore, #tpu.memory_space<semaphore_mem>>)
      %gt3A = arith.constant 0 : i32
      %gt3A_320 = arith.cmpi sgt, %scan3A_309, %gt3A : i32
      %convert_element_type3A = arith.extui %gt3A_320 : i1 to i32
      %cond3A = arith.constant 0 : i32
      %cond3A_321 = arith.cmpi ne, %convert_element_type3A, %cond3A : i32
      scf.if %cond3A_321 {
        %mul3A_669 = arith.constant 8 : i32
        %mul3A_670 = arith.muli %mul3A_311, %mul3A_669 : i32
        %add3A_671 = arith.constant 0 : i32
        %add3A_672 = arith.addi %mul3A_670, %add3A_671 : i32
        %mul3A_673 = arith.constant 8 : i32
        %mul3A_674 = arith.muli %mul3A_311, %mul3A_673 : i32
        %add3A_675 = arith.constant 1 : i32
        %add3A_676 = arith.addi %mul3A_674, %add3A_675 : i32
        %mul3A_677 = arith.constant 8 : i32
        %mul3A_678 = arith.muli %mul3A_311, %mul3A_677 : i32
        %add3A_679 = arith.constant 2 : i32
        %add3A_680 = arith.addi %mul3A_678, %add3A_679 : i32
        %mul3A_681 = arith.constant 8 : i32
        %mul3A_682 = arith.muli %mul3A_311, %mul3A_681 : i32
        %add3A_683 = arith.constant 3 : i32
        %add3A_684 = arith.addi %mul3A_682, %add3A_683 : i32
        %mul3A_685 = arith.constant 8 : i32
        %mul3A_686 = arith.muli %mul3A_311, %mul3A_685 : i32
        %add3A_687 = arith.constant 4 : i32
        %add3A_688 = arith.addi %mul3A_686, %add3A_687 : i32
        %mul3A_689 = arith.constant 8 : i32
        %mul3A_690 = arith.muli %mul3A_311, %mul3A_689 : i32
        %add3A_691 = arith.constant 5 : i32
        %add3A_692 = arith.addi %mul3A_690, %add3A_691 : i32
        %mul3A_693 = arith.constant 8 : i32
        %mul3A_694 = arith.muli %mul3A_311, %mul3A_693 : i32
        %add3A_695 = arith.constant 6 : i32
        %add3A_696 = arith.addi %mul3A_694, %add3A_695 : i32
        %mul3A_697 = arith.constant 8 : i32
        %mul3A_698 = arith.muli %mul3A_311, %mul3A_697 : i32
        %add3A_699 = arith.constant 7 : i32
        %add3A_700 = arith.addi %mul3A_698, %add3A_699 : i32
        %dma_wait3A_701 = arith.constant 0 : i32
        %dma_wait3A_702 = arith.constant 0 : i32
        %dma_wait3A_703 = tpu.memref_slice %arg9[%dma_wait3A_701, %dma_wait3A_702] : memref<64x129xf32, #tpu.memory_space<vmem>> -> memref<8x128xf32, #tpu.memory_space<vmem>>
        %dma_wait3A_704 = arith.constant 0 : i32
        %dma_wait3A_705 = arith.constant 0 : i32
        %dma_wait3A_706 = tpu.memref_slice %arg4[%add3A_672, %add3A, %dma_wait3A_704, %dma_wait3A_705] : memref<1600x32x8x128xf32, #tpu.memory_space<hbm>> -> memref<1x1x8x128xf32, #tpu.memory_space<hbm>>
        %dma_wait3A_707 = tpu.memref_squeeze %dma_wait3A_706 : memref<1x1x8x128xf32, #tpu.memory_space<hbm>> -> memref<8x128xf32, #tpu.memory_space<hbm>>
        %dma_wait3A_708 = arith.constant 0 : i32
        %dma_wait3A_709 = arith.constant 0 : i32
        %dma_wait3A_710 = tpu.memref_slice %arg4[%add3A_672, %add3A, %dma_wait3A_708, %dma_wait3A_709] : memref<1600x32x8x128xf32, #tpu.memory_space<hbm>> -> memref<1x1x8x128xf32, #tpu.memory_space<hbm>>
        %dma_wait3A_711 = tpu.memref_squeeze %dma_wait3A_710 : memref<1x1x8x128xf32, #tpu.memory_space<hbm>> -> memref<8x128xf32, #tpu.memory_space<hbm>>
        %dma_wait3A_712 = arith.constant 0 : i32
        %dma_wait3A_713 = arith.constant 0 : i32
        %dma_wait3A_714 = tpu.memref_slice %arg9[%dma_wait3A_712, %dma_wait3A_713] : memref<64x129xf32, #tpu.memory_space<vmem>> -> memref<8x128xf32, #tpu.memory_space<vmem>>
        tpu.wait_dma2 semaphore(%arg13 : memref<!tpu.dma_semaphore, #tpu.memory_space<semaphore_mem>>) src(%dma_wait3A_714 : memref<8x128xf32, #tpu.memory_space<vmem>>) dst(%dma_wait3A_711 : memref<8x128xf32, #tpu.memory_space<hbm>>)
        %dma_wait3A_715 = arith.constant 8 : i32
        %dma_wait3A_716 = arith.constant 0 : i32
        %dma_wait3A_717 = tpu.memref_slice %arg9[%dma_wait3A_715, %dma_wait3A_716] : memref<64x129xf32, #tpu.memory_space<vmem>> -> memref<8x128xf32, #tpu.memory_space<vmem>>
        %dma_wait3A_718 = arith.constant 0 : i32
        %dma_wait3A_719 = arith.constant 0 : i32
        %dma_wait3A_720 = tpu.memref_slice %arg4[%add3A_676, %add3A, %dma_wait3A_718, %dma_wait3A_719] : memref<1600x32x8x128xf32, #tpu.memory_space<hbm>> -> memref<1x1x8x128xf32, #tpu.memory_space<hbm>>
        %dma_wait3A_721 = tpu.memref_squeeze %dma_wait3A_720 : memref<1x1x8x128xf32, #tpu.memory_space<hbm>> -> memref<8x128xf32, #tpu.memory_space<hbm>>
        %dma_wait3A_722 = arith.constant 0 : i32
        %dma_wait3A_723 = arith.constant 0 : i32
        %dma_wait3A_724 = tpu.memref_slice %arg4[%add3A_676, %add3A, %dma_wait3A_722, %dma_wait3A_723] : memref<1600x32x8x128xf32, #tpu.memory_space<hbm>> -> memref<1x1x8x128xf32, #tpu.memory_space<hbm>>
        %dma_wait3A_725 = tpu.memref_squeeze %dma_wait3A_724 : memref<1x1x8x128xf32, #tpu.memory_space<hbm>> -> memref<8x128xf32, #tpu.memory_space<hbm>>
        %dma_wait3A_726 = arith.constant 8 : i32
        %dma_wait3A_727 = arith.constant 0 : i32
        %dma_wait3A_728 = tpu.memref_slice %arg9[%dma_wait3A_726, %dma_wait3A_727] : memref<64x129xf32, #tpu.memory_space<vmem>> -> memref<8x128xf32, #tpu.memory_space<vmem>>
        tpu.wait_dma2 semaphore(%arg13 : memref<!tpu.dma_semaphore, #tpu.memory_space<semaphore_mem>>) src(%dma_wait3A_728 : memref<8x128xf32, #tpu.memory_space<vmem>>) dst(%dma_wait3A_725 : memref<8x128xf32, #tpu.memory_space<hbm>>)
        %dma_wait3A_729 = arith.constant 16 : i32
        %dma_wait3A_730 = arith.constant 0 : i32
        %dma_wait3A_731 = tpu.memref_slice %arg9[%dma_wait3A_729, %dma_wait3A_730] : memref<64x129xf32, #tpu.memory_space<vmem>> -> memref<8x128xf32, #tpu.memory_space<vmem>>
        %dma_wait3A_732 = arith.constant 0 : i32
        %dma_wait3A_733 = arith.constant 0 : i32
        %dma_wait3A_734 = tpu.memref_slice %arg4[%add3A_680, %add3A, %dma_wait3A_732, %dma_wait3A_733] : memref<1600x32x8x128xf32, #tpu.memory_space<hbm>> -> memref<1x1x8x128xf32, #tpu.memory_space<hbm>>
        %dma_wait3A_735 = tpu.memref_squeeze %dma_wait3A_734 : memref<1x1x8x128xf32, #tpu.memory_space<hbm>> -> memref<8x128xf32, #tpu.memory_space<hbm>>
        %dma_wait3A_736 = arith.constant 0 : i32
        %dma_wait3A_737 = arith.constant 0 : i32
        %dma_wait3A_738 = tpu.memref_slice %arg4[%add3A_680, %add3A, %dma_wait3A_736, %dma_wait3A_737] : memref<1600x32x8x128xf32, #tpu.memory_space<hbm>> -> memref<1x1x8x128xf32, #tpu.memory_space<hbm>>
        %dma_wait3A_739 = tpu.memref_squeeze %dma_wait3A_738 : memref<1x1x8x128xf32, #tpu.memory_space<hbm>> -> memref<8x128xf32, #tpu.memory_space<hbm>>
        %dma_wait3A_740 = arith.constant 16 : i32
        %dma_wait3A_741 = arith.constant 0 : i32
        %dma_wait3A_742 = tpu.memref_slice %arg9[%dma_wait3A_740, %dma_wait3A_741] : memref<64x129xf32, #tpu.memory_space<vmem>> -> memref<8x128xf32, #tpu.memory_space<vmem>>
        tpu.wait_dma2 semaphore(%arg13 : memref<!tpu.dma_semaphore, #tpu.memory_space<semaphore_mem>>) src(%dma_wait3A_742 : memref<8x128xf32, #tpu.memory_space<vmem>>) dst(%dma_wait3A_739 : memref<8x128xf32, #tpu.memory_space<hbm>>)
        %dma_wait3A_743 = arith.constant 24 : i32
        %dma_wait3A_744 = arith.constant 0 : i32
        %dma_wait3A_745 = tpu.memref_slice %arg9[%dma_wait3A_743, %dma_wait3A_744] : memref<64x129xf32, #tpu.memory_space<vmem>> -> memref<8x128xf32, #tpu.memory_space<vmem>>
        %dma_wait3A_746 = arith.constant 0 : i32
        %dma_wait3A_747 = arith.constant 0 : i32
        %dma_wait3A_748 = tpu.memref_slice %arg4[%add3A_684, %add3A, %dma_wait3A_746, %dma_wait3A_747] : memref<1600x32x8x128xf32, #tpu.memory_space<hbm>> -> memref<1x1x8x128xf32, #tpu.memory_space<hbm>>
        %dma_wait3A_749 = tpu.memref_squeeze %dma_wait3A_748 : memref<1x1x8x128xf32, #tpu.memory_space<hbm>> -> memref<8x128xf32, #tpu.memory_space<hbm>>
        %dma_wait3A_750 = arith.constant 0 : i32
        %dma_wait3A_751 = arith.constant 0 : i32
        %dma_wait3A_752 = tpu.memref_slice %arg4[%add3A_684, %add3A, %dma_wait3A_750, %dma_wait3A_751] : memref<1600x32x8x128xf32, #tpu.memory_space<hbm>> -> memref<1x1x8x128xf32, #tpu.memory_space<hbm>>
        %dma_wait3A_753 = tpu.memref_squeeze %dma_wait3A_752 : memref<1x1x8x128xf32, #tpu.memory_space<hbm>> -> memref<8x128xf32, #tpu.memory_space<hbm>>
        %dma_wait3A_754 = arith.constant 24 : i32
        %dma_wait3A_755 = arith.constant 0 : i32
        %dma_wait3A_756 = tpu.memref_slice %arg9[%dma_wait3A_754, %dma_wait3A_755] : memref<64x129xf32, #tpu.memory_space<vmem>> -> memref<8x128xf32, #tpu.memory_space<vmem>>
        tpu.wait_dma2 semaphore(%arg13 : memref<!tpu.dma_semaphore, #tpu.memory_space<semaphore_mem>>) src(%dma_wait3A_756 : memref<8x128xf32, #tpu.memory_space<vmem>>) dst(%dma_wait3A_753 : memref<8x128xf32, #tpu.memory_space<hbm>>)
        %dma_wait3A_757 = arith.constant 32 : i32
        %dma_wait3A_758 = arith.constant 0 : i32
        %dma_wait3A_759 = tpu.memref_slice %arg9[%dma_wait3A_757, %dma_wait3A_758] : memref<64x129xf32, #tpu.memory_space<vmem>> -> memref<8x128xf32, #tpu.memory_space<vmem>>
        %dma_wait3A_760 = arith.constant 0 : i32
        %dma_wait3A_761 = arith.constant 0 : i32
        %dma_wait3A_762 = tpu.memref_slice %arg4[%add3A_688, %add3A, %dma_wait3A_760, %dma_wait3A_761] : memref<1600x32x8x128xf32, #tpu.memory_space<hbm>> -> memref<1x1x8x128xf32, #tpu.memory_space<hbm>>
        %dma_wait3A_763 = tpu.memref_squeeze %dma_wait3A_762 : memref<1x1x8x128xf32, #tpu.memory_space<hbm>> -> memref<8x128xf32, #tpu.memory_space<hbm>>
        %dma_wait3A_764 = arith.constant 0 : i32
        %dma_wait3A_765 = arith.constant 0 : i32
        %dma_wait3A_766 = tpu.memref_slice %arg4[%add3A_688, %add3A, %dma_wait3A_764, %dma_wait3A_765] : memref<1600x32x8x128xf32, #tpu.memory_space<hbm>> -> memref<1x1x8x128xf32, #tpu.memory_space<hbm>>
        %dma_wait3A_767 = tpu.memref_squeeze %dma_wait3A_766 : memref<1x1x8x128xf32, #tpu.memory_space<hbm>> -> memref<8x128xf32, #tpu.memory_space<hbm>>
        %dma_wait3A_768 = arith.constant 32 : i32
        %dma_wait3A_769 = arith.constant 0 : i32
        %dma_wait3A_770 = tpu.memref_slice %arg9[%dma_wait3A_768, %dma_wait3A_769] : memref<64x129xf32, #tpu.memory_space<vmem>> -> memref<8x128xf32, #tpu.memory_space<vmem>>
        tpu.wait_dma2 semaphore(%arg13 : memref<!tpu.dma_semaphore, #tpu.memory_space<semaphore_mem>>) src(%dma_wait3A_770 : memref<8x128xf32, #tpu.memory_space<vmem>>) dst(%dma_wait3A_767 : memref<8x128xf32, #tpu.memory_space<hbm>>)
        %dma_wait3A_771 = arith.constant 40 : i32
        %dma_wait3A_772 = arith.constant 0 : i32
        %dma_wait3A_773 = tpu.memref_slice %arg9[%dma_wait3A_771, %dma_wait3A_772] : memref<64x129xf32, #tpu.memory_space<vmem>> -> memref<8x128xf32, #tpu.memory_space<vmem>>
        %dma_wait3A_774 = arith.constant 0 : i32
        %dma_wait3A_775 = arith.constant 0 : i32
        %dma_wait3A_776 = tpu.memref_slice %arg4[%add3A_692, %add3A, %dma_wait3A_774, %dma_wait3A_775] : memref<1600x32x8x128xf32, #tpu.memory_space<hbm>> -> memref<1x1x8x128xf32, #tpu.memory_space<hbm>>
        %dma_wait3A_777 = tpu.memref_squeeze %dma_wait3A_776 : memref<1x1x8x128xf32, #tpu.memory_space<hbm>> -> memref<8x128xf32, #tpu.memory_space<hbm>>
        %dma_wait3A_778 = arith.constant 0 : i32
        %dma_wait3A_779 = arith.constant 0 : i32
        %dma_wait3A_780 = tpu.memref_slice %arg4[%add3A_692, %add3A, %dma_wait3A_778, %dma_wait3A_779] : memref<1600x32x8x128xf32, #tpu.memory_space<hbm>> -> memref<1x1x8x128xf32, #tpu.memory_space<hbm>>
        %dma_wait3A_781 = tpu.memref_squeeze %dma_wait3A_780 : memref<1x1x8x128xf32, #tpu.memory_space<hbm>> -> memref<8x128xf32, #tpu.memory_space<hbm>>
        %dma_wait3A_782 = arith.constant 40 : i32
        %dma_wait3A_783 = arith.constant 0 : i32
        %dma_wait3A_784 = tpu.memref_slice %arg9[%dma_wait3A_782, %dma_wait3A_783] : memref<64x129xf32, #tpu.memory_space<vmem>> -> memref<8x128xf32, #tpu.memory_space<vmem>>
        tpu.wait_dma2 semaphore(%arg13 : memref<!tpu.dma_semaphore, #tpu.memory_space<semaphore_mem>>) src(%dma_wait3A_784 : memref<8x128xf32, #tpu.memory_space<vmem>>) dst(%dma_wait3A_781 : memref<8x128xf32, #tpu.memory_space<hbm>>)
        %dma_wait3A_785 = arith.constant 48 : i32
        %dma_wait3A_786 = arith.constant 0 : i32
        %dma_wait3A_787 = tpu.memref_slice %arg9[%dma_wait3A_785, %dma_wait3A_786] : memref<64x129xf32, #tpu.memory_space<vmem>> -> memref<8x128xf32, #tpu.memory_space<vmem>>
        %dma_wait3A_788 = arith.constant 0 : i32
        %dma_wait3A_789 = arith.constant 0 : i32
        %dma_wait3A_790 = tpu.memref_slice %arg4[%add3A_696, %add3A, %dma_wait3A_788, %dma_wait3A_789] : memref<1600x32x8x128xf32, #tpu.memory_space<hbm>> -> memref<1x1x8x128xf32, #tpu.memory_space<hbm>>
        %dma_wait3A_791 = tpu.memref_squeeze %dma_wait3A_790 : memref<1x1x8x128xf32, #tpu.memory_space<hbm>> -> memref<8x128xf32, #tpu.memory_space<hbm>>
        %dma_wait3A_792 = arith.constant 0 : i32
        %dma_wait3A_793 = arith.constant 0 : i32
        %dma_wait3A_794 = tpu.memref_slice %arg4[%add3A_696, %add3A, %dma_wait3A_792, %dma_wait3A_793] : memref<1600x32x8x128xf32, #tpu.memory_space<hbm>> -> memref<1x1x8x128xf32, #tpu.memory_space<hbm>>
        %dma_wait3A_795 = tpu.memref_squeeze %dma_wait3A_794 : memref<1x1x8x128xf32, #tpu.memory_space<hbm>> -> memref<8x128xf32, #tpu.memory_space<hbm>>
        %dma_wait3A_796 = arith.constant 48 : i32
        %dma_wait3A_797 = arith.constant 0 : i32
        %dma_wait3A_798 = tpu.memref_slice %arg9[%dma_wait3A_796, %dma_wait3A_797] : memref<64x129xf32, #tpu.memory_space<vmem>> -> memref<8x128xf32, #tpu.memory_space<vmem>>
        tpu.wait_dma2 semaphore(%arg13 : memref<!tpu.dma_semaphore, #tpu.memory_space<semaphore_mem>>) src(%dma_wait3A_798 : memref<8x128xf32, #tpu.memory_space<vmem>>) dst(%dma_wait3A_795 : memref<8x128xf32, #tpu.memory_space<hbm>>)
        %dma_wait3A_799 = arith.constant 56 : i32
        %dma_wait3A_800 = arith.constant 0 : i32
        %dma_wait3A_801 = tpu.memref_slice %arg9[%dma_wait3A_799, %dma_wait3A_800] : memref<64x129xf32, #tpu.memory_space<vmem>> -> memref<8x128xf32, #tpu.memory_space<vmem>>
        %dma_wait3A_802 = arith.constant 0 : i32
        %dma_wait3A_803 = arith.constant 0 : i32
        %dma_wait3A_804 = tpu.memref_slice %arg4[%add3A_700, %add3A, %dma_wait3A_802, %dma_wait3A_803] : memref<1600x32x8x128xf32, #tpu.memory_space<hbm>> -> memref<1x1x8x128xf32, #tpu.memory_space<hbm>>
        %dma_wait3A_805 = tpu.memref_squeeze %dma_wait3A_804 : memref<1x1x8x128xf32, #tpu.memory_space<hbm>> -> memref<8x128xf32, #tpu.memory_space<hbm>>
        %dma_wait3A_806 = arith.constant 0 : i32
        %dma_wait3A_807 = arith.constant 0 : i32
        %dma_wait3A_808 = tpu.memref_slice %arg4[%add3A_700, %add3A, %dma_wait3A_806, %dma_wait3A_807] : memref<1600x32x8x128xf32, #tpu.memory_space<hbm>> -> memref<1x1x8x128xf32, #tpu.memory_space<hbm>>
        %dma_wait3A_809 = tpu.memref_squeeze %dma_wait3A_808 : memref<1x1x8x128xf32, #tpu.memory_space<hbm>> -> memref<8x128xf32, #tpu.memory_space<hbm>>
        %dma_wait3A_810 = arith.constant 56 : i32
        %dma_wait3A_811 = arith.constant 0 : i32
        %dma_wait3A_812 = tpu.memref_slice %arg9[%dma_wait3A_810, %dma_wait3A_811] : memref<64x129xf32, #tpu.memory_space<vmem>> -> memref<8x128xf32, #tpu.memory_space<vmem>>
        tpu.wait_dma2 semaphore(%arg13 : memref<!tpu.dma_semaphore, #tpu.memory_space<semaphore_mem>>) src(%dma_wait3A_812 : memref<8x128xf32, #tpu.memory_space<vmem>>) dst(%dma_wait3A_809 : memref<8x128xf32, #tpu.memory_space<hbm>>)
      } else {
      }
      %dma_wait3A_322 = arith.constant 0 : i32
      %dma_wait3A_323 = tpu.memref_slice %arg6[%mul3A_311, %dma_wait3A_322] : memref<200x128xi32, #tpu.memory_space<vmem>> -> memref<1x128xi32, #tpu.memory_space<vmem>>
      %dma_wait3A_324 = tpu.memref_squeeze %dma_wait3A_323 : memref<1x128xi32, #tpu.memory_space<vmem>> -> memref<128xi32, #tpu.memory_space<vmem>>
      %dma_wait3A_325 = arith.constant 0 : i32
      %dma_wait3A_326 = arith.constant 0 : i32
      %dma_wait3A_327 = tpu.memref_slice %arg3[%dma_wait3A_325, %dma_wait3A_326] : memref<1000000x64xf32, #tpu.memory_space<hbm>> -> memref<1000000x64xf32, #tpu.memory_space<hbm>>
      tpu.wait_indirect_dma semaphore(%arg11 : memref<!tpu.dma_semaphore, #tpu.memory_space<semaphore_mem>>) src(%dma_wait3A_327 : memref<1000000x64xf32, #tpu.memory_space<hbm>>) dst(%arg7 : memref<128x64xf32, #tpu.memory_space<vmem>>)
      %iota3A_328 = tpu.iota {dimensions = array<i32: 0>} : vector<16xi32>
      %add3A_329 = arith.constant 0 : i32
      %add3A_330 = vector.broadcast %add3A_329 : i32 to vector<16xi32>
      %add3A_331 = arith.addi %iota3A_328, %add3A_330 : vector<16xi32>
      %add3A_332 = arith.constant 16 : i32
      %add3A_333 = vector.broadcast %add3A_332 : i32 to vector<16xi32>
      %add3A_334 = arith.addi %iota3A_328, %add3A_333 : vector<16xi32>
      %add3A_335 = arith.constant 32 : i32
      %add3A_336 = vector.broadcast %add3A_335 : i32 to vector<16xi32>
      %add3A_337 = arith.addi %iota3A_328, %add3A_336 : vector<16xi32>
      %add3A_338 = arith.constant 48 : i32
      %add3A_339 = vector.broadcast %add3A_338 : i32 to vector<16xi32>
      %add3A_340 = arith.addi %iota3A_328, %add3A_339 : vector<16xi32>
      %scan3A_341 = arith.constant 0 : i32
      %scan3A_342 = arith.constant 0 : i32
      %scan3A_343 = arith.constant 128 : i32
      %scan3A_344 = arith.addi %scan3A_342, %scan3A_343 : i32
      %scan3A_345 = arith.constant 8 : i32
      scf.for %scan3A_669 = %scan3A_342 to %scan3A_344 step %scan3A_345  : i32 {
        %broadcast_in_dim3A = vector.broadcast %scan3A_669 : i32 to vector<16xi32>
        %get3A = arith.index_cast %scan3A_669 : i32 to index
        %get3A_670 = arith.constant 0 : index
        %get3A_671 = tpu.vector_load %arg7[%get3A, %get3A_670] {strides = array<i32>} : memref<128x64xf32, #tpu.memory_space<vmem>>, vector<16xf32>,
        tpu.vector_store_idx %arg9[%add3A_331, %broadcast_in_dim3A], %get3A_671 : memref<64x129xf32, #tpu.memory_space<vmem>>[vector<16xi32>, vector<16xi32>], vector<16xf32>,
        %get3A_672 = arith.index_cast %scan3A_669 : i32 to index
        %get3A_673 = arith.constant 16 : index
        %get3A_674 = tpu.vector_load %arg7[%get3A_672, %get3A_673] {strides = array<i32>} : memref<128x64xf32, #tpu.memory_space<vmem>>, vector<16xf32>,
        tpu.vector_store_idx %arg9[%add3A_334, %broadcast_in_dim3A], %get3A_674 : memref<64x129xf32, #tpu.memory_space<vmem>>[vector<16xi32>, vector<16xi32>], vector<16xf32>,
        %get3A_675 = arith.index_cast %scan3A_669 : i32 to index
        %get3A_676 = arith.constant 32 : index
        %get3A_677 = tpu.vector_load %arg7[%get3A_675, %get3A_676] {strides = array<i32>} : memref<128x64xf32, #tpu.memory_space<vmem>>, vector<16xf32>,
        tpu.vector_store_idx %arg9[%add3A_337, %broadcast_in_dim3A], %get3A_677 : memref<64x129xf32, #tpu.memory_space<vmem>>[vector<16xi32>, vector<16xi32>], vector<16xf32>,
        %get3A_678 = arith.index_cast %scan3A_669 : i32 to index
        %get3A_679 = arith.constant 48 : index
        %get3A_680 = tpu.vector_load %arg7[%get3A_678, %get3A_679] {strides = array<i32>} : memref<128x64xf32, #tpu.memory_space<vmem>>, vector<16xf32>,
        tpu.vector_store_idx %arg9[%add3A_340, %broadcast_in_dim3A], %get3A_680 : memref<64x129xf32, #tpu.memory_space<vmem>>[vector<16xi32>, vector<16xi32>], vector<16xf32>,
        %scan3A_681 = arith.constant 1 : i32
        %scan3A_682 = arith.addi %scan3A_669, %scan3A_681 : i32
        %broadcast_in_dim3A_683 = vector.broadcast %scan3A_682 : i32 to vector<16xi32>
        %get3A_684 = arith.index_cast %scan3A_682 : i32 to index
        %get3A_685 = arith.constant 0 : index
        %get3A_686 = tpu.vector_load %arg7[%get3A_684, %get3A_685] {strides = array<i32>} : memref<128x64xf32, #tpu.memory_space<vmem>>, vector<16xf32>,
        tpu.vector_store_idx %arg9[%add3A_331, %broadcast_in_dim3A_683], %get3A_686 : memref<64x129xf32, #tpu.memory_space<vmem>>[vector<16xi32>, vector<16xi32>], vector<16xf32>,
        %get3A_687 = arith.index_cast %scan3A_682 : i32 to index
        %get3A_688 = arith.constant 16 : index
        %get3A_689 = tpu.vector_load %arg7[%get3A_687, %get3A_688] {strides = array<i32>} : memref<128x64xf32, #tpu.memory_space<vmem>>, vector<16xf32>,
        tpu.vector_store_idx %arg9[%add3A_334, %broadcast_in_dim3A_683], %get3A_689 : memref<64x129xf32, #tpu.memory_space<vmem>>[vector<16xi32>, vector<16xi32>], vector<16xf32>,
        %get3A_690 = arith.index_cast %scan3A_682 : i32 to index
        %get3A_691 = arith.constant 32 : index
        %get3A_692 = tpu.vector_load %arg7[%get3A_690, %get3A_691] {strides = array<i32>} : memref<128x64xf32, #tpu.memory_space<vmem>>, vector<16xf32>,
        tpu.vector_store_idx %arg9[%add3A_337, %broadcast_in_dim3A_683], %get3A_692 : memref<64x129xf32, #tpu.memory_space<vmem>>[vector<16xi32>, vector<16xi32>], vector<16xf32>,
        %get3A_693 = arith.index_cast %scan3A_682 : i32 to index
        %get3A_694 = arith.constant 48 : index
        %get3A_695 = tpu.vector_load %arg7[%get3A_693, %get3A_694] {strides = array<i32>} : memref<128x64xf32, #tpu.memory_space<vmem>>, vector<16xf32>,
        tpu.vector_store_idx %arg9[%add3A_340, %broadcast_in_dim3A_683], %get3A_695 : memref<64x129xf32, #tpu.memory_space<vmem>>[vector<16xi32>, vector<16xi32>], vector<16xf32>,
        %scan3A_696 = arith.constant 2 : i32
        %scan3A_697 = arith.addi %scan3A_669, %scan3A_696 : i32
        %broadcast_in_dim3A_698 = vector.broadcast %scan3A_697 : i32 to vector<16xi32>
        %get3A_699 = arith.index_cast %scan3A_697 : i32 to index
        %get3A_700 = arith.constant 0 : index
        %get3A_701 = tpu.vector_load %arg7[%get3A_699, %get3A_700] {strides = array<i32>} : memref<128x64xf32, #tpu.memory_space<vmem>>, vector<16xf32>,
        tpu.vector_store_idx %arg9[%add3A_331, %broadcast_in_dim3A_698], %get3A_701 : memref<64x129xf32, #tpu.memory_space<vmem>>[vector<16xi32>, vector<16xi32>], vector<16xf32>,
        %get3A_702 = arith.index_cast %scan3A_697 : i32 to index
        %get3A_703 = arith.constant 16 : index
        %get3A_704 = tpu.vector_load %arg7[%get3A_702, %get3A_703] {strides = array<i32>} : memref<128x64xf32, #tpu.memory_space<vmem>>, vector<16xf32>,
        tpu.vector_store_idx %arg9[%add3A_334, %broadcast_in_dim3A_698], %get3A_704 : memref<64x129xf32, #tpu.memory_space<vmem>>[vector<16xi32>, vector<16xi32>], vector<16xf32>,
        %get3A_705 = arith.index_cast %scan3A_697 : i32 to index
        %get3A_706 = arith.constant 32 : index
        %get3A_707 = tpu.vector_load %arg7[%get3A_705, %get3A_706] {strides = array<i32>} : memref<128x64xf32, #tpu.memory_space<vmem>>, vector<16xf32>,
        tpu.vector_store_idx %arg9[%add3A_337, %broadcast_in_dim3A_698], %get3A_707 : memref<64x129xf32, #tpu.memory_space<vmem>>[vector<16xi32>, vector<16xi32>], vector<16xf32>,
        %get3A_708 = arith.index_cast %scan3A_697 : i32 to index
        %get3A_709 = arith.constant 48 : index
        %get3A_710 = tpu.vector_load %arg7[%get3A_708, %get3A_709] {strides = array<i32>} : memref<128x64xf32, #tpu.memory_space<vmem>>, vector<16xf32>,
        tpu.vector_store_idx %arg9[%add3A_340, %broadcast_in_dim3A_698], %get3A_710 : memref<64x129xf32, #tpu.memory_space<vmem>>[vector<16xi32>, vector<16xi32>], vector<16xf32>,
        %scan3A_711 = arith.constant 3 : i32
        %scan3A_712 = arith.addi %scan3A_669, %scan3A_711 : i32
        %broadcast_in_dim3A_713 = vector.broadcast %scan3A_712 : i32 to vector<16xi32>
        %get3A_714 = arith.index_cast %scan3A_712 : i32 to index
        %get3A_715 = arith.constant 0 : index
        %get3A_716 = tpu.vector_load %arg7[%get3A_714, %get3A_715] {strides = array<i32>} : memref<128x64xf32, #tpu.memory_space<vmem>>, vector<16xf32>,
        tpu.vector_store_idx %arg9[%add3A_331, %broadcast_in_dim3A_713], %get3A_716 : memref<64x129xf32, #tpu.memory_space<vmem>>[vector<16xi32>, vector<16xi32>], vector<16xf32>,
        %get3A_717 = arith.index_cast %scan3A_712 : i32 to index
        %get3A_718 = arith.constant 16 : index
        %get3A_719 = tpu.vector_load %arg7[%get3A_717, %get3A_718] {strides = array<i32>} : memref<128x64xf32, #tpu.memory_space<vmem>>, vector<16xf32>,
        tpu.vector_store_idx %arg9[%add3A_334, %broadcast_in_dim3A_713], %get3A_719 : memref<64x129xf32, #tpu.memory_space<vmem>>[vector<16xi32>, vector<16xi32>], vector<16xf32>,
        %get3A_720 = arith.index_cast %scan3A_712 : i32 to index
        %get3A_721 = arith.constant 32 : index
        %get3A_722 = tpu.vector_load %arg7[%get3A_720, %get3A_721] {strides = array<i32>} : memref<128x64xf32, #tpu.memory_space<vmem>>, vector<16xf32>,
        tpu.vector_store_idx %arg9[%add3A_337, %broadcast_in_dim3A_713], %get3A_722 : memref<64x129xf32, #tpu.memory_space<vmem>>[vector<16xi32>, vector<16xi32>], vector<16xf32>,
        %get3A_723 = arith.index_cast %scan3A_712 : i32 to index
        %get3A_724 = arith.constant 48 : index
        %get3A_725 = tpu.vector_load %arg7[%get3A_723, %get3A_724] {strides = array<i32>} : memref<128x64xf32, #tpu.memory_space<vmem>>, vector<16xf32>,
        tpu.vector_store_idx %arg9[%add3A_340, %broadcast_in_dim3A_713], %get3A_725 : memref<64x129xf32, #tpu.memory_space<vmem>>[vector<16xi32>, vector<16xi32>], vector<16xf32>,
        %scan3A_726 = arith.constant 4 : i32
        %scan3A_727 = arith.addi %scan3A_669, %scan3A_726 : i32
        %broadcast_in_dim3A_728 = vector.broadcast %scan3A_727 : i32 to vector<16xi32>
        %get3A_729 = arith.index_cast %scan3A_727 : i32 to index
        %get3A_730 = arith.constant 0 : index
        %get3A_731 = tpu.vector_load %arg7[%get3A_729, %get3A_730] {strides = array<i32>} : memref<128x64xf32, #tpu.memory_space<vmem>>, vector<16xf32>,
        tpu.vector_store_idx %arg9[%add3A_331, %broadcast_in_dim3A_728], %get3A_731 : memref<64x129xf32, #tpu.memory_space<vmem>>[vector<16xi32>, vector<16xi32>], vector<16xf32>,
        %get3A_732 = arith.index_cast %scan3A_727 : i32 to index
        %get3A_733 = arith.constant 16 : index
        %get3A_734 = tpu.vector_load %arg7[%get3A_732, %get3A_733] {strides = array<i32>} : memref<128x64xf32, #tpu.memory_space<vmem>>, vector<16xf32>,
        tpu.vector_store_idx %arg9[%add3A_334, %broadcast_in_dim3A_728], %get3A_734 : memref<64x129xf32, #tpu.memory_space<vmem>>[vector<16xi32>, vector<16xi32>], vector<16xf32>,
        %get3A_735 = arith.index_cast %scan3A_727 : i32 to index
        %get3A_736 = arith.constant 32 : index
        %get3A_737 = tpu.vector_load %arg7[%get3A_735, %get3A_736] {strides = array<i32>} : memref<128x64xf32, #tpu.memory_space<vmem>>, vector<16xf32>,
        tpu.vector_store_idx %arg9[%add3A_337, %broadcast_in_dim3A_728], %get3A_737 : memref<64x129xf32, #tpu.memory_space<vmem>>[vector<16xi32>, vector<16xi32>], vector<16xf32>,
        %get3A_738 = arith.index_cast %scan3A_727 : i32 to index
        %get3A_739 = arith.constant 48 : index
        %get3A_740 = tpu.vector_load %arg7[%get3A_738, %get3A_739] {strides = array<i32>} : memref<128x64xf32, #tpu.memory_space<vmem>>, vector<16xf32>,
        tpu.vector_store_idx %arg9[%add3A_340, %broadcast_in_dim3A_728], %get3A_740 : memref<64x129xf32, #tpu.memory_space<vmem>>[vector<16xi32>, vector<16xi32>], vector<16xf32>,
        %scan3A_741 = arith.constant 5 : i32
        %scan3A_742 = arith.addi %scan3A_669, %scan3A_741 : i32
        %broadcast_in_dim3A_743 = vector.broadcast %scan3A_742 : i32 to vector<16xi32>
        %get3A_744 = arith.index_cast %scan3A_742 : i32 to index
        %get3A_745 = arith.constant 0 : index
        %get3A_746 = tpu.vector_load %arg7[%get3A_744, %get3A_745] {strides = array<i32>} : memref<128x64xf32, #tpu.memory_space<vmem>>, vector<16xf32>,
        tpu.vector_store_idx %arg9[%add3A_331, %broadcast_in_dim3A_743], %get3A_746 : memref<64x129xf32, #tpu.memory_space<vmem>>[vector<16xi32>, vector<16xi32>], vector<16xf32>,
        %get3A_747 = arith.index_cast %scan3A_742 : i32 to index
        %get3A_748 = arith.constant 16 : index
        %get3A_749 = tpu.vector_load %arg7[%get3A_747, %get3A_748] {strides = array<i32>} : memref<128x64xf32, #tpu.memory_space<vmem>>, vector<16xf32>,
        tpu.vector_store_idx %arg9[%add3A_334, %broadcast_in_dim3A_743], %get3A_749 : memref<64x129xf32, #tpu.memory_space<vmem>>[vector<16xi32>, vector<16xi32>], vector<16xf32>,
        %get3A_750 = arith.index_cast %scan3A_742 : i32 to index
        %get3A_751 = arith.constant 32 : index
        %get3A_752 = tpu.vector_load %arg7[%get3A_750, %get3A_751] {strides = array<i32>} : memref<128x64xf32, #tpu.memory_space<vmem>>, vector<16xf32>,
        tpu.vector_store_idx %arg9[%add3A_337, %broadcast_in_dim3A_743], %get3A_752 : memref<64x129xf32, #tpu.memory_space<vmem>>[vector<16xi32>, vector<16xi32>], vector<16xf32>,
        %get3A_753 = arith.index_cast %scan3A_742 : i32 to index
        %get3A_754 = arith.constant 48 : index
        %get3A_755 = tpu.vector_load %arg7[%get3A_753, %get3A_754] {strides = array<i32>} : memref<128x64xf32, #tpu.memory_space<vmem>>, vector<16xf32>,
        tpu.vector_store_idx %arg9[%add3A_340, %broadcast_in_dim3A_743], %get3A_755 : memref<64x129xf32, #tpu.memory_space<vmem>>[vector<16xi32>, vector<16xi32>], vector<16xf32>,
        %scan3A_756 = arith.constant 6 : i32
        %scan3A_757 = arith.addi %scan3A_669, %scan3A_756 : i32
        %broadcast_in_dim3A_758 = vector.broadcast %scan3A_757 : i32 to vector<16xi32>
        %get3A_759 = arith.index_cast %scan3A_757 : i32 to index
        %get3A_760 = arith.constant 0 : index
        %get3A_761 = tpu.vector_load %arg7[%get3A_759, %get3A_760] {strides = array<i32>} : memref<128x64xf32, #tpu.memory_space<vmem>>, vector<16xf32>,
        tpu.vector_store_idx %arg9[%add3A_331, %broadcast_in_dim3A_758], %get3A_761 : memref<64x129xf32, #tpu.memory_space<vmem>>[vector<16xi32>, vector<16xi32>], vector<16xf32>,
        %get3A_762 = arith.index_cast %scan3A_757 : i32 to index
        %get3A_763 = arith.constant 16 : index
        %get3A_764 = tpu.vector_load %arg7[%get3A_762, %get3A_763] {strides = array<i32>} : memref<128x64xf32, #tpu.memory_space<vmem>>, vector<16xf32>,
        tpu.vector_store_idx %arg9[%add3A_334, %broadcast_in_dim3A_758], %get3A_764 : memref<64x129xf32, #tpu.memory_space<vmem>>[vector<16xi32>, vector<16xi32>], vector<16xf32>,
        %get3A_765 = arith.index_cast %scan3A_757 : i32 to index
        %get3A_766 = arith.constant 32 : index
        %get3A_767 = tpu.vector_load %arg7[%get3A_765, %get3A_766] {strides = array<i32>} : memref<128x64xf32, #tpu.memory_space<vmem>>, vector<16xf32>,
        tpu.vector_store_idx %arg9[%add3A_337, %broadcast_in_dim3A_758], %get3A_767 : memref<64x129xf32, #tpu.memory_space<vmem>>[vector<16xi32>, vector<16xi32>], vector<16xf32>,
        %get3A_768 = arith.index_cast %scan3A_757 : i32 to index
        %get3A_769 = arith.constant 48 : index
        %get3A_770 = tpu.vector_load %arg7[%get3A_768, %get3A_769] {strides = array<i32>} : memref<128x64xf32, #tpu.memory_space<vmem>>, vector<16xf32>,
        tpu.vector_store_idx %arg9[%add3A_340, %broadcast_in_dim3A_758], %get3A_770 : memref<64x129xf32, #tpu.memory_space<vmem>>[vector<16xi32>, vector<16xi32>], vector<16xf32>,
        %scan3A_771 = arith.constant 7 : i32
        %scan3A_772 = arith.addi %scan3A_669, %scan3A_771 : i32
        %broadcast_in_dim3A_773 = vector.broadcast %scan3A_772 : i32 to vector<16xi32>
        %get3A_774 = arith.index_cast %scan3A_772 : i32 to index
        %get3A_775 = arith.constant 0 : index
        %get3A_776 = tpu.vector_load %arg7[%get3A_774, %get3A_775] {strides = array<i32>} : memref<128x64xf32, #tpu.memory_space<vmem>>, vector<16xf32>,
        tpu.vector_store_idx %arg9[%add3A_331, %broadcast_in_dim3A_773], %get3A_776 : memref<64x129xf32, #tpu.memory_space<vmem>>[vector<16xi32>, vector<16xi32>], vector<16xf32>,
        %get3A_777 = arith.index_cast %scan3A_772 : i32 to index
        %get3A_778 = arith.constant 16 : index
        %get3A_779 = tpu.vector_load %arg7[%get3A_777, %get3A_778] {strides = array<i32>} : memref<128x64xf32, #tpu.memory_space<vmem>>, vector<16xf32>,
        tpu.vector_store_idx %arg9[%add3A_334, %broadcast_in_dim3A_773], %get3A_779 : memref<64x129xf32, #tpu.memory_space<vmem>>[vector<16xi32>, vector<16xi32>], vector<16xf32>,
        %get3A_780 = arith.index_cast %scan3A_772 : i32 to index
        %get3A_781 = arith.constant 32 : index
        %get3A_782 = tpu.vector_load %arg7[%get3A_780, %get3A_781] {strides = array<i32>} : memref<128x64xf32, #tpu.memory_space<vmem>>, vector<16xf32>,
        tpu.vector_store_idx %arg9[%add3A_337, %broadcast_in_dim3A_773], %get3A_782 : memref<64x129xf32, #tpu.memory_space<vmem>>[vector<16xi32>, vector<16xi32>], vector<16xf32>,
        %get3A_783 = arith.index_cast %scan3A_772 : i32 to index
        %get3A_784 = arith.constant 48 : index
        %get3A_785 = tpu.vector_load %arg7[%get3A_783, %get3A_784] {strides = array<i32>} : memref<128x64xf32, #tpu.memory_space<vmem>>, vector<16xf32>,
        tpu.vector_store_idx %arg9[%add3A_340, %broadcast_in_dim3A_773], %get3A_785 : memref<64x129xf32, #tpu.memory_space<vmem>>[vector<16xi32>, vector<16xi32>], vector<16xf32>,
      }
      %scan3A_346 = arith.constant 128 : i32
      %mul3A_347 = arith.constant 8 : i32
      %mul3A_348 = arith.muli %mul3A_311, %mul3A_347 : i32
      %add3A_349 = arith.constant 0 : i32
      %add3A_350 = arith.addi %mul3A_348, %add3A_349 : i32
      %mul3A_351 = arith.constant 8 : i32
      %mul3A_352 = arith.muli %mul3A_311, %mul3A_351 : i32
      %add3A_353 = arith.constant 1 : i32
      %add3A_354 = arith.addi %mul3A_352, %add3A_353 : i32
      %mul3A_355 = arith.constant 8 : i32
      %mul3A_356 = arith.muli %mul3A_311, %mul3A_355 : i32
      %add3A_357 = arith.constant 2 : i32
      %add3A_358 = arith.addi %mul3A_356, %add3A_357 : i32
      %mul3A_359 = arith.constant 8 : i32
      %mul3A_360 = arith.muli %mul3A_311, %mul3A_359 : i32
      %add3A_361 = arith.constant 3 : i32
      %add3A_362 = arith.addi %mul3A_360, %add3A_361 : i32
      %mul3A_363 = arith.constant 8 : i32
      %mul3A_364 = arith.muli %mul3A_311, %mul3A_363 : i32
      %add3A_365 = arith.constant 4 : i32
      %add3A_366 = arith.addi %mul3A_364, %add3A_365 : i32
      %mul3A_367 = arith.constant 8 : i32
      %mul3A_368 = arith.muli %mul3A_311, %mul3A_367 : i32
      %add3A_369 = arith.constant 5 : i32
      %add3A_370 = arith.addi %mul3A_368, %add3A_369 : i32
      %mul3A_371 = arith.constant 8 : i32
      %mul3A_372 = arith.muli %mul3A_311, %mul3A_371 : i32
      %add3A_373 = arith.constant 6 : i32
      %add3A_374 = arith.addi %mul3A_372, %add3A_373 : i32
      %mul3A_375 = arith.constant 8 : i32
      %mul3A_376 = arith.muli %mul3A_311, %mul3A_375 : i32
      %add3A_377 = arith.constant 7 : i32
      %add3A_378 = arith.addi %mul3A_376, %add3A_377 : i32
      %dma_start3A_379 = arith.constant 0 : i32
      %dma_start3A_380 = arith.constant 0 : i32
      %dma_start3A_381 = tpu.memref_slice %arg9[%dma_start3A_379, %dma_start3A_380] : memref<64x129xf32, #tpu.memory_space<vmem>> -> memref<8x128xf32, #tpu.memory_space<vmem>>
      %dma_start3A_382 = arith.constant 0 : i32
      %dma_start3A_383 = arith.constant 0 : i32
      %dma_start3A_384 = tpu.memref_slice %arg4[%add3A_350, %add3A, %dma_start3A_382, %dma_start3A_383] : memref<1600x32x8x128xf32, #tpu.memory_space<hbm>> -> memref<1x1x8x128xf32, #tpu.memory_space<hbm>>
      %dma_start3A_385 = tpu.memref_squeeze %dma_start3A_384 : memref<1x1x8x128xf32, #tpu.memory_space<hbm>> -> memref<8x128xf32, #tpu.memory_space<hbm>>
      %dma_start3A_386 = arith.constant 0 : i32
      %dma_start3A_387 = arith.constant 0 : i32
      %dma_start3A_388 = tpu.memref_slice %arg4[%add3A_350, %add3A, %dma_start3A_386, %dma_start3A_387] : memref<1600x32x8x128xf32, #tpu.memory_space<hbm>> -> memref<1x1x8x128xf32, #tpu.memory_space<hbm>>
      %dma_start3A_389 = tpu.memref_squeeze %dma_start3A_388 : memref<1x1x8x128xf32, #tpu.memory_space<hbm>> -> memref<8x128xf32, #tpu.memory_space<hbm>>
      %dma_start3A_390 = arith.constant 0 : i32
      %dma_start3A_391 = arith.constant 0 : i32
      %dma_start3A_392 = tpu.memref_slice %arg9[%dma_start3A_390, %dma_start3A_391] : memref<64x129xf32, #tpu.memory_space<vmem>> -> memref<8x128xf32, #tpu.memory_space<vmem>>
      tpu.enqueue_dma source(%dma_start3A_392 : memref<8x128xf32, #tpu.memory_space<vmem>>) target(%dma_start3A_389 : memref<8x128xf32, #tpu.memory_space<hbm>>) target_semaphore(%arg13 : memref<!tpu.dma_semaphore, #tpu.memory_space<semaphore_mem>>)
      %dma_start3A_393 = arith.constant 8 : i32
      %dma_start3A_394 = arith.constant 0 : i32
      %dma_start3A_395 = tpu.memref_slice %arg9[%dma_start3A_393, %dma_start3A_394] : memref<64x129xf32, #tpu.memory_space<vmem>> -> memref<8x128xf32, #tpu.memory_space<vmem>>
      %dma_start3A_396 = arith.constant 0 : i32
      %dma_start3A_397 = arith.constant 0 : i32
      %dma_start3A_398 = tpu.memref_slice %arg4[%add3A_354, %add3A, %dma_start3A_396, %dma_start3A_397] : memref<1600x32x8x128xf32, #tpu.memory_space<hbm>> -> memref<1x1x8x128xf32, #tpu.memory_space<hbm>>
      %dma_start3A_399 = tpu.memref_squeeze %dma_start3A_398 : memref<1x1x8x128xf32, #tpu.memory_space<hbm>> -> memref<8x128xf32, #tpu.memory_space<hbm>>
      %dma_start3A_400 = arith.constant 0 : i32
      %dma_start3A_401 = arith.constant 0 : i32
      %dma_start3A_402 = tpu.memref_slice %arg4[%add3A_354, %add3A, %dma_start3A_400, %dma_start3A_401] : memref<1600x32x8x128xf32, #tpu.memory_space<hbm>> -> memref<1x1x8x128xf32, #tpu.memory_space<hbm>>
      %dma_start3A_403 = tpu.memref_squeeze %dma_start3A_402 : memref<1x1x8x128xf32, #tpu.memory_space<hbm>> -> memref<8x128xf32, #tpu.memory_space<hbm>>
      %dma_start3A_404 = arith.constant 8 : i32
      %dma_start3A_405 = arith.constant 0 : i32
      %dma_start3A_406 = tpu.memref_slice %arg9[%dma_start3A_404, %dma_start3A_405] : memref<64x129xf32, #tpu.memory_space<vmem>> -> memref<8x128xf32, #tpu.memory_space<vmem>>
      tpu.enqueue_dma source(%dma_start3A_406 : memref<8x128xf32, #tpu.memory_space<vmem>>) target(%dma_start3A_403 : memref<8x128xf32, #tpu.memory_space<hbm>>) target_semaphore(%arg13 : memref<!tpu.dma_semaphore, #tpu.memory_space<semaphore_mem>>)
      %dma_start3A_407 = arith.constant 16 : i32
      %dma_start3A_408 = arith.constant 0 : i32
      %dma_start3A_409 = tpu.memref_slice %arg9[%dma_start3A_407, %dma_start3A_408] : memref<64x129xf32, #tpu.memory_space<vmem>> -> memref<8x128xf32, #tpu.memory_space<vmem>>
      %dma_start3A_410 = arith.constant 0 : i32
      %dma_start3A_411 = arith.constant 0 : i32
      %dma_start3A_412 = tpu.memref_slice %arg4[%add3A_358, %add3A, %dma_start3A_410, %dma_start3A_411] : memref<1600x32x8x128xf32, #tpu.memory_space<hbm>> -> memref<1x1x8x128xf32, #tpu.memory_space<hbm>>
      %dma_start3A_413 = tpu.memref_squeeze %dma_start3A_412 : memref<1x1x8x128xf32, #tpu.memory_space<hbm>> -> memref<8x128xf32, #tpu.memory_space<hbm>>
      %dma_start3A_414 = arith.constant 0 : i32
      %dma_start3A_415 = arith.constant 0 : i32
      %dma_start3A_416 = tpu.memref_slice %arg4[%add3A_358, %add3A, %dma_start3A_414, %dma_start3A_415] : memref<1600x32x8x128xf32, #tpu.memory_space<hbm>> -> memref<1x1x8x128xf32, #tpu.memory_space<hbm>>
      %dma_start3A_417 = tpu.memref_squeeze %dma_start3A_416 : memref<1x1x8x128xf32, #tpu.memory_space<hbm>> -> memref<8x128xf32, #tpu.memory_space<hbm>>
      %dma_start3A_418 = arith.constant 16 : i32
      %dma_start3A_419 = arith.constant 0 : i32
      %dma_start3A_420 = tpu.memref_slice %arg9[%dma_start3A_418, %dma_start3A_419] : memref<64x129xf32, #tpu.memory_space<vmem>> -> memref<8x128xf32, #tpu.memory_space<vmem>>
      tpu.enqueue_dma source(%dma_start3A_420 : memref<8x128xf32, #tpu.memory_space<vmem>>) target(%dma_start3A_417 : memref<8x128xf32, #tpu.memory_space<hbm>>) target_semaphore(%arg13 : memref<!tpu.dma_semaphore, #tpu.memory_space<semaphore_mem>>)
      %dma_start3A_421 = arith.constant 24 : i32
      %dma_start3A_422 = arith.constant 0 : i32
      %dma_start3A_423 = tpu.memref_slice %arg9[%dma_start3A_421, %dma_start3A_422] : memref<64x129xf32, #tpu.memory_space<vmem>> -> memref<8x128xf32, #tpu.memory_space<vmem>>
      %dma_start3A_424 = arith.constant 0 : i32
      %dma_start3A_425 = arith.constant 0 : i32
      %dma_start3A_426 = tpu.memref_slice %arg4[%add3A_362, %add3A, %dma_start3A_424, %dma_start3A_425] : memref<1600x32x8x128xf32, #tpu.memory_space<hbm>> -> memref<1x1x8x128xf32, #tpu.memory_space<hbm>>
      %dma_start3A_427 = tpu.memref_squeeze %dma_start3A_426 : memref<1x1x8x128xf32, #tpu.memory_space<hbm>> -> memref<8x128xf32, #tpu.memory_space<hbm>>
      %dma_start3A_428 = arith.constant 0 : i32
      %dma_start3A_429 = arith.constant 0 : i32
      %dma_start3A_430 = tpu.memref_slice %arg4[%add3A_362, %add3A, %dma_start3A_428, %dma_start3A_429] : memref<1600x32x8x128xf32, #tpu.memory_space<hbm>> -> memref<1x1x8x128xf32, #tpu.memory_space<hbm>>
      %dma_start3A_431 = tpu.memref_squeeze %dma_start3A_430 : memref<1x1x8x128xf32, #tpu.memory_space<hbm>> -> memref<8x128xf32, #tpu.memory_space<hbm>>
      %dma_start3A_432 = arith.constant 24 : i32
      %dma_start3A_433 = arith.constant 0 : i32
      %dma_start3A_434 = tpu.memref_slice %arg9[%dma_start3A_432, %dma_start3A_433] : memref<64x129xf32, #tpu.memory_space<vmem>> -> memref<8x128xf32, #tpu.memory_space<vmem>>
      tpu.enqueue_dma source(%dma_start3A_434 : memref<8x128xf32, #tpu.memory_space<vmem>>) target(%dma_start3A_431 : memref<8x128xf32, #tpu.memory_space<hbm>>) target_semaphore(%arg13 : memref<!tpu.dma_semaphore, #tpu.memory_space<semaphore_mem>>)
      %dma_start3A_435 = arith.constant 32 : i32
      %dma_start3A_436 = arith.constant 0 : i32
      %dma_start3A_437 = tpu.memref_slice %arg9[%dma_start3A_435, %dma_start3A_436] : memref<64x129xf32, #tpu.memory_space<vmem>> -> memref<8x128xf32, #tpu.memory_space<vmem>>
      %dma_start3A_438 = arith.constant 0 : i32
      %dma_start3A_439 = arith.constant 0 : i32
      %dma_start3A_440 = tpu.memref_slice %arg4[%add3A_366, %add3A, %dma_start3A_438, %dma_start3A_439] : memref<1600x32x8x128xf32, #tpu.memory_space<hbm>> -> memref<1x1x8x128xf32, #tpu.memory_space<hbm>>
      %dma_start3A_441 = tpu.memref_squeeze %dma_start3A_440 : memref<1x1x8x128xf32, #tpu.memory_space<hbm>> -> memref<8x128xf32, #tpu.memory_space<hbm>>
      %dma_start3A_442 = arith.constant 0 : i32
      %dma_start3A_443 = arith.constant 0 : i32
      %dma_start3A_444 = tpu.memref_slice %arg4[%add3A_366, %add3A, %dma_start3A_442, %dma_start3A_443] : memref<1600x32x8x128xf32, #tpu.memory_space<hbm>> -> memref<1x1x8x128xf32, #tpu.memory_space<hbm>>
      %dma_start3A_445 = tpu.memref_squeeze %dma_start3A_444 : memref<1x1x8x128xf32, #tpu.memory_space<hbm>> -> memref<8x128xf32, #tpu.memory_space<hbm>>
      %dma_start3A_446 = arith.constant 32 : i32
      %dma_start3A_447 = arith.constant 0 : i32
      %dma_start3A_448 = tpu.memref_slice %arg9[%dma_start3A_446, %dma_start3A_447] : memref<64x129xf32, #tpu.memory_space<vmem>> -> memref<8x128xf32, #tpu.memory_space<vmem>>
      tpu.enqueue_dma source(%dma_start3A_448 : memref<8x128xf32, #tpu.memory_space<vmem>>) target(%dma_start3A_445 : memref<8x128xf32, #tpu.memory_space<hbm>>) target_semaphore(%arg13 : memref<!tpu.dma_semaphore, #tpu.memory_space<semaphore_mem>>)
      %dma_start3A_449 = arith.constant 40 : i32
      %dma_start3A_450 = arith.constant 0 : i32
      %dma_start3A_451 = tpu.memref_slice %arg9[%dma_start3A_449, %dma_start3A_450] : memref<64x129xf32, #tpu.memory_space<vmem>> -> memref<8x128xf32, #tpu.memory_space<vmem>>
      %dma_start3A_452 = arith.constant 0 : i32
      %dma_start3A_453 = arith.constant 0 : i32
      %dma_start3A_454 = tpu.memref_slice %arg4[%add3A_370, %add3A, %dma_start3A_452, %dma_start3A_453] : memref<1600x32x8x128xf32, #tpu.memory_space<hbm>> -> memref<1x1x8x128xf32, #tpu.memory_space<hbm>>
      %dma_start3A_455 = tpu.memref_squeeze %dma_start3A_454 : memref<1x1x8x128xf32, #tpu.memory_space<hbm>> -> memref<8x128xf32, #tpu.memory_space<hbm>>
      %dma_start3A_456 = arith.constant 0 : i32
      %dma_start3A_457 = arith.constant 0 : i32
      %dma_start3A_458 = tpu.memref_slice %arg4[%add3A_370, %add3A, %dma_start3A_456, %dma_start3A_457] : memref<1600x32x8x128xf32, #tpu.memory_space<hbm>> -> memref<1x1x8x128xf32, #tpu.memory_space<hbm>>
      %dma_start3A_459 = tpu.memref_squeeze %dma_start3A_458 : memref<1x1x8x128xf32, #tpu.memory_space<hbm>> -> memref<8x128xf32, #tpu.memory_space<hbm>>
      %dma_start3A_460 = arith.constant 40 : i32
      %dma_start3A_461 = arith.constant 0 : i32
      %dma_start3A_462 = tpu.memref_slice %arg9[%dma_start3A_460, %dma_start3A_461] : memref<64x129xf32, #tpu.memory_space<vmem>> -> memref<8x128xf32, #tpu.memory_space<vmem>>
      tpu.enqueue_dma source(%dma_start3A_462 : memref<8x128xf32, #tpu.memory_space<vmem>>) target(%dma_start3A_459 : memref<8x128xf32, #tpu.memory_space<hbm>>) target_semaphore(%arg13 : memref<!tpu.dma_semaphore, #tpu.memory_space<semaphore_mem>>)
      %dma_start3A_463 = arith.constant 48 : i32
      %dma_start3A_464 = arith.constant 0 : i32
      %dma_start3A_465 = tpu.memref_slice %arg9[%dma_start3A_463, %dma_start3A_464] : memref<64x129xf32, #tpu.memory_space<vmem>> -> memref<8x128xf32, #tpu.memory_space<vmem>>
      %dma_start3A_466 = arith.constant 0 : i32
      %dma_start3A_467 = arith.constant 0 : i32
      %dma_start3A_468 = tpu.memref_slice %arg4[%add3A_374, %add3A, %dma_start3A_466, %dma_start3A_467] : memref<1600x32x8x128xf32, #tpu.memory_space<hbm>> -> memref<1x1x8x128xf32, #tpu.memory_space<hbm>>
      %dma_start3A_469 = tpu.memref_squeeze %dma_start3A_468 : memref<1x1x8x128xf32, #tpu.memory_space<hbm>> -> memref<8x128xf32, #tpu.memory_space<hbm>>
      %dma_start3A_470 = arith.constant 0 : i32
      %dma_start3A_471 = arith.constant 0 : i32
      %dma_start3A_472 = tpu.memref_slice %arg4[%add3A_374, %add3A, %dma_start3A_470, %dma_start3A_471] : memref<1600x32x8x128xf32, #tpu.memory_space<hbm>> -> memref<1x1x8x128xf32, #tpu.memory_space<hbm>>
      %dma_start3A_473 = tpu.memref_squeeze %dma_start3A_472 : memref<1x1x8x128xf32, #tpu.memory_space<hbm>> -> memref<8x128xf32, #tpu.memory_space<hbm>>
      %dma_start3A_474 = arith.constant 48 : i32
      %dma_start3A_475 = arith.constant 0 : i32
      %dma_start3A_476 = tpu.memref_slice %arg9[%dma_start3A_474, %dma_start3A_475] : memref<64x129xf32, #tpu.memory_space<vmem>> -> memref<8x128xf32, #tpu.memory_space<vmem>>
      tpu.enqueue_dma source(%dma_start3A_476 : memref<8x128xf32, #tpu.memory_space<vmem>>) target(%dma_start3A_473 : memref<8x128xf32, #tpu.memory_space<hbm>>) target_semaphore(%arg13 : memref<!tpu.dma_semaphore, #tpu.memory_space<semaphore_mem>>)
      %dma_start3A_477 = arith.constant 56 : i32
      %dma_start3A_478 = arith.constant 0 : i32
      %dma_start3A_479 = tpu.memref_slice %arg9[%dma_start3A_477, %dma_start3A_478] : memref<64x129xf32, #tpu.memory_space<vmem>> -> memref<8x128xf32, #tpu.memory_space<vmem>>
      %dma_start3A_480 = arith.constant 0 : i32
      %dma_start3A_481 = arith.constant 0 : i32
      %dma_start3A_482 = tpu.memref_slice %arg4[%add3A_378, %add3A, %dma_start3A_480, %dma_start3A_481] : memref<1600x32x8x128xf32, #tpu.memory_space<hbm>> -> memref<1x1x8x128xf32, #tpu.memory_space<hbm>>
      %dma_start3A_483 = tpu.memref_squeeze %dma_start3A_482 : memref<1x1x8x128xf32, #tpu.memory_space<hbm>> -> memref<8x128xf32, #tpu.memory_space<hbm>>
      %dma_start3A_484 = arith.constant 0 : i32
      %dma_start3A_485 = arith.constant 0 : i32
      %dma_start3A_486 = tpu.memref_slice %arg4[%add3A_378, %add3A, %dma_start3A_484, %dma_start3A_485] : memref<1600x32x8x128xf32, #tpu.memory_space<hbm>> -> memref<1x1x8x128xf32, #tpu.memory_space<hbm>>
      %dma_start3A_487 = tpu.memref_squeeze %dma_start3A_486 : memref<1x1x8x128xf32, #tpu.memory_space<hbm>> -> memref<8x128xf32, #tpu.memory_space<hbm>>
      %dma_start3A_488 = arith.constant 56 : i32
      %dma_start3A_489 = arith.constant 0 : i32
      %dma_start3A_490 = tpu.memref_slice %arg9[%dma_start3A_488, %dma_start3A_489] : memref<64x129xf32, #tpu.memory_space<vmem>> -> memref<8x128xf32, #tpu.memory_space<vmem>>
      tpu.enqueue_dma source(%dma_start3A_490 : memref<8x128xf32, #tpu.memory_space<vmem>>) target(%dma_start3A_487 : memref<8x128xf32, #tpu.memory_space<hbm>>) target_semaphore(%arg13 : memref<!tpu.dma_semaphore, #tpu.memory_space<semaphore_mem>>)
      %lt3A = arith.constant 99 : i32
      %lt3A_491 = arith.cmpi slt, %scan3A_309, %lt3A : i32
      %convert_element_type3A_492 = arith.extui %lt3A_491 : i1 to i32
      %cond3A_493 = arith.constant 0 : i32
      %cond3A_494 = arith.cmpi ne, %convert_element_type3A_492, %cond3A_493 : i32
      scf.if %cond3A_494 {
        %add3A_669 = arith.constant 2 : i32
        %add3A_670 = arith.addi %mul3A_311, %add3A_669 : i32
        %dma_start3A_671 = arith.constant 0 : i32
        %dma_start3A_672 = tpu.memref_slice %arg6[%add3A_670, %dma_start3A_671] : memref<200x128xi32, #tpu.memory_space<vmem>> -> memref<1x128xi32, #tpu.memory_space<vmem>>
        %dma_start3A_673 = tpu.memref_squeeze %dma_start3A_672 : memref<1x128xi32, #tpu.memory_space<vmem>> -> memref<128xi32, #tpu.memory_space<vmem>>
        %dma_start3A_674 = arith.constant 0 : i32
        %dma_start3A_675 = arith.constant 0 : i32
        %dma_start3A_676 = tpu.memref_slice %arg3[%dma_start3A_674, %dma_start3A_675] : memref<1000000x64xf32, #tpu.memory_space<hbm>> -> memref<1000000x64xf32, #tpu.memory_space<hbm>>
        tpu.enqueue_indirect_dma source(%dma_start3A_676 : memref<1000000x64xf32, #tpu.memory_space<hbm>>) target(%arg7 : memref<128x64xf32, #tpu.memory_space<vmem>>) offsets(%dma_start3A_673 : memref<128xi32, #tpu.memory_space<vmem>>) semaphore(%arg11 : memref<!tpu.dma_semaphore, #tpu.memory_space<semaphore_mem>>)
      } else {
      }
      %gt3A_495 = arith.constant 0 : i32
      %gt3A_496 = arith.cmpi sgt, %scan3A_309, %gt3A_495 : i32
      %convert_element_type3A_497 = arith.extui %gt3A_496 : i1 to i32
      %cond3A_498 = arith.constant 0 : i32
      %cond3A_499 = arith.cmpi ne, %convert_element_type3A_497, %cond3A_498 : i32
      scf.if %cond3A_499 {
        %mul3A_669 = arith.constant 8 : i32
        %mul3A_670 = arith.muli %add3A_313, %mul3A_669 : i32
        %add3A_671 = arith.constant 0 : i32
        %add3A_672 = arith.addi %mul3A_670, %add3A_671 : i32
        %mul3A_673 = arith.constant 8 : i32
        %mul3A_674 = arith.muli %add3A_313, %mul3A_673 : i32
        %add3A_675 = arith.constant 1 : i32
        %add3A_676 = arith.addi %mul3A_674, %add3A_675 : i32
        %mul3A_677 = arith.constant 8 : i32
        %mul3A_678 = arith.muli %add3A_313, %mul3A_677 : i32
        %add3A_679 = arith.constant 2 : i32
        %add3A_680 = arith.addi %mul3A_678, %add3A_679 : i32
        %mul3A_681 = arith.constant 8 : i32
        %mul3A_682 = arith.muli %add3A_313, %mul3A_681 : i32
        %add3A_683 = arith.constant 3 : i32
        %add3A_684 = arith.addi %mul3A_682, %add3A_683 : i32
        %mul3A_685 = arith.constant 8 : i32
        %mul3A_686 = arith.muli %add3A_313, %mul3A_685 : i32
        %add3A_687 = arith.constant 4 : i32
        %add3A_688 = arith.addi %mul3A_686, %add3A_687 : i32
        %mul3A_689 = arith.constant 8 : i32
        %mul3A_690 = arith.muli %add3A_313, %mul3A_689 : i32
        %add3A_691 = arith.constant 5 : i32
        %add3A_692 = arith.addi %mul3A_690, %add3A_691 : i32
        %mul3A_693 = arith.constant 8 : i32
        %mul3A_694 = arith.muli %add3A_313, %mul3A_693 : i32
        %add3A_695 = arith.constant 6 : i32
        %add3A_696 = arith.addi %mul3A_694, %add3A_695 : i32
        %mul3A_697 = arith.constant 8 : i32
        %mul3A_698 = arith.muli %add3A_313, %mul3A_697 : i32
        %add3A_699 = arith.constant 7 : i32
        %add3A_700 = arith.addi %mul3A_698, %add3A_699 : i32
        %dma_wait3A_701 = arith.constant 0 : i32
        %dma_wait3A_702 = arith.constant 0 : i32
        %dma_wait3A_703 = tpu.memref_slice %arg10[%dma_wait3A_701, %dma_wait3A_702] : memref<64x129xf32, #tpu.memory_space<vmem>> -> memref<8x128xf32, #tpu.memory_space<vmem>>
        %dma_wait3A_704 = arith.constant 0 : i32
        %dma_wait3A_705 = arith.constant 0 : i32
        %dma_wait3A_706 = tpu.memref_slice %arg4[%add3A_672, %add3A, %dma_wait3A_704, %dma_wait3A_705] : memref<1600x32x8x128xf32, #tpu.memory_space<hbm>> -> memref<1x1x8x128xf32, #tpu.memory_space<hbm>>
        %dma_wait3A_707 = tpu.memref_squeeze %dma_wait3A_706 : memref<1x1x8x128xf32, #tpu.memory_space<hbm>> -> memref<8x128xf32, #tpu.memory_space<hbm>>
        %dma_wait3A_708 = arith.constant 0 : i32
        %dma_wait3A_709 = arith.constant 0 : i32
        %dma_wait3A_710 = tpu.memref_slice %arg4[%add3A_672, %add3A, %dma_wait3A_708, %dma_wait3A_709] : memref<1600x32x8x128xf32, #tpu.memory_space<hbm>> -> memref<1x1x8x128xf32, #tpu.memory_space<hbm>>
        %dma_wait3A_711 = tpu.memref_squeeze %dma_wait3A_710 : memref<1x1x8x128xf32, #tpu.memory_space<hbm>> -> memref<8x128xf32, #tpu.memory_space<hbm>>
        %dma_wait3A_712 = arith.constant 0 : i32
        %dma_wait3A_713 = arith.constant 0 : i32
        %dma_wait3A_714 = tpu.memref_slice %arg10[%dma_wait3A_712, %dma_wait3A_713] : memref<64x129xf32, #tpu.memory_space<vmem>> -> memref<8x128xf32, #tpu.memory_space<vmem>>
        tpu.wait_dma2 semaphore(%arg14 : memref<!tpu.dma_semaphore, #tpu.memory_space<semaphore_mem>>) src(%dma_wait3A_714 : memref<8x128xf32, #tpu.memory_space<vmem>>) dst(%dma_wait3A_711 : memref<8x128xf32, #tpu.memory_space<hbm>>)
        %dma_wait3A_715 = arith.constant 8 : i32
        %dma_wait3A_716 = arith.constant 0 : i32
        %dma_wait3A_717 = tpu.memref_slice %arg10[%dma_wait3A_715, %dma_wait3A_716] : memref<64x129xf32, #tpu.memory_space<vmem>> -> memref<8x128xf32, #tpu.memory_space<vmem>>
        %dma_wait3A_718 = arith.constant 0 : i32
        %dma_wait3A_719 = arith.constant 0 : i32
        %dma_wait3A_720 = tpu.memref_slice %arg4[%add3A_676, %add3A, %dma_wait3A_718, %dma_wait3A_719] : memref<1600x32x8x128xf32, #tpu.memory_space<hbm>> -> memref<1x1x8x128xf32, #tpu.memory_space<hbm>>
        %dma_wait3A_721 = tpu.memref_squeeze %dma_wait3A_720 : memref<1x1x8x128xf32, #tpu.memory_space<hbm>> -> memref<8x128xf32, #tpu.memory_space<hbm>>
        %dma_wait3A_722 = arith.constant 0 : i32
        %dma_wait3A_723 = arith.constant 0 : i32
        %dma_wait3A_724 = tpu.memref_slice %arg4[%add3A_676, %add3A, %dma_wait3A_722, %dma_wait3A_723] : memref<1600x32x8x128xf32, #tpu.memory_space<hbm>> -> memref<1x1x8x128xf32, #tpu.memory_space<hbm>>
        %dma_wait3A_725 = tpu.memref_squeeze %dma_wait3A_724 : memref<1x1x8x128xf32, #tpu.memory_space<hbm>> -> memref<8x128xf32, #tpu.memory_space<hbm>>
        %dma_wait3A_726 = arith.constant 8 : i32
        %dma_wait3A_727 = arith.constant 0 : i32
        %dma_wait3A_728 = tpu.memref_slice %arg10[%dma_wait3A_726, %dma_wait3A_727] : memref<64x129xf32, #tpu.memory_space<vmem>> -> memref<8x128xf32, #tpu.memory_space<vmem>>
        tpu.wait_dma2 semaphore(%arg14 : memref<!tpu.dma_semaphore, #tpu.memory_space<semaphore_mem>>) src(%dma_wait3A_728 : memref<8x128xf32, #tpu.memory_space<vmem>>) dst(%dma_wait3A_725 : memref<8x128xf32, #tpu.memory_space<hbm>>)
        %dma_wait3A_729 = arith.constant 16 : i32
        %dma_wait3A_730 = arith.constant 0 : i32
        %dma_wait3A_731 = tpu.memref_slice %arg10[%dma_wait3A_729, %dma_wait3A_730] : memref<64x129xf32, #tpu.memory_space<vmem>> -> memref<8x128xf32, #tpu.memory_space<vmem>>
        %dma_wait3A_732 = arith.constant 0 : i32
        %dma_wait3A_733 = arith.constant 0 : i32
        %dma_wait3A_734 = tpu.memref_slice %arg4[%add3A_680, %add3A, %dma_wait3A_732, %dma_wait3A_733] : memref<1600x32x8x128xf32, #tpu.memory_space<hbm>> -> memref<1x1x8x128xf32, #tpu.memory_space<hbm>>
        %dma_wait3A_735 = tpu.memref_squeeze %dma_wait3A_734 : memref<1x1x8x128xf32, #tpu.memory_space<hbm>> -> memref<8x128xf32, #tpu.memory_space<hbm>>
        %dma_wait3A_736 = arith.constant 0 : i32
        %dma_wait3A_737 = arith.constant 0 : i32
        %dma_wait3A_738 = tpu.memref_slice %arg4[%add3A_680, %add3A, %dma_wait3A_736, %dma_wait3A_737] : memref<1600x32x8x128xf32, #tpu.memory_space<hbm>> -> memref<1x1x8x128xf32, #tpu.memory_space<hbm>>
        %dma_wait3A_739 = tpu.memref_squeeze %dma_wait3A_738 : memref<1x1x8x128xf32, #tpu.memory_space<hbm>> -> memref<8x128xf32, #tpu.memory_space<hbm>>
        %dma_wait3A_740 = arith.constant 16 : i32
        %dma_wait3A_741 = arith.constant 0 : i32
        %dma_wait3A_742 = tpu.memref_slice %arg10[%dma_wait3A_740, %dma_wait3A_741] : memref<64x129xf32, #tpu.memory_space<vmem>> -> memref<8x128xf32, #tpu.memory_space<vmem>>
        tpu.wait_dma2 semaphore(%arg14 : memref<!tpu.dma_semaphore, #tpu.memory_space<semaphore_mem>>) src(%dma_wait3A_742 : memref<8x128xf32, #tpu.memory_space<vmem>>) dst(%dma_wait3A_739 : memref<8x128xf32, #tpu.memory_space<hbm>>)
        %dma_wait3A_743 = arith.constant 24 : i32
        %dma_wait3A_744 = arith.constant 0 : i32
        %dma_wait3A_745 = tpu.memref_slice %arg10[%dma_wait3A_743, %dma_wait3A_744] : memref<64x129xf32, #tpu.memory_space<vmem>> -> memref<8x128xf32, #tpu.memory_space<vmem>>
        %dma_wait3A_746 = arith.constant 0 : i32
        %dma_wait3A_747 = arith.constant 0 : i32
        %dma_wait3A_748 = tpu.memref_slice %arg4[%add3A_684, %add3A, %dma_wait3A_746, %dma_wait3A_747] : memref<1600x32x8x128xf32, #tpu.memory_space<hbm>> -> memref<1x1x8x128xf32, #tpu.memory_space<hbm>>
        %dma_wait3A_749 = tpu.memref_squeeze %dma_wait3A_748 : memref<1x1x8x128xf32, #tpu.memory_space<hbm>> -> memref<8x128xf32, #tpu.memory_space<hbm>>
        %dma_wait3A_750 = arith.constant 0 : i32
        %dma_wait3A_751 = arith.constant 0 : i32
        %dma_wait3A_752 = tpu.memref_slice %arg4[%add3A_684, %add3A, %dma_wait3A_750, %dma_wait3A_751] : memref<1600x32x8x128xf32, #tpu.memory_space<hbm>> -> memref<1x1x8x128xf32, #tpu.memory_space<hbm>>
        %dma_wait3A_753 = tpu.memref_squeeze %dma_wait3A_752 : memref<1x1x8x128xf32, #tpu.memory_space<hbm>> -> memref<8x128xf32, #tpu.memory_space<hbm>>
        %dma_wait3A_754 = arith.constant 24 : i32
        %dma_wait3A_755 = arith.constant 0 : i32
        %dma_wait3A_756 = tpu.memref_slice %arg10[%dma_wait3A_754, %dma_wait3A_755] : memref<64x129xf32, #tpu.memory_space<vmem>> -> memref<8x128xf32, #tpu.memory_space<vmem>>
        tpu.wait_dma2 semaphore(%arg14 : memref<!tpu.dma_semaphore, #tpu.memory_space<semaphore_mem>>) src(%dma_wait3A_756 : memref<8x128xf32, #tpu.memory_space<vmem>>) dst(%dma_wait3A_753 : memref<8x128xf32, #tpu.memory_space<hbm>>)
        %dma_wait3A_757 = arith.constant 32 : i32
        %dma_wait3A_758 = arith.constant 0 : i32
        %dma_wait3A_759 = tpu.memref_slice %arg10[%dma_wait3A_757, %dma_wait3A_758] : memref<64x129xf32, #tpu.memory_space<vmem>> -> memref<8x128xf32, #tpu.memory_space<vmem>>
        %dma_wait3A_760 = arith.constant 0 : i32
        %dma_wait3A_761 = arith.constant 0 : i32
        %dma_wait3A_762 = tpu.memref_slice %arg4[%add3A_688, %add3A, %dma_wait3A_760, %dma_wait3A_761] : memref<1600x32x8x128xf32, #tpu.memory_space<hbm>> -> memref<1x1x8x128xf32, #tpu.memory_space<hbm>>
        %dma_wait3A_763 = tpu.memref_squeeze %dma_wait3A_762 : memref<1x1x8x128xf32, #tpu.memory_space<hbm>> -> memref<8x128xf32, #tpu.memory_space<hbm>>
        %dma_wait3A_764 = arith.constant 0 : i32
        %dma_wait3A_765 = arith.constant 0 : i32
        %dma_wait3A_766 = tpu.memref_slice %arg4[%add3A_688, %add3A, %dma_wait3A_764, %dma_wait3A_765] : memref<1600x32x8x128xf32, #tpu.memory_space<hbm>> -> memref<1x1x8x128xf32, #tpu.memory_space<hbm>>
        %dma_wait3A_767 = tpu.memref_squeeze %dma_wait3A_766 : memref<1x1x8x128xf32, #tpu.memory_space<hbm>> -> memref<8x128xf32, #tpu.memory_space<hbm>>
        %dma_wait3A_768 = arith.constant 32 : i32
        %dma_wait3A_769 = arith.constant 0 : i32
        %dma_wait3A_770 = tpu.memref_slice %arg10[%dma_wait3A_768, %dma_wait3A_769] : memref<64x129xf32, #tpu.memory_space<vmem>> -> memref<8x128xf32, #tpu.memory_space<vmem>>
        tpu.wait_dma2 semaphore(%arg14 : memref<!tpu.dma_semaphore, #tpu.memory_space<semaphore_mem>>) src(%dma_wait3A_770 : memref<8x128xf32, #tpu.memory_space<vmem>>) dst(%dma_wait3A_767 : memref<8x128xf32, #tpu.memory_space<hbm>>)
        %dma_wait3A_771 = arith.constant 40 : i32
        %dma_wait3A_772 = arith.constant 0 : i32
        %dma_wait3A_773 = tpu.memref_slice %arg10[%dma_wait3A_771, %dma_wait3A_772] : memref<64x129xf32, #tpu.memory_space<vmem>> -> memref<8x128xf32, #tpu.memory_space<vmem>>
        %dma_wait3A_774 = arith.constant 0 : i32
        %dma_wait3A_775 = arith.constant 0 : i32
        %dma_wait3A_776 = tpu.memref_slice %arg4[%add3A_692, %add3A, %dma_wait3A_774, %dma_wait3A_775] : memref<1600x32x8x128xf32, #tpu.memory_space<hbm>> -> memref<1x1x8x128xf32, #tpu.memory_space<hbm>>
        %dma_wait3A_777 = tpu.memref_squeeze %dma_wait3A_776 : memref<1x1x8x128xf32, #tpu.memory_space<hbm>> -> memref<8x128xf32, #tpu.memory_space<hbm>>
        %dma_wait3A_778 = arith.constant 0 : i32
        %dma_wait3A_779 = arith.constant 0 : i32
        %dma_wait3A_780 = tpu.memref_slice %arg4[%add3A_692, %add3A, %dma_wait3A_778, %dma_wait3A_779] : memref<1600x32x8x128xf32, #tpu.memory_space<hbm>> -> memref<1x1x8x128xf32, #tpu.memory_space<hbm>>
        %dma_wait3A_781 = tpu.memref_squeeze %dma_wait3A_780 : memref<1x1x8x128xf32, #tpu.memory_space<hbm>> -> memref<8x128xf32, #tpu.memory_space<hbm>>
        %dma_wait3A_782 = arith.constant 40 : i32
        %dma_wait3A_783 = arith.constant 0 : i32
        %dma_wait3A_784 = tpu.memref_slice %arg10[%dma_wait3A_782, %dma_wait3A_783] : memref<64x129xf32, #tpu.memory_space<vmem>> -> memref<8x128xf32, #tpu.memory_space<vmem>>
        tpu.wait_dma2 semaphore(%arg14 : memref<!tpu.dma_semaphore, #tpu.memory_space<semaphore_mem>>) src(%dma_wait3A_784 : memref<8x128xf32, #tpu.memory_space<vmem>>) dst(%dma_wait3A_781 : memref<8x128xf32, #tpu.memory_space<hbm>>)
        %dma_wait3A_785 = arith.constant 48 : i32
        %dma_wait3A_786 = arith.constant 0 : i32
        %dma_wait3A_787 = tpu.memref_slice %arg10[%dma_wait3A_785, %dma_wait3A_786] : memref<64x129xf32, #tpu.memory_space<vmem>> -> memref<8x128xf32, #tpu.memory_space<vmem>>
        %dma_wait3A_788 = arith.constant 0 : i32
        %dma_wait3A_789 = arith.constant 0 : i32
        %dma_wait3A_790 = tpu.memref_slice %arg4[%add3A_696, %add3A, %dma_wait3A_788, %dma_wait3A_789] : memref<1600x32x8x128xf32, #tpu.memory_space<hbm>> -> memref<1x1x8x128xf32, #tpu.memory_space<hbm>>
        %dma_wait3A_791 = tpu.memref_squeeze %dma_wait3A_790 : memref<1x1x8x128xf32, #tpu.memory_space<hbm>> -> memref<8x128xf32, #tpu.memory_space<hbm>>
        %dma_wait3A_792 = arith.constant 0 : i32
        %dma_wait3A_793 = arith.constant 0 : i32
        %dma_wait3A_794 = tpu.memref_slice %arg4[%add3A_696, %add3A, %dma_wait3A_792, %dma_wait3A_793] : memref<1600x32x8x128xf32, #tpu.memory_space<hbm>> -> memref<1x1x8x128xf32, #tpu.memory_space<hbm>>
        %dma_wait3A_795 = tpu.memref_squeeze %dma_wait3A_794 : memref<1x1x8x128xf32, #tpu.memory_space<hbm>> -> memref<8x128xf32, #tpu.memory_space<hbm>>
        %dma_wait3A_796 = arith.constant 48 : i32
        %dma_wait3A_797 = arith.constant 0 : i32
        %dma_wait3A_798 = tpu.memref_slice %arg10[%dma_wait3A_796, %dma_wait3A_797] : memref<64x129xf32, #tpu.memory_space<vmem>> -> memref<8x128xf32, #tpu.memory_space<vmem>>
        tpu.wait_dma2 semaphore(%arg14 : memref<!tpu.dma_semaphore, #tpu.memory_space<semaphore_mem>>) src(%dma_wait3A_798 : memref<8x128xf32, #tpu.memory_space<vmem>>) dst(%dma_wait3A_795 : memref<8x128xf32, #tpu.memory_space<hbm>>)
        %dma_wait3A_799 = arith.constant 56 : i32
        %dma_wait3A_800 = arith.constant 0 : i32
        %dma_wait3A_801 = tpu.memref_slice %arg10[%dma_wait3A_799, %dma_wait3A_800] : memref<64x129xf32, #tpu.memory_space<vmem>> -> memref<8x128xf32, #tpu.memory_space<vmem>>
        %dma_wait3A_802 = arith.constant 0 : i32
        %dma_wait3A_803 = arith.constant 0 : i32
        %dma_wait3A_804 = tpu.memref_slice %arg4[%add3A_700, %add3A, %dma_wait3A_802, %dma_wait3A_803] : memref<1600x32x8x128xf32, #tpu.memory_space<hbm>> -> memref<1x1x8x128xf32, #tpu.memory_space<hbm>>
        %dma_wait3A_805 = tpu.memref_squeeze %dma_wait3A_804 : memref<1x1x8x128xf32, #tpu.memory_space<hbm>> -> memref<8x128xf32, #tpu.memory_space<hbm>>
        %dma_wait3A_806 = arith.constant 0 : i32
        %dma_wait3A_807 = arith.constant 0 : i32
        %dma_wait3A_808 = tpu.memref_slice %arg4[%add3A_700, %add3A, %dma_wait3A_806, %dma_wait3A_807] : memref<1600x32x8x128xf32, #tpu.memory_space<hbm>> -> memref<1x1x8x128xf32, #tpu.memory_space<hbm>>
        %dma_wait3A_809 = tpu.memref_squeeze %dma_wait3A_808 : memref<1x1x8x128xf32, #tpu.memory_space<hbm>> -> memref<8x128xf32, #tpu.memory_space<hbm>>
        %dma_wait3A_810 = arith.constant 56 : i32
        %dma_wait3A_811 = arith.constant 0 : i32
        %dma_wait3A_812 = tpu.memref_slice %arg10[%dma_wait3A_810, %dma_wait3A_811] : memref<64x129xf32, #tpu.memory_space<vmem>> -> memref<8x128xf32, #tpu.memory_space<vmem>>
        tpu.wait_dma2 semaphore(%arg14 : memref<!tpu.dma_semaphore, #tpu.memory_space<semaphore_mem>>) src(%dma_wait3A_812 : memref<8x128xf32, #tpu.memory_space<vmem>>) dst(%dma_wait3A_809 : memref<8x128xf32, #tpu.memory_space<hbm>>)
      } else {
      }
      %dma_wait3A_500 = arith.constant 0 : i32
      %dma_wait3A_501 = tpu.memref_slice %arg6[%add3A_313, %dma_wait3A_500] : memref<200x128xi32, #tpu.memory_space<vmem>> -> memref<1x128xi32, #tpu.memory_space<vmem>>
      %dma_wait3A_502 = tpu.memref_squeeze %dma_wait3A_501 : memref<1x128xi32, #tpu.memory_space<vmem>> -> memref<128xi32, #tpu.memory_space<vmem>>
      %dma_wait3A_503 = arith.constant 0 : i32
      %dma_wait3A_504 = arith.constant 0 : i32
      %dma_wait3A_505 = tpu.memref_slice %arg3[%dma_wait3A_503, %dma_wait3A_504] : memref<1000000x64xf32, #tpu.memory_space<hbm>> -> memref<1000000x64xf32, #tpu.memory_space<hbm>>
      tpu.wait_indirect_dma semaphore(%arg12 : memref<!tpu.dma_semaphore, #tpu.memory_space<semaphore_mem>>) src(%dma_wait3A_505 : memref<1000000x64xf32, #tpu.memory_space<hbm>>) dst(%arg8 : memref<128x64xf32, #tpu.memory_space<vmem>>)
      %iota3A_506 = tpu.iota {dimensions = array<i32: 0>} : vector<16xi32>
      %add3A_507 = arith.constant 0 : i32
      %add3A_508 = vector.broadcast %add3A_507 : i32 to vector<16xi32>
      %add3A_509 = arith.addi %iota3A_506, %add3A_508 : vector<16xi32>
      %add3A_510 = arith.constant 16 : i32
      %add3A_511 = vector.broadcast %add3A_510 : i32 to vector<16xi32>
      %add3A_512 = arith.addi %iota3A_506, %add3A_511 : vector<16xi32>
      %add3A_513 = arith.constant 32 : i32
      %add3A_514 = vector.broadcast %add3A_513 : i32 to vector<16xi32>
      %add3A_515 = arith.addi %iota3A_506, %add3A_514 : vector<16xi32>
      %add3A_516 = arith.constant 48 : i32
      %add3A_517 = vector.broadcast %add3A_516 : i32 to vector<16xi32>
      %add3A_518 = arith.addi %iota3A_506, %add3A_517 : vector<16xi32>
      %scan3A_519 = arith.constant 0 : i32
      %scan3A_520 = arith.constant 0 : i32
      %scan3A_521 = arith.constant 128 : i32
      %scan3A_522 = arith.addi %scan3A_520, %scan3A_521 : i32
      %scan3A_523 = arith.constant 8 : i32
      scf.for %scan3A_669 = %scan3A_520 to %scan3A_522 step %scan3A_523  : i32 {
        %broadcast_in_dim3A = vector.broadcast %scan3A_669 : i32 to vector<16xi32>
        %get3A = arith.index_cast %scan3A_669 : i32 to index
        %get3A_670 = arith.constant 0 : index
        %get3A_671 = tpu.vector_load %arg8[%get3A, %get3A_670] {strides = array<i32>} : memref<128x64xf32, #tpu.memory_space<vmem>>, vector<16xf32>,
        tpu.vector_store_idx %arg10[%add3A_509, %broadcast_in_dim3A], %get3A_671 : memref<64x129xf32, #tpu.memory_space<vmem>>[vector<16xi32>, vector<16xi32>], vector<16xf32>,
        %get3A_672 = arith.index_cast %scan3A_669 : i32 to index
        %get3A_673 = arith.constant 16 : index
        %get3A_674 = tpu.vector_load %arg8[%get3A_672, %get3A_673] {strides = array<i32>} : memref<128x64xf32, #tpu.memory_space<vmem>>, vector<16xf32>,
        tpu.vector_store_idx %arg10[%add3A_512, %broadcast_in_dim3A], %get3A_674 : memref<64x129xf32, #tpu.memory_space<vmem>>[vector<16xi32>, vector<16xi32>], vector<16xf32>,
        %get3A_675 = arith.index_cast %scan3A_669 : i32 to index
        %get3A_676 = arith.constant 32 : index
        %get3A_677 = tpu.vector_load %arg8[%get3A_675, %get3A_676] {strides = array<i32>} : memref<128x64xf32, #tpu.memory_space<vmem>>, vector<16xf32>,
        tpu.vector_store_idx %arg10[%add3A_515, %broadcast_in_dim3A], %get3A_677 : memref<64x129xf32, #tpu.memory_space<vmem>>[vector<16xi32>, vector<16xi32>], vector<16xf32>,
        %get3A_678 = arith.index_cast %scan3A_669 : i32 to index
        %get3A_679 = arith.constant 48 : index
        %get3A_680 = tpu.vector_load %arg8[%get3A_678, %get3A_679] {strides = array<i32>} : memref<128x64xf32, #tpu.memory_space<vmem>>, vector<16xf32>,
        tpu.vector_store_idx %arg10[%add3A_518, %broadcast_in_dim3A], %get3A_680 : memref<64x129xf32, #tpu.memory_space<vmem>>[vector<16xi32>, vector<16xi32>], vector<16xf32>,
        %scan3A_681 = arith.constant 1 : i32
        %scan3A_682 = arith.addi %scan3A_669, %scan3A_681 : i32
        %broadcast_in_dim3A_683 = vector.broadcast %scan3A_682 : i32 to vector<16xi32>
        %get3A_684 = arith.index_cast %scan3A_682 : i32 to index
        %get3A_685 = arith.constant 0 : index
        %get3A_686 = tpu.vector_load %arg8[%get3A_684, %get3A_685] {strides = array<i32>} : memref<128x64xf32, #tpu.memory_space<vmem>>, vector<16xf32>,
        tpu.vector_store_idx %arg10[%add3A_509, %broadcast_in_dim3A_683], %get3A_686 : memref<64x129xf32, #tpu.memory_space<vmem>>[vector<16xi32>, vector<16xi32>], vector<16xf32>,
        %get3A_687 = arith.index_cast %scan3A_682 : i32 to index
        %get3A_688 = arith.constant 16 : index
        %get3A_689 = tpu.vector_load %arg8[%get3A_687, %get3A_688] {strides = array<i32>} : memref<128x64xf32, #tpu.memory_space<vmem>>, vector<16xf32>,
        tpu.vector_store_idx %arg10[%add3A_512, %broadcast_in_dim3A_683], %get3A_689 : memref<64x129xf32, #tpu.memory_space<vmem>>[vector<16xi32>, vector<16xi32>], vector<16xf32>,
        %get3A_690 = arith.index_cast %scan3A_682 : i32 to index
        %get3A_691 = arith.constant 32 : index
        %get3A_692 = tpu.vector_load %arg8[%get3A_690, %get3A_691] {strides = array<i32>} : memref<128x64xf32, #tpu.memory_space<vmem>>, vector<16xf32>,
        tpu.vector_store_idx %arg10[%add3A_515, %broadcast_in_dim3A_683], %get3A_692 : memref<64x129xf32, #tpu.memory_space<vmem>>[vector<16xi32>, vector<16xi32>], vector<16xf32>,
        %get3A_693 = arith.index_cast %scan3A_682 : i32 to index
        %get3A_694 = arith.constant 48 : index
        %get3A_695 = tpu.vector_load %arg8[%get3A_693, %get3A_694] {strides = array<i32>} : memref<128x64xf32, #tpu.memory_space<vmem>>, vector<16xf32>,
        tpu.vector_store_idx %arg10[%add3A_518, %broadcast_in_dim3A_683], %get3A_695 : memref<64x129xf32, #tpu.memory_space<vmem>>[vector<16xi32>, vector<16xi32>], vector<16xf32>,
        %scan3A_696 = arith.constant 2 : i32
        %scan3A_697 = arith.addi %scan3A_669, %scan3A_696 : i32
        %broadcast_in_dim3A_698 = vector.broadcast %scan3A_697 : i32 to vector<16xi32>
        %get3A_699 = arith.index_cast %scan3A_697 : i32 to index
        %get3A_700 = arith.constant 0 : index
        %get3A_701 = tpu.vector_load %arg8[%get3A_699, %get3A_700] {strides = array<i32>} : memref<128x64xf32, #tpu.memory_space<vmem>>, vector<16xf32>,
        tpu.vector_store_idx %arg10[%add3A_509, %broadcast_in_dim3A_698], %get3A_701 : memref<64x129xf32, #tpu.memory_space<vmem>>[vector<16xi32>, vector<16xi32>], vector<16xf32>,
        %get3A_702 = arith.index_cast %scan3A_697 : i32 to index
        %get3A_703 = arith.constant 16 : index
        %get3A_704 = tpu.vector_load %arg8[%get3A_702, %get3A_703] {strides = array<i32>} : memref<128x64xf32, #tpu.memory_space<vmem>>, vector<16xf32>,
        tpu.vector_store_idx %arg10[%add3A_512, %broadcast_in_dim3A_698], %get3A_704 : memref<64x129xf32, #tpu.memory_space<vmem>>[vector<16xi32>, vector<16xi32>], vector<16xf32>,
        %get3A_705 = arith.index_cast %scan3A_697 : i32 to index
        %get3A_706 = arith.constant 32 : index
        %get3A_707 = tpu.vector_load %arg8[%get3A_705, %get3A_706] {strides = array<i32>} : memref<128x64xf32, #tpu.memory_space<vmem>>, vector<16xf32>,
        tpu.vector_store_idx %arg10[%add3A_515, %broadcast_in_dim3A_698], %get3A_707 : memref<64x129xf32, #tpu.memory_space<vmem>>[vector<16xi32>, vector<16xi32>], vector<16xf32>,
        %get3A_708 = arith.index_cast %scan3A_697 : i32 to index
        %get3A_709 = arith.constant 48 : index
        %get3A_710 = tpu.vector_load %arg8[%get3A_708, %get3A_709] {strides = array<i32>} : memref<128x64xf32, #tpu.memory_space<vmem>>, vector<16xf32>,
        tpu.vector_store_idx %arg10[%add3A_518, %broadcast_in_dim3A_698], %get3A_710 : memref<64x129xf32, #tpu.memory_space<vmem>>[vector<16xi32>, vector<16xi32>], vector<16xf32>,
        %scan3A_711 = arith.constant 3 : i32
        %scan3A_712 = arith.addi %scan3A_669, %scan3A_711 : i32
        %broadcast_in_dim3A_713 = vector.broadcast %scan3A_712 : i32 to vector<16xi32>
        %get3A_714 = arith.index_cast %scan3A_712 : i32 to index
        %get3A_715 = arith.constant 0 : index
        %get3A_716 = tpu.vector_load %arg8[%get3A_714, %get3A_715] {strides = array<i32>} : memref<128x64xf32, #tpu.memory_space<vmem>>, vector<16xf32>,
        tpu.vector_store_idx %arg10[%add3A_509, %broadcast_in_dim3A_713], %get3A_716 : memref<64x129xf32, #tpu.memory_space<vmem>>[vector<16xi32>, vector<16xi32>], vector<16xf32>,
        %get3A_717 = arith.index_cast %scan3A_712 : i32 to index
        %get3A_718 = arith.constant 16 : index
        %get3A_719 = tpu.vector_load %arg8[%get3A_717, %get3A_718] {strides = array<i32>} : memref<128x64xf32, #tpu.memory_space<vmem>>, vector<16xf32>,
        tpu.vector_store_idx %arg10[%add3A_512, %broadcast_in_dim3A_713], %get3A_719 : memref<64x129xf32, #tpu.memory_space<vmem>>[vector<16xi32>, vector<16xi32>], vector<16xf32>,
        %get3A_720 = arith.index_cast %scan3A_712 : i32 to index
        %get3A_721 = arith.constant 32 : index
        %get3A_722 = tpu.vector_load %arg8[%get3A_720, %get3A_721] {strides = array<i32>} : memref<128x64xf32, #tpu.memory_space<vmem>>, vector<16xf32>,
        tpu.vector_store_idx %arg10[%add3A_515, %broadcast_in_dim3A_713], %get3A_722 : memref<64x129xf32, #tpu.memory_space<vmem>>[vector<16xi32>, vector<16xi32>], vector<16xf32>,
        %get3A_723 = arith.index_cast %scan3A_712 : i32 to index
        %get3A_724 = arith.constant 48 : index
        %get3A_725 = tpu.vector_load %arg8[%get3A_723, %get3A_724] {strides = array<i32>} : memref<128x64xf32, #tpu.memory_space<vmem>>, vector<16xf32>,
        tpu.vector_store_idx %arg10[%add3A_518, %broadcast_in_dim3A_713], %get3A_725 : memref<64x129xf32, #tpu.memory_space<vmem>>[vector<16xi32>, vector<16xi32>], vector<16xf32>,
        %scan3A_726 = arith.constant 4 : i32
        %scan3A_727 = arith.addi %scan3A_669, %scan3A_726 : i32
        %broadcast_in_dim3A_728 = vector.broadcast %scan3A_727 : i32 to vector<16xi32>
        %get3A_729 = arith.index_cast %scan3A_727 : i32 to index
        %get3A_730 = arith.constant 0 : index
        %get3A_731 = tpu.vector_load %arg8[%get3A_729, %get3A_730] {strides = array<i32>} : memref<128x64xf32, #tpu.memory_space<vmem>>, vector<16xf32>,
        tpu.vector_store_idx %arg10[%add3A_509, %broadcast_in_dim3A_728], %get3A_731 : memref<64x129xf32, #tpu.memory_space<vmem>>[vector<16xi32>, vector<16xi32>], vector<16xf32>,
        %get3A_732 = arith.index_cast %scan3A_727 : i32 to index
        %get3A_733 = arith.constant 16 : index
        %get3A_734 = tpu.vector_load %arg8[%get3A_732, %get3A_733] {strides = array<i32>} : memref<128x64xf32, #tpu.memory_space<vmem>>, vector<16xf32>,
        tpu.vector_store_idx %arg10[%add3A_512, %broadcast_in_dim3A_728], %get3A_734 : memref<64x129xf32, #tpu.memory_space<vmem>>[vector<16xi32>, vector<16xi32>], vector<16xf32>,
        %get3A_735 = arith.index_cast %scan3A_727 : i32 to index
        %get3A_736 = arith.constant 32 : index
        %get3A_737 = tpu.vector_load %arg8[%get3A_735, %get3A_736] {strides = array<i32>} : memref<128x64xf32, #tpu.memory_space<vmem>>, vector<16xf32>,
        tpu.vector_store_idx %arg10[%add3A_515, %broadcast_in_dim3A_728], %get3A_737 : memref<64x129xf32, #tpu.memory_space<vmem>>[vector<16xi32>, vector<16xi32>], vector<16xf32>,
        %get3A_738 = arith.index_cast %scan3A_727 : i32 to index
        %get3A_739 = arith.constant 48 : index
        %get3A_740 = tpu.vector_load %arg8[%get3A_738, %get3A_739] {strides = array<i32>} : memref<128x64xf32, #tpu.memory_space<vmem>>, vector<16xf32>,
        tpu.vector_store_idx %arg10[%add3A_518, %broadcast_in_dim3A_728], %get3A_740 : memref<64x129xf32, #tpu.memory_space<vmem>>[vector<16xi32>, vector<16xi32>], vector<16xf32>,
        %scan3A_741 = arith.constant 5 : i32
        %scan3A_742 = arith.addi %scan3A_669, %scan3A_741 : i32
        %broadcast_in_dim3A_743 = vector.broadcast %scan3A_742 : i32 to vector<16xi32>
        %get3A_744 = arith.index_cast %scan3A_742 : i32 to index
        %get3A_745 = arith.constant 0 : index
        %get3A_746 = tpu.vector_load %arg8[%get3A_744, %get3A_745] {strides = array<i32>} : memref<128x64xf32, #tpu.memory_space<vmem>>, vector<16xf32>,
        tpu.vector_store_idx %arg10[%add3A_509, %broadcast_in_dim3A_743], %get3A_746 : memref<64x129xf32, #tpu.memory_space<vmem>>[vector<16xi32>, vector<16xi32>], vector<16xf32>,
        %get3A_747 = arith.index_cast %scan3A_742 : i32 to index
        %get3A_748 = arith.constant 16 : index
        %get3A_749 = tpu.vector_load %arg8[%get3A_747, %get3A_748] {strides = array<i32>} : memref<128x64xf32, #tpu.memory_space<vmem>>, vector<16xf32>,
        tpu.vector_store_idx %arg10[%add3A_512, %broadcast_in_dim3A_743], %get3A_749 : memref<64x129xf32, #tpu.memory_space<vmem>>[vector<16xi32>, vector<16xi32>], vector<16xf32>,
        %get3A_750 = arith.index_cast %scan3A_742 : i32 to index
        %get3A_751 = arith.constant 32 : index
        %get3A_752 = tpu.vector_load %arg8[%get3A_750, %get3A_751] {strides = array<i32>} : memref<128x64xf32, #tpu.memory_space<vmem>>, vector<16xf32>,
        tpu.vector_store_idx %arg10[%add3A_515, %broadcast_in_dim3A_743], %get3A_752 : memref<64x129xf32, #tpu.memory_space<vmem>>[vector<16xi32>, vector<16xi32>], vector<16xf32>,
        %get3A_753 = arith.index_cast %scan3A_742 : i32 to index
        %get3A_754 = arith.constant 48 : index
        %get3A_755 = tpu.vector_load %arg8[%get3A_753, %get3A_754] {strides = array<i32>} : memref<128x64xf32, #tpu.memory_space<vmem>>, vector<16xf32>,
        tpu.vector_store_idx %arg10[%add3A_518, %broadcast_in_dim3A_743], %get3A_755 : memref<64x129xf32, #tpu.memory_space<vmem>>[vector<16xi32>, vector<16xi32>], vector<16xf32>,
        %scan3A_756 = arith.constant 6 : i32
        %scan3A_757 = arith.addi %scan3A_669, %scan3A_756 : i32
        %broadcast_in_dim3A_758 = vector.broadcast %scan3A_757 : i32 to vector<16xi32>
        %get3A_759 = arith.index_cast %scan3A_757 : i32 to index
        %get3A_760 = arith.constant 0 : index
        %get3A_761 = tpu.vector_load %arg8[%get3A_759, %get3A_760] {strides = array<i32>} : memref<128x64xf32, #tpu.memory_space<vmem>>, vector<16xf32>,
        tpu.vector_store_idx %arg10[%add3A_509, %broadcast_in_dim3A_758], %get3A_761 : memref<64x129xf32, #tpu.memory_space<vmem>>[vector<16xi32>, vector<16xi32>], vector<16xf32>,
        %get3A_762 = arith.index_cast %scan3A_757 : i32 to index
        %get3A_763 = arith.constant 16 : index
        %get3A_764 = tpu.vector_load %arg8[%get3A_762, %get3A_763] {strides = array<i32>} : memref<128x64xf32, #tpu.memory_space<vmem>>, vector<16xf32>,
        tpu.vector_store_idx %arg10[%add3A_512, %broadcast_in_dim3A_758], %get3A_764 : memref<64x129xf32, #tpu.memory_space<vmem>>[vector<16xi32>, vector<16xi32>], vector<16xf32>,
        %get3A_765 = arith.index_cast %scan3A_757 : i32 to index
        %get3A_766 = arith.constant 32 : index
        %get3A_767 = tpu.vector_load %arg8[%get3A_765, %get3A_766] {strides = array<i32>} : memref<128x64xf32, #tpu.memory_space<vmem>>, vector<16xf32>,
        tpu.vector_store_idx %arg10[%add3A_515, %broadcast_in_dim3A_758], %get3A_767 : memref<64x129xf32, #tpu.memory_space<vmem>>[vector<16xi32>, vector<16xi32>], vector<16xf32>,
        %get3A_768 = arith.index_cast %scan3A_757 : i32 to index
        %get3A_769 = arith.constant 48 : index
        %get3A_770 = tpu.vector_load %arg8[%get3A_768, %get3A_769] {strides = array<i32>} : memref<128x64xf32, #tpu.memory_space<vmem>>, vector<16xf32>,
        tpu.vector_store_idx %arg10[%add3A_518, %broadcast_in_dim3A_758], %get3A_770 : memref<64x129xf32, #tpu.memory_space<vmem>>[vector<16xi32>, vector<16xi32>], vector<16xf32>,
        %scan3A_771 = arith.constant 7 : i32
        %scan3A_772 = arith.addi %scan3A_669, %scan3A_771 : i32
        %broadcast_in_dim3A_773 = vector.broadcast %scan3A_772 : i32 to vector<16xi32>
        %get3A_774 = arith.index_cast %scan3A_772 : i32 to index
        %get3A_775 = arith.constant 0 : index
        %get3A_776 = tpu.vector_load %arg8[%get3A_774, %get3A_775] {strides = array<i32>} : memref<128x64xf32, #tpu.memory_space<vmem>>, vector<16xf32>,
        tpu.vector_store_idx %arg10[%add3A_509, %broadcast_in_dim3A_773], %get3A_776 : memref<64x129xf32, #tpu.memory_space<vmem>>[vector<16xi32>, vector<16xi32>], vector<16xf32>,
        %get3A_777 = arith.index_cast %scan3A_772 : i32 to index
        %get3A_778 = arith.constant 16 : index
        %get3A_779 = tpu.vector_load %arg8[%get3A_777, %get3A_778] {strides = array<i32>} : memref<128x64xf32, #tpu.memory_space<vmem>>, vector<16xf32>,
        tpu.vector_store_idx %arg10[%add3A_512, %broadcast_in_dim3A_773], %get3A_779 : memref<64x129xf32, #tpu.memory_space<vmem>>[vector<16xi32>, vector<16xi32>], vector<16xf32>,
        %get3A_780 = arith.index_cast %scan3A_772 : i32 to index
        %get3A_781 = arith.constant 32 : index
        %get3A_782 = tpu.vector_load %arg8[%get3A_780, %get3A_781] {strides = array<i32>} : memref<128x64xf32, #tpu.memory_space<vmem>>, vector<16xf32>,
        tpu.vector_store_idx %arg10[%add3A_515, %broadcast_in_dim3A_773], %get3A_782 : memref<64x129xf32, #tpu.memory_space<vmem>>[vector<16xi32>, vector<16xi32>], vector<16xf32>,
        %get3A_783 = arith.index_cast %scan3A_772 : i32 to index
        %get3A_784 = arith.constant 48 : index
        %get3A_785 = tpu.vector_load %arg8[%get3A_783, %get3A_784] {strides = array<i32>} : memref<128x64xf32, #tpu.memory_space<vmem>>, vector<16xf32>,
        tpu.vector_store_idx %arg10[%add3A_518, %broadcast_in_dim3A_773], %get3A_785 : memref<64x129xf32, #tpu.memory_space<vmem>>[vector<16xi32>, vector<16xi32>], vector<16xf32>,
      }
      %scan3A_524 = arith.constant 128 : i32
      %mul3A_525 = arith.constant 8 : i32
      %mul3A_526 = arith.muli %add3A_313, %mul3A_525 : i32
      %add3A_527 = arith.constant 0 : i32
      %add3A_528 = arith.addi %mul3A_526, %add3A_527 : i32
      %mul3A_529 = arith.constant 8 : i32
      %mul3A_530 = arith.muli %add3A_313, %mul3A_529 : i32
      %add3A_531 = arith.constant 1 : i32
      %add3A_532 = arith.addi %mul3A_530, %add3A_531 : i32
      %mul3A_533 = arith.constant 8 : i32
      %mul3A_534 = arith.muli %add3A_313, %mul3A_533 : i32
      %add3A_535 = arith.constant 2 : i32
      %add3A_536 = arith.addi %mul3A_534, %add3A_535 : i32
      %mul3A_537 = arith.constant 8 : i32
      %mul3A_538 = arith.muli %add3A_313, %mul3A_537 : i32
      %add3A_539 = arith.constant 3 : i32
      %add3A_540 = arith.addi %mul3A_538, %add3A_539 : i32
      %mul3A_541 = arith.constant 8 : i32
      %mul3A_542 = arith.muli %add3A_313, %mul3A_541 : i32
      %add3A_543 = arith.constant 4 : i32
      %add3A_544 = arith.addi %mul3A_542, %add3A_543 : i32
      %mul3A_545 = arith.constant 8 : i32
      %mul3A_546 = arith.muli %add3A_313, %mul3A_545 : i32
      %add3A_547 = arith.constant 5 : i32
      %add3A_548 = arith.addi %mul3A_546, %add3A_547 : i32
      %mul3A_549 = arith.constant 8 : i32
      %mul3A_550 = arith.muli %add3A_313, %mul3A_549 : i32
      %add3A_551 = arith.constant 6 : i32
      %add3A_552 = arith.addi %mul3A_550, %add3A_551 : i32
      %mul3A_553 = arith.constant 8 : i32
      %mul3A_554 = arith.muli %add3A_313, %mul3A_553 : i32
      %add3A_555 = arith.constant 7 : i32
      %add3A_556 = arith.addi %mul3A_554, %add3A_555 : i32
      %dma_start3A_557 = arith.constant 0 : i32
      %dma_start3A_558 = arith.constant 0 : i32
      %dma_start3A_559 = tpu.memref_slice %arg10[%dma_start3A_557, %dma_start3A_558] : memref<64x129xf32, #tpu.memory_space<vmem>> -> memref<8x128xf32, #tpu.memory_space<vmem>>
      %dma_start3A_560 = arith.constant 0 : i32
      %dma_start3A_561 = arith.constant 0 : i32
      %dma_start3A_562 = tpu.memref_slice %arg4[%add3A_528, %add3A, %dma_start3A_560, %dma_start3A_561] : memref<1600x32x8x128xf32, #tpu.memory_space<hbm>> -> memref<1x1x8x128xf32, #tpu.memory_space<hbm>>
      %dma_start3A_563 = tpu.memref_squeeze %dma_start3A_562 : memref<1x1x8x128xf32, #tpu.memory_space<hbm>> -> memref<8x128xf32, #tpu.memory_space<hbm>>
      %dma_start3A_564 = arith.constant 0 : i32
      %dma_start3A_565 = arith.constant 0 : i32
      %dma_start3A_566 = tpu.memref_slice %arg4[%add3A_528, %add3A, %dma_start3A_564, %dma_start3A_565] : memref<1600x32x8x128xf32, #tpu.memory_space<hbm>> -> memref<1x1x8x128xf32, #tpu.memory_space<hbm>>
      %dma_start3A_567 = tpu.memref_squeeze %dma_start3A_566 : memref<1x1x8x128xf32, #tpu.memory_space<hbm>> -> memref<8x128xf32, #tpu.memory_space<hbm>>
      %dma_start3A_568 = arith.constant 0 : i32
      %dma_start3A_569 = arith.constant 0 : i32
      %dma_start3A_570 = tpu.memref_slice %arg10[%dma_start3A_568, %dma_start3A_569] : memref<64x129xf32, #tpu.memory_space<vmem>> -> memref<8x128xf32, #tpu.memory_space<vmem>>
      tpu.enqueue_dma source(%dma_start3A_570 : memref<8x128xf32, #tpu.memory_space<vmem>>) target(%dma_start3A_567 : memref<8x128xf32, #tpu.memory_space<hbm>>) target_semaphore(%arg14 : memref<!tpu.dma_semaphore, #tpu.memory_space<semaphore_mem>>)
      %dma_start3A_571 = arith.constant 8 : i32
      %dma_start3A_572 = arith.constant 0 : i32
      %dma_start3A_573 = tpu.memref_slice %arg10[%dma_start3A_571, %dma_start3A_572] : memref<64x129xf32, #tpu.memory_space<vmem>> -> memref<8x128xf32, #tpu.memory_space<vmem>>
      %dma_start3A_574 = arith.constant 0 : i32
      %dma_start3A_575 = arith.constant 0 : i32
      %dma_start3A_576 = tpu.memref_slice %arg4[%add3A_532, %add3A, %dma_start3A_574, %dma_start3A_575] : memref<1600x32x8x128xf32, #tpu.memory_space<hbm>> -> memref<1x1x8x128xf32, #tpu.memory_space<hbm>>
      %dma_start3A_577 = tpu.memref_squeeze %dma_start3A_576 : memref<1x1x8x128xf32, #tpu.memory_space<hbm>> -> memref<8x128xf32, #tpu.memory_space<hbm>>
      %dma_start3A_578 = arith.constant 0 : i32
      %dma_start3A_579 = arith.constant 0 : i32
      %dma_start3A_580 = tpu.memref_slice %arg4[%add3A_532, %add3A, %dma_start3A_578, %dma_start3A_579] : memref<1600x32x8x128xf32, #tpu.memory_space<hbm>> -> memref<1x1x8x128xf32, #tpu.memory_space<hbm>>
      %dma_start3A_581 = tpu.memref_squeeze %dma_start3A_580 : memref<1x1x8x128xf32, #tpu.memory_space<hbm>> -> memref<8x128xf32, #tpu.memory_space<hbm>>
      %dma_start3A_582 = arith.constant 8 : i32
      %dma_start3A_583 = arith.constant 0 : i32
      %dma_start3A_584 = tpu.memref_slice %arg10[%dma_start3A_582, %dma_start3A_583] : memref<64x129xf32, #tpu.memory_space<vmem>> -> memref<8x128xf32, #tpu.memory_space<vmem>>
      tpu.enqueue_dma source(%dma_start3A_584 : memref<8x128xf32, #tpu.memory_space<vmem>>) target(%dma_start3A_581 : memref<8x128xf32, #tpu.memory_space<hbm>>) target_semaphore(%arg14 : memref<!tpu.dma_semaphore, #tpu.memory_space<semaphore_mem>>)
      %dma_start3A_585 = arith.constant 16 : i32
      %dma_start3A_586 = arith.constant 0 : i32
      %dma_start3A_587 = tpu.memref_slice %arg10[%dma_start3A_585, %dma_start3A_586] : memref<64x129xf32, #tpu.memory_space<vmem>> -> memref<8x128xf32, #tpu.memory_space<vmem>>
      %dma_start3A_588 = arith.constant 0 : i32
      %dma_start3A_589 = arith.constant 0 : i32
      %dma_start3A_590 = tpu.memref_slice %arg4[%add3A_536, %add3A, %dma_start3A_588, %dma_start3A_589] : memref<1600x32x8x128xf32, #tpu.memory_space<hbm>> -> memref<1x1x8x128xf32, #tpu.memory_space<hbm>>
      %dma_start3A_591 = tpu.memref_squeeze %dma_start3A_590 : memref<1x1x8x128xf32, #tpu.memory_space<hbm>> -> memref<8x128xf32, #tpu.memory_space<hbm>>
      %dma_start3A_592 = arith.constant 0 : i32
      %dma_start3A_593 = arith.constant 0 : i32
      %dma_start3A_594 = tpu.memref_slice %arg4[%add3A_536, %add3A, %dma_start3A_592, %dma_start3A_593] : memref<1600x32x8x128xf32, #tpu.memory_space<hbm>> -> memref<1x1x8x128xf32, #tpu.memory_space<hbm>>
      %dma_start3A_595 = tpu.memref_squeeze %dma_start3A_594 : memref<1x1x8x128xf32, #tpu.memory_space<hbm>> -> memref<8x128xf32, #tpu.memory_space<hbm>>
      %dma_start3A_596 = arith.constant 16 : i32
      %dma_start3A_597 = arith.constant 0 : i32
      %dma_start3A_598 = tpu.memref_slice %arg10[%dma_start3A_596, %dma_start3A_597] : memref<64x129xf32, #tpu.memory_space<vmem>> -> memref<8x128xf32, #tpu.memory_space<vmem>>
      tpu.enqueue_dma source(%dma_start3A_598 : memref<8x128xf32, #tpu.memory_space<vmem>>) target(%dma_start3A_595 : memref<8x128xf32, #tpu.memory_space<hbm>>) target_semaphore(%arg14 : memref<!tpu.dma_semaphore, #tpu.memory_space<semaphore_mem>>)
      %dma_start3A_599 = arith.constant 24 : i32
      %dma_start3A_600 = arith.constant 0 : i32
      %dma_start3A_601 = tpu.memref_slice %arg10[%dma_start3A_599, %dma_start3A_600] : memref<64x129xf32, #tpu.memory_space<vmem>> -> memref<8x128xf32, #tpu.memory_space<vmem>>
      %dma_start3A_602 = arith.constant 0 : i32
      %dma_start3A_603 = arith.constant 0 : i32
      %dma_start3A_604 = tpu.memref_slice %arg4[%add3A_540, %add3A, %dma_start3A_602, %dma_start3A_603] : memref<1600x32x8x128xf32, #tpu.memory_space<hbm>> -> memref<1x1x8x128xf32, #tpu.memory_space<hbm>>
      %dma_start3A_605 = tpu.memref_squeeze %dma_start3A_604 : memref<1x1x8x128xf32, #tpu.memory_space<hbm>> -> memref<8x128xf32, #tpu.memory_space<hbm>>
      %dma_start3A_606 = arith.constant 0 : i32
      %dma_start3A_607 = arith.constant 0 : i32
      %dma_start3A_608 = tpu.memref_slice %arg4[%add3A_540, %add3A, %dma_start3A_606, %dma_start3A_607] : memref<1600x32x8x128xf32, #tpu.memory_space<hbm>> -> memref<1x1x8x128xf32, #tpu.memory_space<hbm>>
      %dma_start3A_609 = tpu.memref_squeeze %dma_start3A_608 : memref<1x1x8x128xf32, #tpu.memory_space<hbm>> -> memref<8x128xf32, #tpu.memory_space<hbm>>
      %dma_start3A_610 = arith.constant 24 : i32
      %dma_start3A_611 = arith.constant 0 : i32
      %dma_start3A_612 = tpu.memref_slice %arg10[%dma_start3A_610, %dma_start3A_611] : memref<64x129xf32, #tpu.memory_space<vmem>> -> memref<8x128xf32, #tpu.memory_space<vmem>>
      tpu.enqueue_dma source(%dma_start3A_612 : memref<8x128xf32, #tpu.memory_space<vmem>>) target(%dma_start3A_609 : memref<8x128xf32, #tpu.memory_space<hbm>>) target_semaphore(%arg14 : memref<!tpu.dma_semaphore, #tpu.memory_space<semaphore_mem>>)
      %dma_start3A_613 = arith.constant 32 : i32
      %dma_start3A_614 = arith.constant 0 : i32
      %dma_start3A_615 = tpu.memref_slice %arg10[%dma_start3A_613, %dma_start3A_614] : memref<64x129xf32, #tpu.memory_space<vmem>> -> memref<8x128xf32, #tpu.memory_space<vmem>>
      %dma_start3A_616 = arith.constant 0 : i32
      %dma_start3A_617 = arith.constant 0 : i32
      %dma_start3A_618 = tpu.memref_slice %arg4[%add3A_544, %add3A, %dma_start3A_616, %dma_start3A_617] : memref<1600x32x8x128xf32, #tpu.memory_space<hbm>> -> memref<1x1x8x128xf32, #tpu.memory_space<hbm>>
      %dma_start3A_619 = tpu.memref_squeeze %dma_start3A_618 : memref<1x1x8x128xf32, #tpu.memory_space<hbm>> -> memref<8x128xf32, #tpu.memory_space<hbm>>
      %dma_start3A_620 = arith.constant 0 : i32
      %dma_start3A_621 = arith.constant 0 : i32
      %dma_start3A_622 = tpu.memref_slice %arg4[%add3A_544, %add3A, %dma_start3A_620, %dma_start3A_621] : memref<1600x32x8x128xf32, #tpu.memory_space<hbm>> -> memref<1x1x8x128xf32, #tpu.memory_space<hbm>>
      %dma_start3A_623 = tpu.memref_squeeze %dma_start3A_622 : memref<1x1x8x128xf32, #tpu.memory_space<hbm>> -> memref<8x128xf32, #tpu.memory_space<hbm>>
      %dma_start3A_624 = arith.constant 32 : i32
      %dma_start3A_625 = arith.constant 0 : i32
      %dma_start3A_626 = tpu.memref_slice %arg10[%dma_start3A_624, %dma_start3A_625] : memref<64x129xf32, #tpu.memory_space<vmem>> -> memref<8x128xf32, #tpu.memory_space<vmem>>
      tpu.enqueue_dma source(%dma_start3A_626 : memref<8x128xf32, #tpu.memory_space<vmem>>) target(%dma_start3A_623 : memref<8x128xf32, #tpu.memory_space<hbm>>) target_semaphore(%arg14 : memref<!tpu.dma_semaphore, #tpu.memory_space<semaphore_mem>>)
      %dma_start3A_627 = arith.constant 40 : i32
      %dma_start3A_628 = arith.constant 0 : i32
      %dma_start3A_629 = tpu.memref_slice %arg10[%dma_start3A_627, %dma_start3A_628] : memref<64x129xf32, #tpu.memory_space<vmem>> -> memref<8x128xf32, #tpu.memory_space<vmem>>
      %dma_start3A_630 = arith.constant 0 : i32
      %dma_start3A_631 = arith.constant 0 : i32
      %dma_start3A_632 = tpu.memref_slice %arg4[%add3A_548, %add3A, %dma_start3A_630, %dma_start3A_631] : memref<1600x32x8x128xf32, #tpu.memory_space<hbm>> -> memref<1x1x8x128xf32, #tpu.memory_space<hbm>>
      %dma_start3A_633 = tpu.memref_squeeze %dma_start3A_632 : memref<1x1x8x128xf32, #tpu.memory_space<hbm>> -> memref<8x128xf32, #tpu.memory_space<hbm>>
      %dma_start3A_634 = arith.constant 0 : i32
      %dma_start3A_635 = arith.constant 0 : i32
      %dma_start3A_636 = tpu.memref_slice %arg4[%add3A_548, %add3A, %dma_start3A_634, %dma_start3A_635] : memref<1600x32x8x128xf32, #tpu.memory_space<hbm>> -> memref<1x1x8x128xf32, #tpu.memory_space<hbm>>
      %dma_start3A_637 = tpu.memref_squeeze %dma_start3A_636 : memref<1x1x8x128xf32, #tpu.memory_space<hbm>> -> memref<8x128xf32, #tpu.memory_space<hbm>>
      %dma_start3A_638 = arith.constant 40 : i32
      %dma_start3A_639 = arith.constant 0 : i32
      %dma_start3A_640 = tpu.memref_slice %arg10[%dma_start3A_638, %dma_start3A_639] : memref<64x129xf32, #tpu.memory_space<vmem>> -> memref<8x128xf32, #tpu.memory_space<vmem>>
      tpu.enqueue_dma source(%dma_start3A_640 : memref<8x128xf32, #tpu.memory_space<vmem>>) target(%dma_start3A_637 : memref<8x128xf32, #tpu.memory_space<hbm>>) target_semaphore(%arg14 : memref<!tpu.dma_semaphore, #tpu.memory_space<semaphore_mem>>)
      %dma_start3A_641 = arith.constant 48 : i32
      %dma_start3A_642 = arith.constant 0 : i32
      %dma_start3A_643 = tpu.memref_slice %arg10[%dma_start3A_641, %dma_start3A_642] : memref<64x129xf32, #tpu.memory_space<vmem>> -> memref<8x128xf32, #tpu.memory_space<vmem>>
      %dma_start3A_644 = arith.constant 0 : i32
      %dma_start3A_645 = arith.constant 0 : i32
      %dma_start3A_646 = tpu.memref_slice %arg4[%add3A_552, %add3A, %dma_start3A_644, %dma_start3A_645] : memref<1600x32x8x128xf32, #tpu.memory_space<hbm>> -> memref<1x1x8x128xf32, #tpu.memory_space<hbm>>
      %dma_start3A_647 = tpu.memref_squeeze %dma_start3A_646 : memref<1x1x8x128xf32, #tpu.memory_space<hbm>> -> memref<8x128xf32, #tpu.memory_space<hbm>>
      %dma_start3A_648 = arith.constant 0 : i32
      %dma_start3A_649 = arith.constant 0 : i32
      %dma_start3A_650 = tpu.memref_slice %arg4[%add3A_552, %add3A, %dma_start3A_648, %dma_start3A_649] : memref<1600x32x8x128xf32, #tpu.memory_space<hbm>> -> memref<1x1x8x128xf32, #tpu.memory_space<hbm>>
      %dma_start3A_651 = tpu.memref_squeeze %dma_start3A_650 : memref<1x1x8x128xf32, #tpu.memory_space<hbm>> -> memref<8x128xf32, #tpu.memory_space<hbm>>
      %dma_start3A_652 = arith.constant 48 : i32
      %dma_start3A_653 = arith.constant 0 : i32
      %dma_start3A_654 = tpu.memref_slice %arg10[%dma_start3A_652, %dma_start3A_653] : memref<64x129xf32, #tpu.memory_space<vmem>> -> memref<8x128xf32, #tpu.memory_space<vmem>>
      tpu.enqueue_dma source(%dma_start3A_654 : memref<8x128xf32, #tpu.memory_space<vmem>>) target(%dma_start3A_651 : memref<8x128xf32, #tpu.memory_space<hbm>>) target_semaphore(%arg14 : memref<!tpu.dma_semaphore, #tpu.memory_space<semaphore_mem>>)
      %dma_start3A_655 = arith.constant 56 : i32
      %dma_start3A_656 = arith.constant 0 : i32
      %dma_start3A_657 = tpu.memref_slice %arg10[%dma_start3A_655, %dma_start3A_656] : memref<64x129xf32, #tpu.memory_space<vmem>> -> memref<8x128xf32, #tpu.memory_space<vmem>>
      %dma_start3A_658 = arith.constant 0 : i32
      %dma_start3A_659 = arith.constant 0 : i32
      %dma_start3A_660 = tpu.memref_slice %arg4[%add3A_556, %add3A, %dma_start3A_658, %dma_start3A_659] : memref<1600x32x8x128xf32, #tpu.memory_space<hbm>> -> memref<1x1x8x128xf32, #tpu.memory_space<hbm>>
      %dma_start3A_661 = tpu.memref_squeeze %dma_start3A_660 : memref<1x1x8x128xf32, #tpu.memory_space<hbm>> -> memref<8x128xf32, #tpu.memory_space<hbm>>
      %dma_start3A_662 = arith.constant 0 : i32
      %dma_start3A_663 = arith.constant 0 : i32
      %dma_start3A_664 = tpu.memref_slice %arg4[%add3A_556, %add3A, %dma_start3A_662, %dma_start3A_663] : memref<1600x32x8x128xf32, #tpu.memory_space<hbm>> -> memref<1x1x8x128xf32, #tpu.memory_space<hbm>>
      %dma_start3A_665 = tpu.memref_squeeze %dma_start3A_664 : memref<1x1x8x128xf32, #tpu.memory_space<hbm>> -> memref<8x128xf32, #tpu.memory_space<hbm>>
      %dma_start3A_666 = arith.constant 56 : i32
      %dma_start3A_667 = arith.constant 0 : i32
      %dma_start3A_668 = tpu.memref_slice %arg10[%dma_start3A_666, %dma_start3A_667] : memref<64x129xf32, #tpu.memory_space<vmem>> -> memref<8x128xf32, #tpu.memory_space<vmem>>
      tpu.enqueue_dma source(%dma_start3A_668 : memref<8x128xf32, #tpu.memory_space<vmem>>) target(%dma_start3A_665 : memref<8x128xf32, #tpu.memory_space<hbm>>) target_semaphore(%arg14 : memref<!tpu.dma_semaphore, #tpu.memory_space<semaphore_mem>>)
    }
    %scan3A_69 = arith.constant 100 : i32
    %dma_wait3A = arith.constant 1584 : i32
    %dma_wait3A_70 = arith.constant 0 : i32
    %dma_wait3A_71 = arith.constant 0 : i32
    %dma_wait3A_72 = tpu.memref_slice %arg9[%dma_wait3A_70, %dma_wait3A_71] : memref<64x129xf32, #tpu.memory_space<vmem>> -> memref<8x128xf32, #tpu.memory_space<vmem>>
    %dma_wait3A_73 = arith.constant 0 : i32
    %dma_wait3A_74 = arith.constant 0 : i32
    %dma_wait3A_75 = tpu.memref_slice %arg4[%dma_wait3A, %add3A, %dma_wait3A_73, %dma_wait3A_74] : memref<1600x32x8x128xf32, #tpu.memory_space<hbm>> -> memref<1x1x8x128xf32, #tpu.memory_space<hbm>>
    %dma_wait3A_76 = tpu.memref_squeeze %dma_wait3A_75 : memref<1x1x8x128xf32, #tpu.memory_space<hbm>> -> memref<8x128xf32, #tpu.memory_space<hbm>>
    %dma_wait3A_77 = arith.constant 0 : i32
    %dma_wait3A_78 = arith.constant 0 : i32
    %dma_wait3A_79 = tpu.memref_slice %arg4[%dma_wait3A, %add3A, %dma_wait3A_77, %dma_wait3A_78] : memref<1600x32x8x128xf32, #tpu.memory_space<hbm>> -> memref<1x1x8x128xf32, #tpu.memory_space<hbm>>
    %dma_wait3A_80 = tpu.memref_squeeze %dma_wait3A_79 : memref<1x1x8x128xf32, #tpu.memory_space<hbm>> -> memref<8x128xf32, #tpu.memory_space<hbm>>
    %dma_wait3A_81 = arith.constant 0 : i32
    %dma_wait3A_82 = arith.constant 0 : i32
    %dma_wait3A_83 = tpu.memref_slice %arg9[%dma_wait3A_81, %dma_wait3A_82] : memref<64x129xf32, #tpu.memory_space<vmem>> -> memref<8x128xf32, #tpu.memory_space<vmem>>
    tpu.wait_dma2 semaphore(%arg13 : memref<!tpu.dma_semaphore, #tpu.memory_space<semaphore_mem>>) src(%dma_wait3A_83 : memref<8x128xf32, #tpu.memory_space<vmem>>) dst(%dma_wait3A_80 : memref<8x128xf32, #tpu.memory_space<hbm>>)
    %dma_wait3A_84 = arith.constant 1585 : i32
    %dma_wait3A_85 = arith.constant 8 : i32
    %dma_wait3A_86 = arith.constant 0 : i32
    %dma_wait3A_87 = tpu.memref_slice %arg9[%dma_wait3A_85, %dma_wait3A_86] : memref<64x129xf32, #tpu.memory_space<vmem>> -> memref<8x128xf32, #tpu.memory_space<vmem>>
    %dma_wait3A_88 = arith.constant 0 : i32
    %dma_wait3A_89 = arith.constant 0 : i32
    %dma_wait3A_90 = tpu.memref_slice %arg4[%dma_wait3A_84, %add3A, %dma_wait3A_88, %dma_wait3A_89] : memref<1600x32x8x128xf32, #tpu.memory_space<hbm>> -> memref<1x1x8x128xf32, #tpu.memory_space<hbm>>
    %dma_wait3A_91 = tpu.memref_squeeze %dma_wait3A_90 : memref<1x1x8x128xf32, #tpu.memory_space<hbm>> -> memref<8x128xf32, #tpu.memory_space<hbm>>
    %dma_wait3A_92 = arith.constant 0 : i32
    %dma_wait3A_93 = arith.constant 0 : i32
    %dma_wait3A_94 = tpu.memref_slice %arg4[%dma_wait3A_84, %add3A, %dma_wait3A_92, %dma_wait3A_93] : memref<1600x32x8x128xf32, #tpu.memory_space<hbm>> -> memref<1x1x8x128xf32, #tpu.memory_space<hbm>>
    %dma_wait3A_95 = tpu.memref_squeeze %dma_wait3A_94 : memref<1x1x8x128xf32, #tpu.memory_space<hbm>> -> memref<8x128xf32, #tpu.memory_space<hbm>>
    %dma_wait3A_96 = arith.constant 8 : i32
    %dma_wait3A_97 = arith.constant 0 : i32
    %dma_wait3A_98 = tpu.memref_slice %arg9[%dma_wait3A_96, %dma_wait3A_97] : memref<64x129xf32, #tpu.memory_space<vmem>> -> memref<8x128xf32, #tpu.memory_space<vmem>>
    tpu.wait_dma2 semaphore(%arg13 : memref<!tpu.dma_semaphore, #tpu.memory_space<semaphore_mem>>) src(%dma_wait3A_98 : memref<8x128xf32, #tpu.memory_space<vmem>>) dst(%dma_wait3A_95 : memref<8x128xf32, #tpu.memory_space<hbm>>)
    %dma_wait3A_99 = arith.constant 1586 : i32
    %dma_wait3A_100 = arith.constant 16 : i32
    %dma_wait3A_101 = arith.constant 0 : i32
    %dma_wait3A_102 = tpu.memref_slice %arg9[%dma_wait3A_100, %dma_wait3A_101] : memref<64x129xf32, #tpu.memory_space<vmem>> -> memref<8x128xf32, #tpu.memory_space<vmem>>
    %dma_wait3A_103 = arith.constant 0 : i32
    %dma_wait3A_104 = arith.constant 0 : i32
    %dma_wait3A_105 = tpu.memref_slice %arg4[%dma_wait3A_99, %add3A, %dma_wait3A_103, %dma_wait3A_104] : memref<1600x32x8x128xf32, #tpu.memory_space<hbm>> -> memref<1x1x8x128xf32, #tpu.memory_space<hbm>>
    %dma_wait3A_106 = tpu.memref_squeeze %dma_wait3A_105 : memref<1x1x8x128xf32, #tpu.memory_space<hbm>> -> memref<8x128xf32, #tpu.memory_space<hbm>>
    %dma_wait3A_107 = arith.constant 0 : i32
    %dma_wait3A_108 = arith.constant 0 : i32
    %dma_wait3A_109 = tpu.memref_slice %arg4[%dma_wait3A_99, %add3A, %dma_wait3A_107, %dma_wait3A_108] : memref<1600x32x8x128xf32, #tpu.memory_space<hbm>> -> memref<1x1x8x128xf32, #tpu.memory_space<hbm>>
    %dma_wait3A_110 = tpu.memref_squeeze %dma_wait3A_109 : memref<1x1x8x128xf32, #tpu.memory_space<hbm>> -> memref<8x128xf32, #tpu.memory_space<hbm>>
    %dma_wait3A_111 = arith.constant 16 : i32
    %dma_wait3A_112 = arith.constant 0 : i32
    %dma_wait3A_113 = tpu.memref_slice %arg9[%dma_wait3A_111, %dma_wait3A_112] : memref<64x129xf32, #tpu.memory_space<vmem>> -> memref<8x128xf32, #tpu.memory_space<vmem>>
    tpu.wait_dma2 semaphore(%arg13 : memref<!tpu.dma_semaphore, #tpu.memory_space<semaphore_mem>>) src(%dma_wait3A_113 : memref<8x128xf32, #tpu.memory_space<vmem>>) dst(%dma_wait3A_110 : memref<8x128xf32, #tpu.memory_space<hbm>>)
    %dma_wait3A_114 = arith.constant 1587 : i32
    %dma_wait3A_115 = arith.constant 24 : i32
    %dma_wait3A_116 = arith.constant 0 : i32
    %dma_wait3A_117 = tpu.memref_slice %arg9[%dma_wait3A_115, %dma_wait3A_116] : memref<64x129xf32, #tpu.memory_space<vmem>> -> memref<8x128xf32, #tpu.memory_space<vmem>>
    %dma_wait3A_118 = arith.constant 0 : i32
    %dma_wait3A_119 = arith.constant 0 : i32
    %dma_wait3A_120 = tpu.memref_slice %arg4[%dma_wait3A_114, %add3A, %dma_wait3A_118, %dma_wait3A_119] : memref<1600x32x8x128xf32, #tpu.memory_space<hbm>> -> memref<1x1x8x128xf32, #tpu.memory_space<hbm>>
    %dma_wait3A_121 = tpu.memref_squeeze %dma_wait3A_120 : memref<1x1x8x128xf32, #tpu.memory_space<hbm>> -> memref<8x128xf32, #tpu.memory_space<hbm>>
    %dma_wait3A_122 = arith.constant 0 : i32
    %dma_wait3A_123 = arith.constant 0 : i32
    %dma_wait3A_124 = tpu.memref_slice %arg4[%dma_wait3A_114, %add3A, %dma_wait3A_122, %dma_wait3A_123] : memref<1600x32x8x128xf32, #tpu.memory_space<hbm>> -> memref<1x1x8x128xf32, #tpu.memory_space<hbm>>
    %dma_wait3A_125 = tpu.memref_squeeze %dma_wait3A_124 : memref<1x1x8x128xf32, #tpu.memory_space<hbm>> -> memref<8x128xf32, #tpu.memory_space<hbm>>
    %dma_wait3A_126 = arith.constant 24 : i32
    %dma_wait3A_127 = arith.constant 0 : i32
    %dma_wait3A_128 = tpu.memref_slice %arg9[%dma_wait3A_126, %dma_wait3A_127] : memref<64x129xf32, #tpu.memory_space<vmem>> -> memref<8x128xf32, #tpu.memory_space<vmem>>
    tpu.wait_dma2 semaphore(%arg13 : memref<!tpu.dma_semaphore, #tpu.memory_space<semaphore_mem>>) src(%dma_wait3A_128 : memref<8x128xf32, #tpu.memory_space<vmem>>) dst(%dma_wait3A_125 : memref<8x128xf32, #tpu.memory_space<hbm>>)
    %dma_wait3A_129 = arith.constant 1588 : i32
    %dma_wait3A_130 = arith.constant 32 : i32
    %dma_wait3A_131 = arith.constant 0 : i32
    %dma_wait3A_132 = tpu.memref_slice %arg9[%dma_wait3A_130, %dma_wait3A_131] : memref<64x129xf32, #tpu.memory_space<vmem>> -> memref<8x128xf32, #tpu.memory_space<vmem>>
    %dma_wait3A_133 = arith.constant 0 : i32
    %dma_wait3A_134 = arith.constant 0 : i32
    %dma_wait3A_135 = tpu.memref_slice %arg4[%dma_wait3A_129, %add3A, %dma_wait3A_133, %dma_wait3A_134] : memref<1600x32x8x128xf32, #tpu.memory_space<hbm>> -> memref<1x1x8x128xf32, #tpu.memory_space<hbm>>
    %dma_wait3A_136 = tpu.memref_squeeze %dma_wait3A_135 : memref<1x1x8x128xf32, #tpu.memory_space<hbm>> -> memref<8x128xf32, #tpu.memory_space<hbm>>
    %dma_wait3A_137 = arith.constant 0 : i32
    %dma_wait3A_138 = arith.constant 0 : i32
    %dma_wait3A_139 = tpu.memref_slice %arg4[%dma_wait3A_129, %add3A, %dma_wait3A_137, %dma_wait3A_138] : memref<1600x32x8x128xf32, #tpu.memory_space<hbm>> -> memref<1x1x8x128xf32, #tpu.memory_space<hbm>>
    %dma_wait3A_140 = tpu.memref_squeeze %dma_wait3A_139 : memref<1x1x8x128xf32, #tpu.memory_space<hbm>> -> memref<8x128xf32, #tpu.memory_space<hbm>>
    %dma_wait3A_141 = arith.constant 32 : i32
    %dma_wait3A_142 = arith.constant 0 : i32
    %dma_wait3A_143 = tpu.memref_slice %arg9[%dma_wait3A_141, %dma_wait3A_142] : memref<64x129xf32, #tpu.memory_space<vmem>> -> memref<8x128xf32, #tpu.memory_space<vmem>>
    tpu.wait_dma2 semaphore(%arg13 : memref<!tpu.dma_semaphore, #tpu.memory_space<semaphore_mem>>) src(%dma_wait3A_143 : memref<8x128xf32, #tpu.memory_space<vmem>>) dst(%dma_wait3A_140 : memref<8x128xf32, #tpu.memory_space<hbm>>)
    %dma_wait3A_144 = arith.constant 1589 : i32
    %dma_wait3A_145 = arith.constant 40 : i32
    %dma_wait3A_146 = arith.constant 0 : i32
    %dma_wait3A_147 = tpu.memref_slice %arg9[%dma_wait3A_145, %dma_wait3A_146] : memref<64x129xf32, #tpu.memory_space<vmem>> -> memref<8x128xf32, #tpu.memory_space<vmem>>
    %dma_wait3A_148 = arith.constant 0 : i32
    %dma_wait3A_149 = arith.constant 0 : i32
    %dma_wait3A_150 = tpu.memref_slice %arg4[%dma_wait3A_144, %add3A, %dma_wait3A_148, %dma_wait3A_149] : memref<1600x32x8x128xf32, #tpu.memory_space<hbm>> -> memref<1x1x8x128xf32, #tpu.memory_space<hbm>>
    %dma_wait3A_151 = tpu.memref_squeeze %dma_wait3A_150 : memref<1x1x8x128xf32, #tpu.memory_space<hbm>> -> memref<8x128xf32, #tpu.memory_space<hbm>>
    %dma_wait3A_152 = arith.constant 0 : i32
    %dma_wait3A_153 = arith.constant 0 : i32
    %dma_wait3A_154 = tpu.memref_slice %arg4[%dma_wait3A_144, %add3A, %dma_wait3A_152, %dma_wait3A_153] : memref<1600x32x8x128xf32, #tpu.memory_space<hbm>> -> memref<1x1x8x128xf32, #tpu.memory_space<hbm>>
    %dma_wait3A_155 = tpu.memref_squeeze %dma_wait3A_154 : memref<1x1x8x128xf32, #tpu.memory_space<hbm>> -> memref<8x128xf32, #tpu.memory_space<hbm>>
    %dma_wait3A_156 = arith.constant 40 : i32
    %dma_wait3A_157 = arith.constant 0 : i32
    %dma_wait3A_158 = tpu.memref_slice %arg9[%dma_wait3A_156, %dma_wait3A_157] : memref<64x129xf32, #tpu.memory_space<vmem>> -> memref<8x128xf32, #tpu.memory_space<vmem>>
    tpu.wait_dma2 semaphore(%arg13 : memref<!tpu.dma_semaphore, #tpu.memory_space<semaphore_mem>>) src(%dma_wait3A_158 : memref<8x128xf32, #tpu.memory_space<vmem>>) dst(%dma_wait3A_155 : memref<8x128xf32, #tpu.memory_space<hbm>>)
    %dma_wait3A_159 = arith.constant 1590 : i32
    %dma_wait3A_160 = arith.constant 48 : i32
    %dma_wait3A_161 = arith.constant 0 : i32
    %dma_wait3A_162 = tpu.memref_slice %arg9[%dma_wait3A_160, %dma_wait3A_161] : memref<64x129xf32, #tpu.memory_space<vmem>> -> memref<8x128xf32, #tpu.memory_space<vmem>>
    %dma_wait3A_163 = arith.constant 0 : i32
    %dma_wait3A_164 = arith.constant 0 : i32
    %dma_wait3A_165 = tpu.memref_slice %arg4[%dma_wait3A_159, %add3A, %dma_wait3A_163, %dma_wait3A_164] : memref<1600x32x8x128xf32, #tpu.memory_space<hbm>> -> memref<1x1x8x128xf32, #tpu.memory_space<hbm>>
    %dma_wait3A_166 = tpu.memref_squeeze %dma_wait3A_165 : memref<1x1x8x128xf32, #tpu.memory_space<hbm>> -> memref<8x128xf32, #tpu.memory_space<hbm>>
    %dma_wait3A_167 = arith.constant 0 : i32
    %dma_wait3A_168 = arith.constant 0 : i32
    %dma_wait3A_169 = tpu.memref_slice %arg4[%dma_wait3A_159, %add3A, %dma_wait3A_167, %dma_wait3A_168] : memref<1600x32x8x128xf32, #tpu.memory_space<hbm>> -> memref<1x1x8x128xf32, #tpu.memory_space<hbm>>
    %dma_wait3A_170 = tpu.memref_squeeze %dma_wait3A_169 : memref<1x1x8x128xf32, #tpu.memory_space<hbm>> -> memref<8x128xf32, #tpu.memory_space<hbm>>
    %dma_wait3A_171 = arith.constant 48 : i32
    %dma_wait3A_172 = arith.constant 0 : i32
    %dma_wait3A_173 = tpu.memref_slice %arg9[%dma_wait3A_171, %dma_wait3A_172] : memref<64x129xf32, #tpu.memory_space<vmem>> -> memref<8x128xf32, #tpu.memory_space<vmem>>
    tpu.wait_dma2 semaphore(%arg13 : memref<!tpu.dma_semaphore, #tpu.memory_space<semaphore_mem>>) src(%dma_wait3A_173 : memref<8x128xf32, #tpu.memory_space<vmem>>) dst(%dma_wait3A_170 : memref<8x128xf32, #tpu.memory_space<hbm>>)
    %dma_wait3A_174 = arith.constant 1591 : i32
    %dma_wait3A_175 = arith.constant 56 : i32
    %dma_wait3A_176 = arith.constant 0 : i32
    %dma_wait3A_177 = tpu.memref_slice %arg9[%dma_wait3A_175, %dma_wait3A_176] : memref<64x129xf32, #tpu.memory_space<vmem>> -> memref<8x128xf32, #tpu.memory_space<vmem>>
    %dma_wait3A_178 = arith.constant 0 : i32
    %dma_wait3A_179 = arith.constant 0 : i32
    %dma_wait3A_180 = tpu.memref_slice %arg4[%dma_wait3A_174, %add3A, %dma_wait3A_178, %dma_wait3A_179] : memref<1600x32x8x128xf32, #tpu.memory_space<hbm>> -> memref<1x1x8x128xf32, #tpu.memory_space<hbm>>
    %dma_wait3A_181 = tpu.memref_squeeze %dma_wait3A_180 : memref<1x1x8x128xf32, #tpu.memory_space<hbm>> -> memref<8x128xf32, #tpu.memory_space<hbm>>
    %dma_wait3A_182 = arith.constant 0 : i32
    %dma_wait3A_183 = arith.constant 0 : i32
    %dma_wait3A_184 = tpu.memref_slice %arg4[%dma_wait3A_174, %add3A, %dma_wait3A_182, %dma_wait3A_183] : memref<1600x32x8x128xf32, #tpu.memory_space<hbm>> -> memref<1x1x8x128xf32, #tpu.memory_space<hbm>>
    %dma_wait3A_185 = tpu.memref_squeeze %dma_wait3A_184 : memref<1x1x8x128xf32, #tpu.memory_space<hbm>> -> memref<8x128xf32, #tpu.memory_space<hbm>>
    %dma_wait3A_186 = arith.constant 56 : i32
    %dma_wait3A_187 = arith.constant 0 : i32
    %dma_wait3A_188 = tpu.memref_slice %arg9[%dma_wait3A_186, %dma_wait3A_187] : memref<64x129xf32, #tpu.memory_space<vmem>> -> memref<8x128xf32, #tpu.memory_space<vmem>>
    tpu.wait_dma2 semaphore(%arg13 : memref<!tpu.dma_semaphore, #tpu.memory_space<semaphore_mem>>) src(%dma_wait3A_188 : memref<8x128xf32, #tpu.memory_space<vmem>>) dst(%dma_wait3A_185 : memref<8x128xf32, #tpu.memory_space<hbm>>)
    %dma_wait3A_189 = arith.constant 1592 : i32
    %dma_wait3A_190 = arith.constant 0 : i32
    %dma_wait3A_191 = arith.constant 0 : i32
    %dma_wait3A_192 = tpu.memref_slice %arg10[%dma_wait3A_190, %dma_wait3A_191] : memref<64x129xf32, #tpu.memory_space<vmem>> -> memref<8x128xf32, #tpu.memory_space<vmem>>
    %dma_wait3A_193 = arith.constant 0 : i32
    %dma_wait3A_194 = arith.constant 0 : i32
    %dma_wait3A_195 = tpu.memref_slice %arg4[%dma_wait3A_189, %add3A, %dma_wait3A_193, %dma_wait3A_194] : memref<1600x32x8x128xf32, #tpu.memory_space<hbm>> -> memref<1x1x8x128xf32, #tpu.memory_space<hbm>>
    %dma_wait3A_196 = tpu.memref_squeeze %dma_wait3A_195 : memref<1x1x8x128xf32, #tpu.memory_space<hbm>> -> memref<8x128xf32, #tpu.memory_space<hbm>>
    %dma_wait3A_197 = arith.constant 0 : i32
    %dma_wait3A_198 = arith.constant 0 : i32
    %dma_wait3A_199 = tpu.memref_slice %arg4[%dma_wait3A_189, %add3A, %dma_wait3A_197, %dma_wait3A_198] : memref<1600x32x8x128xf32, #tpu.memory_space<hbm>> -> memref<1x1x8x128xf32, #tpu.memory_space<hbm>>
    %dma_wait3A_200 = tpu.memref_squeeze %dma_wait3A_199 : memref<1x1x8x128xf32, #tpu.memory_space<hbm>> -> memref<8x128xf32, #tpu.memory_space<hbm>>
    %dma_wait3A_201 = arith.constant 0 : i32
    %dma_wait3A_202 = arith.constant 0 : i32
    %dma_wait3A_203 = tpu.memref_slice %arg10[%dma_wait3A_201, %dma_wait3A_202] : memref<64x129xf32, #tpu.memory_space<vmem>> -> memref<8x128xf32, #tpu.memory_space<vmem>>
    tpu.wait_dma2 semaphore(%arg14 : memref<!tpu.dma_semaphore, #tpu.memory_space<semaphore_mem>>) src(%dma_wait3A_203 : memref<8x128xf32, #tpu.memory_space<vmem>>) dst(%dma_wait3A_200 : memref<8x128xf32, #tpu.memory_space<hbm>>)
    %dma_wait3A_204 = arith.constant 1593 : i32
    %dma_wait3A_205 = arith.constant 8 : i32
    %dma_wait3A_206 = arith.constant 0 : i32
    %dma_wait3A_207 = tpu.memref_slice %arg10[%dma_wait3A_205, %dma_wait3A_206] : memref<64x129xf32, #tpu.memory_space<vmem>> -> memref<8x128xf32, #tpu.memory_space<vmem>>
    %dma_wait3A_208 = arith.constant 0 : i32
    %dma_wait3A_209 = arith.constant 0 : i32
    %dma_wait3A_210 = tpu.memref_slice %arg4[%dma_wait3A_204, %add3A, %dma_wait3A_208, %dma_wait3A_209] : memref<1600x32x8x128xf32, #tpu.memory_space<hbm>> -> memref<1x1x8x128xf32, #tpu.memory_space<hbm>>
    %dma_wait3A_211 = tpu.memref_squeeze %dma_wait3A_210 : memref<1x1x8x128xf32, #tpu.memory_space<hbm>> -> memref<8x128xf32, #tpu.memory_space<hbm>>
    %dma_wait3A_212 = arith.constant 0 : i32
    %dma_wait3A_213 = arith.constant 0 : i32
    %dma_wait3A_214 = tpu.memref_slice %arg4[%dma_wait3A_204, %add3A, %dma_wait3A_212, %dma_wait3A_213] : memref<1600x32x8x128xf32, #tpu.memory_space<hbm>> -> memref<1x1x8x128xf32, #tpu.memory_space<hbm>>
    %dma_wait3A_215 = tpu.memref_squeeze %dma_wait3A_214 : memref<1x1x8x128xf32, #tpu.memory_space<hbm>> -> memref<8x128xf32, #tpu.memory_space<hbm>>
    %dma_wait3A_216 = arith.constant 8 : i32
    %dma_wait3A_217 = arith.constant 0 : i32
    %dma_wait3A_218 = tpu.memref_slice %arg10[%dma_wait3A_216, %dma_wait3A_217] : memref<64x129xf32, #tpu.memory_space<vmem>> -> memref<8x128xf32, #tpu.memory_space<vmem>>
    tpu.wait_dma2 semaphore(%arg14 : memref<!tpu.dma_semaphore, #tpu.memory_space<semaphore_mem>>) src(%dma_wait3A_218 : memref<8x128xf32, #tpu.memory_space<vmem>>) dst(%dma_wait3A_215 : memref<8x128xf32, #tpu.memory_space<hbm>>)
    %dma_wait3A_219 = arith.constant 1594 : i32
    %dma_wait3A_220 = arith.constant 16 : i32
    %dma_wait3A_221 = arith.constant 0 : i32
    %dma_wait3A_222 = tpu.memref_slice %arg10[%dma_wait3A_220, %dma_wait3A_221] : memref<64x129xf32, #tpu.memory_space<vmem>> -> memref<8x128xf32, #tpu.memory_space<vmem>>
    %dma_wait3A_223 = arith.constant 0 : i32
    %dma_wait3A_224 = arith.constant 0 : i32
    %dma_wait3A_225 = tpu.memref_slice %arg4[%dma_wait3A_219, %add3A, %dma_wait3A_223, %dma_wait3A_224] : memref<1600x32x8x128xf32, #tpu.memory_space<hbm>> -> memref<1x1x8x128xf32, #tpu.memory_space<hbm>>
    %dma_wait3A_226 = tpu.memref_squeeze %dma_wait3A_225 : memref<1x1x8x128xf32, #tpu.memory_space<hbm>> -> memref<8x128xf32, #tpu.memory_space<hbm>>
    %dma_wait3A_227 = arith.constant 0 : i32
    %dma_wait3A_228 = arith.constant 0 : i32
    %dma_wait3A_229 = tpu.memref_slice %arg4[%dma_wait3A_219, %add3A, %dma_wait3A_227, %dma_wait3A_228] : memref<1600x32x8x128xf32, #tpu.memory_space<hbm>> -> memref<1x1x8x128xf32, #tpu.memory_space<hbm>>
    %dma_wait3A_230 = tpu.memref_squeeze %dma_wait3A_229 : memref<1x1x8x128xf32, #tpu.memory_space<hbm>> -> memref<8x128xf32, #tpu.memory_space<hbm>>
    %dma_wait3A_231 = arith.constant 16 : i32
    %dma_wait3A_232 = arith.constant 0 : i32
    %dma_wait3A_233 = tpu.memref_slice %arg10[%dma_wait3A_231, %dma_wait3A_232] : memref<64x129xf32, #tpu.memory_space<vmem>> -> memref<8x128xf32, #tpu.memory_space<vmem>>
    tpu.wait_dma2 semaphore(%arg14 : memref<!tpu.dma_semaphore, #tpu.memory_space<semaphore_mem>>) src(%dma_wait3A_233 : memref<8x128xf32, #tpu.memory_space<vmem>>) dst(%dma_wait3A_230 : memref<8x128xf32, #tpu.memory_space<hbm>>)
    %dma_wait3A_234 = arith.constant 1595 : i32
    %dma_wait3A_235 = arith.constant 24 : i32
    %dma_wait3A_236 = arith.constant 0 : i32
    %dma_wait3A_237 = tpu.memref_slice %arg10[%dma_wait3A_235, %dma_wait3A_236] : memref<64x129xf32, #tpu.memory_space<vmem>> -> memref<8x128xf32, #tpu.memory_space<vmem>>
    %dma_wait3A_238 = arith.constant 0 : i32
    %dma_wait3A_239 = arith.constant 0 : i32
    %dma_wait3A_240 = tpu.memref_slice %arg4[%dma_wait3A_234, %add3A, %dma_wait3A_238, %dma_wait3A_239] : memref<1600x32x8x128xf32, #tpu.memory_space<hbm>> -> memref<1x1x8x128xf32, #tpu.memory_space<hbm>>
    %dma_wait3A_241 = tpu.memref_squeeze %dma_wait3A_240 : memref<1x1x8x128xf32, #tpu.memory_space<hbm>> -> memref<8x128xf32, #tpu.memory_space<hbm>>
    %dma_wait3A_242 = arith.constant 0 : i32
    %dma_wait3A_243 = arith.constant 0 : i32
    %dma_wait3A_244 = tpu.memref_slice %arg4[%dma_wait3A_234, %add3A, %dma_wait3A_242, %dma_wait3A_243] : memref<1600x32x8x128xf32, #tpu.memory_space<hbm>> -> memref<1x1x8x128xf32, #tpu.memory_space<hbm>>
    %dma_wait3A_245 = tpu.memref_squeeze %dma_wait3A_244 : memref<1x1x8x128xf32, #tpu.memory_space<hbm>> -> memref<8x128xf32, #tpu.memory_space<hbm>>
    %dma_wait3A_246 = arith.constant 24 : i32
    %dma_wait3A_247 = arith.constant 0 : i32
    %dma_wait3A_248 = tpu.memref_slice %arg10[%dma_wait3A_246, %dma_wait3A_247] : memref<64x129xf32, #tpu.memory_space<vmem>> -> memref<8x128xf32, #tpu.memory_space<vmem>>
    tpu.wait_dma2 semaphore(%arg14 : memref<!tpu.dma_semaphore, #tpu.memory_space<semaphore_mem>>) src(%dma_wait3A_248 : memref<8x128xf32, #tpu.memory_space<vmem>>) dst(%dma_wait3A_245 : memref<8x128xf32, #tpu.memory_space<hbm>>)
    %dma_wait3A_249 = arith.constant 1596 : i32
    %dma_wait3A_250 = arith.constant 32 : i32
    %dma_wait3A_251 = arith.constant 0 : i32
    %dma_wait3A_252 = tpu.memref_slice %arg10[%dma_wait3A_250, %dma_wait3A_251] : memref<64x129xf32, #tpu.memory_space<vmem>> -> memref<8x128xf32, #tpu.memory_space<vmem>>
    %dma_wait3A_253 = arith.constant 0 : i32
    %dma_wait3A_254 = arith.constant 0 : i32
    %dma_wait3A_255 = tpu.memref_slice %arg4[%dma_wait3A_249, %add3A, %dma_wait3A_253, %dma_wait3A_254] : memref<1600x32x8x128xf32, #tpu.memory_space<hbm>> -> memref<1x1x8x128xf32, #tpu.memory_space<hbm>>
    %dma_wait3A_256 = tpu.memref_squeeze %dma_wait3A_255 : memref<1x1x8x128xf32, #tpu.memory_space<hbm>> -> memref<8x128xf32, #tpu.memory_space<hbm>>
    %dma_wait3A_257 = arith.constant 0 : i32
    %dma_wait3A_258 = arith.constant 0 : i32
    %dma_wait3A_259 = tpu.memref_slice %arg4[%dma_wait3A_249, %add3A, %dma_wait3A_257, %dma_wait3A_258] : memref<1600x32x8x128xf32, #tpu.memory_space<hbm>> -> memref<1x1x8x128xf32, #tpu.memory_space<hbm>>
    %dma_wait3A_260 = tpu.memref_squeeze %dma_wait3A_259 : memref<1x1x8x128xf32, #tpu.memory_space<hbm>> -> memref<8x128xf32, #tpu.memory_space<hbm>>
    %dma_wait3A_261 = arith.constant 32 : i32
    %dma_wait3A_262 = arith.constant 0 : i32
    %dma_wait3A_263 = tpu.memref_slice %arg10[%dma_wait3A_261, %dma_wait3A_262] : memref<64x129xf32, #tpu.memory_space<vmem>> -> memref<8x128xf32, #tpu.memory_space<vmem>>
    tpu.wait_dma2 semaphore(%arg14 : memref<!tpu.dma_semaphore, #tpu.memory_space<semaphore_mem>>) src(%dma_wait3A_263 : memref<8x128xf32, #tpu.memory_space<vmem>>) dst(%dma_wait3A_260 : memref<8x128xf32, #tpu.memory_space<hbm>>)
    %dma_wait3A_264 = arith.constant 1597 : i32
    %dma_wait3A_265 = arith.constant 40 : i32
    %dma_wait3A_266 = arith.constant 0 : i32
    %dma_wait3A_267 = tpu.memref_slice %arg10[%dma_wait3A_265, %dma_wait3A_266] : memref<64x129xf32, #tpu.memory_space<vmem>> -> memref<8x128xf32, #tpu.memory_space<vmem>>
    %dma_wait3A_268 = arith.constant 0 : i32
    %dma_wait3A_269 = arith.constant 0 : i32
    %dma_wait3A_270 = tpu.memref_slice %arg4[%dma_wait3A_264, %add3A, %dma_wait3A_268, %dma_wait3A_269] : memref<1600x32x8x128xf32, #tpu.memory_space<hbm>> -> memref<1x1x8x128xf32, #tpu.memory_space<hbm>>
    %dma_wait3A_271 = tpu.memref_squeeze %dma_wait3A_270 : memref<1x1x8x128xf32, #tpu.memory_space<hbm>> -> memref<8x128xf32, #tpu.memory_space<hbm>>
    %dma_wait3A_272 = arith.constant 0 : i32
    %dma_wait3A_273 = arith.constant 0 : i32
    %dma_wait3A_274 = tpu.memref_slice %arg4[%dma_wait3A_264, %add3A, %dma_wait3A_272, %dma_wait3A_273] : memref<1600x32x8x128xf32, #tpu.memory_space<hbm>> -> memref<1x1x8x128xf32, #tpu.memory_space<hbm>>
    %dma_wait3A_275 = tpu.memref_squeeze %dma_wait3A_274 : memref<1x1x8x128xf32, #tpu.memory_space<hbm>> -> memref<8x128xf32, #tpu.memory_space<hbm>>
    %dma_wait3A_276 = arith.constant 40 : i32
    %dma_wait3A_277 = arith.constant 0 : i32
    %dma_wait3A_278 = tpu.memref_slice %arg10[%dma_wait3A_276, %dma_wait3A_277] : memref<64x129xf32, #tpu.memory_space<vmem>> -> memref<8x128xf32, #tpu.memory_space<vmem>>
    tpu.wait_dma2 semaphore(%arg14 : memref<!tpu.dma_semaphore, #tpu.memory_space<semaphore_mem>>) src(%dma_wait3A_278 : memref<8x128xf32, #tpu.memory_space<vmem>>) dst(%dma_wait3A_275 : memref<8x128xf32, #tpu.memory_space<hbm>>)
    %dma_wait3A_279 = arith.constant 1598 : i32
    %dma_wait3A_280 = arith.constant 48 : i32
    %dma_wait3A_281 = arith.constant 0 : i32
    %dma_wait3A_282 = tpu.memref_slice %arg10[%dma_wait3A_280, %dma_wait3A_281] : memref<64x129xf32, #tpu.memory_space<vmem>> -> memref<8x128xf32, #tpu.memory_space<vmem>>
    %dma_wait3A_283 = arith.constant 0 : i32
    %dma_wait3A_284 = arith.constant 0 : i32
    %dma_wait3A_285 = tpu.memref_slice %arg4[%dma_wait3A_279, %add3A, %dma_wait3A_283, %dma_wait3A_284] : memref<1600x32x8x128xf32, #tpu.memory_space<hbm>> -> memref<1x1x8x128xf32, #tpu.memory_space<hbm>>
    %dma_wait3A_286 = tpu.memref_squeeze %dma_wait3A_285 : memref<1x1x8x128xf32, #tpu.memory_space<hbm>> -> memref<8x128xf32, #tpu.memory_space<hbm>>
    %dma_wait3A_287 = arith.constant 0 : i32
    %dma_wait3A_288 = arith.constant 0 : i32
    %dma_wait3A_289 = tpu.memref_slice %arg4[%dma_wait3A_279, %add3A, %dma_wait3A_287, %dma_wait3A_288] : memref<1600x32x8x128xf32, #tpu.memory_space<hbm>> -> memref<1x1x8x128xf32, #tpu.memory_space<hbm>>
    %dma_wait3A_290 = tpu.memref_squeeze %dma_wait3A_289 : memref<1x1x8x128xf32, #tpu.memory_space<hbm>> -> memref<8x128xf32, #tpu.memory_space<hbm>>
    %dma_wait3A_291 = arith.constant 48 : i32
    %dma_wait3A_292 = arith.constant 0 : i32
    %dma_wait3A_293 = tpu.memref_slice %arg10[%dma_wait3A_291, %dma_wait3A_292] : memref<64x129xf32, #tpu.memory_space<vmem>> -> memref<8x128xf32, #tpu.memory_space<vmem>>
    tpu.wait_dma2 semaphore(%arg14 : memref<!tpu.dma_semaphore, #tpu.memory_space<semaphore_mem>>) src(%dma_wait3A_293 : memref<8x128xf32, #tpu.memory_space<vmem>>) dst(%dma_wait3A_290 : memref<8x128xf32, #tpu.memory_space<hbm>>)
    %dma_wait3A_294 = arith.constant 1599 : i32
    %dma_wait3A_295 = arith.constant 56 : i32
    %dma_wait3A_296 = arith.constant 0 : i32
    %dma_wait3A_297 = tpu.memref_slice %arg10[%dma_wait3A_295, %dma_wait3A_296] : memref<64x129xf32, #tpu.memory_space<vmem>> -> memref<8x128xf32, #tpu.memory_space<vmem>>
    %dma_wait3A_298 = arith.constant 0 : i32
    %dma_wait3A_299 = arith.constant 0 : i32
    %dma_wait3A_300 = tpu.memref_slice %arg4[%dma_wait3A_294, %add3A, %dma_wait3A_298, %dma_wait3A_299] : memref<1600x32x8x128xf32, #tpu.memory_space<hbm>> -> memref<1x1x8x128xf32, #tpu.memory_space<hbm>>
    %dma_wait3A_301 = tpu.memref_squeeze %dma_wait3A_300 : memref<1x1x8x128xf32, #tpu.memory_space<hbm>> -> memref<8x128xf32, #tpu.memory_space<hbm>>
    %dma_wait3A_302 = arith.constant 0 : i32
    %dma_wait3A_303 = arith.constant 0 : i32
    %dma_wait3A_304 = tpu.memref_slice %arg4[%dma_wait3A_294, %add3A, %dma_wait3A_302, %dma_wait3A_303] : memref<1600x32x8x128xf32, #tpu.memory_space<hbm>> -> memref<1x1x8x128xf32, #tpu.memory_space<hbm>>
    %dma_wait3A_305 = tpu.memref_squeeze %dma_wait3A_304 : memref<1x1x8x128xf32, #tpu.memory_space<hbm>> -> memref<8x128xf32, #tpu.memory_space<hbm>>
    %dma_wait3A_306 = arith.constant 56 : i32
    %dma_wait3A_307 = arith.constant 0 : i32
    %dma_wait3A_308 = tpu.memref_slice %arg10[%dma_wait3A_306, %dma_wait3A_307] : memref<64x129xf32, #tpu.memory_space<vmem>> -> memref<8x128xf32, #tpu.memory_space<vmem>>
    tpu.wait_dma2 semaphore(%arg14 : memref<!tpu.dma_semaphore, #tpu.memory_space<semaphore_mem>>) src(%dma_wait3A_308 : memref<8x128xf32, #tpu.memory_space<vmem>>) dst(%dma_wait3A_305 : memref<8x128xf32, #tpu.memory_space<hbm>>)
    return
  }
}

</mosaic_0001>

<sc_bundles>
// kernel: kernel.3.cloned.1.call-start
scs
__scs_entry_jumppad:
0x0: {  	(pc) =	sbr.rel $0x88, $3  }
0x1: {  	(tag) =	ssettag $0x0;
	lr =	simm.s32 $0x1  }
0x2: {  	[smem:$0x3F9F] =	sst lr;
	_ =	strace $0xD0000000  }
0x3: {  	_ = 	snop  }
0x4: {  	_ = 	snop  }
0x5: {  	_ = 	snop  }
0x6: {  	_ = 	snop  }
0x7: {  	_ = 	snop  }
__scs_overlays_trampoline_lowered:
0x8: {  	[smem:$0x3FAE] =	sst s0  }
0x9: {  	[smem:$0x3FAF] =	sst s1  }
0xa: {  	[smem:$0x3FB0] =	sst s2  }
0xb: {  	[smem:$0x3FB1] =	sst s3  }
0xc: {  	[smem:$0x3FB2] =	sst s4  }
0xd: {  	[smem:$0x3FB3] =	sst s5  }
0xe: {  	[smem:$0x3FB4] =	sst s6  }
0xf: {  	[smem:$0x3FB5] =	sst s7  }
0x10: {  	[smem:$0x3FB6] =	sst s8  }
0x11: {  	[smem:$0x3FB7] =	sst s9;
	s0 =	simm.s32 @!p0 $0x0  }
0x12: {  	s1 =	sld [smem:$0x3F9D];
	s0 =	simm.s32 @p0 $0x1  }
0x13: {  	[smem:$0x3FB8] =	sst s0;
	s0 =	simm.s32 @!p1 $0x0  }
0x14: {  	s2 =	sld [smem:$0x3F9C];
	s0 =	simm.s32 @p1 $0x1  }
0x15: {  	[smem:$0x3FB9] =	sst s0;
	s0 =	simm.s32 @!p2 $0x0  }
0x16: {  	s3 =	sld [smem:$0x3FDB];
	s0 =	simm.s32 @p2 $0x1  }
0x17: {  	s4 =	simm.s32 $0x1BF5;
	[smem:$0x3FBB] =	sst s0  }
0x18: {  	s0 =	sld [smem:$0x3F9E];
	_ =	swait.ge [sflag:s4], $0x0  }
0x19: {  	s7 =	sld [smem:$0x3F9F]  }
0x1a: {  	s8 =	sadd.s32 $0xFFFFE003, lr  }
0x1b: {  	s9 =	sadd.s32 $0xFFFFFEF7, lr;
	s5 =	simm.s32 $0xFFFFFFFF;
	p2 =	slt.u32 s8, $0xFFFFF086  }
0x1c: {  	p1 =	slt.u32 s9, $0xF7A;
	s5 =	simm.s32 @!p2 $0x0  }
0x1d: {  	s5 =	simm.s32 @p1 $0x1;
	p0 =	seq.s32 s7, s2  }
0x1e: {  	s7 =	smul.u32 @!p0 $0xF7A, s2;
	p2 =	seq.s32 @!p0 s5, $0x0  }
0x1f: {  	s9 =	smul.u32 $0xF7A, s1;
	s8 =	simm.s32 @!p0 $0x1BF5;
	p2 =	por !p2, p0  }
0x20: {  	[sflag:s8] =	ssyncset.s32 @!p0 $0xFFFFF086;
	s6 =	sadd.s32 @!p0 s3, s7;
	s7 =	simm.s32 @!p0 $0x108  }
0x21: {  	s3 =	sadd.s32 s3, s9;
	s6 =	sadd.s32 @!p0 $0x88, s6;
	s7 =	simm.s32 @p2 $0x1082  }
0x22: {  	[simem:s7], [sflag:s8] =	dma.local @!p0 [hbm:s6], $0xF7A  }
0x23: {  	s9 =	sor.u32 $0xD0000000, s2;
	s6 =	simm.s32 $0x108;
	_ =	swait.ge @!p0 [sflag:s8], $0x0  }
0x24: {  	s3 =	sadd.s32 $0x88, s3;
	s6 =	simm.s32 @!p1 $0x1082;
	[sflag:s4] =	ssyncset.s32 $0xFFFFF086  }
0x25: {  	[simem:s6], [sflag:s4] =	dma.local [hbm:s3], $0xF7A  }
0x26: {  	[smem:$0x3F9F] =	sst s1;
	(tag) =	ssettag s2;
	_ =	strace s9  }
0x27: {  	s1 =	sld [smem:$0x3FAF]  }
0x28: {  	s2 =	sld [smem:$0x3FB0]  }
0x29: {  	s4 =	sld [smem:$0x3FB2]  }
0x2a: {  	p0 =	seq.s32 s5, $0x0;
	s5 =	sld [smem:$0x3FB3]  }
0x2b: {  	s6 =	sld [smem:$0x3FB4]  }
0x2c: {  	s7 =	sld [smem:$0x3FB5]  }
0x2d: {  	s3 =	simm.s32 $0x108;
	s8 =	sld [smem:$0x3FB6]  }
0x2e: {  	s3 =	simm.s32 @!p0 $0x1082;
	s9 =	sld [smem:$0x3FB7]  }
0x2f: {  	lr =	sadd.s32 s0, s3;
	s0 =	sld [smem:$0x3FAE]  }
0x30: {  	s3 =	sld [smem:$0x3FB1]  }
0x31: {  	[smem:$0x3FBA] =	sst s10  }
0x32: {  	s10 =	sld [smem:$0x3FB8];
	_ =	sdelay $0x3  }
0x33: {  	p0 =	seq.s32 s10, $0x1;
	s10 =	sld [smem:$0x3FBA];
	_ =	sdelay $0x3  }
0x34: {  	[smem:$0x3FBA] =	sst s10  }
0x35: {  	s10 =	sld [smem:$0x3FB9];
	_ =	sdelay $0x3  }
0x36: {  	p1 =	seq.s32 s10, $0x1;
	s10 =	sld [smem:$0x3FBA];
	_ =	sdelay $0x3  }
0x37: {  	[smem:$0x3FBA] =	sst s10  }
0x38: {  	s10 =	sld [smem:$0x3FBB]  }
0x39: {  	_ = 	snop;
	(pc) =	sbr.ind lr, $3  }
0x3a: {  	_ = 	snop  }
0x3b: {  	_ = 	snop  }
0x3c: {  	p2 =	seq.s32 s10, $0x1;
	s10 =	sld [smem:$0x3FBA]  }
0x3d: {  	_ =	shalt  }
0x3e: {  	_ =	shalt  }
0x3f: {  	_ =	shalt  }
0x40: {  	_ =	shalt  }
0x41: {  	_ =	shalt  }
0x42: {  	_ =	shalt  }
0x43: {  	_ =	shalt  }
0x44: {  	_ =	shalt  }
0x45: {  	_ =	shalt  }
0x46: {  	_ =	shalt  }
0x47: {  	_ =	shalt  }
0x48: {  	_ =	shalt  }
0x49: {  	_ =	shalt  }
0x4a: {  	_ =	shalt  }
0x4b: {  	_ =	shalt  }
0x4c: {  	_ =	shalt  }
0x4d: {  	_ =	shalt  }
0x4e: {  	_ =	shalt  }
0x4f: {  	_ =	shalt  }
0x50: {  	_ =	shalt  }
0x51: {  	_ =	shalt  }
0x52: {  	_ =	shalt  }
0x53: {  	_ =	shalt  }
0x54: {  	_ =	shalt  }
0x55: {  	_ =	shalt  }
0x56: {  	_ =	shalt  }
0x57: {  	_ =	shalt  }
0x58: {  	_ =	shalt  }
0x59: {  	_ =	shalt  }
0x5a: {  	_ =	shalt  }
0x5b: {  	_ =	shalt  }
0x5c: {  	_ =	shalt  }
0x5d: {  	_ =	shalt  }
0x5e: {  	_ =	shalt  }
0x5f: {  	_ =	shalt  }
0x60: {  	_ =	shalt  }
0x61: {  	_ =	shalt  }
0x62: {  	_ =	shalt  }
0x63: {  	_ =	shalt  }
0x64: {  	_ =	shalt  }
0x65: {  	_ =	shalt  }
0x66: {  	_ =	shalt  }
0x67: {  	_ =	shalt  }
0x68: {  	_ =	shalt  }
0x69: {  	_ =	shalt  }
0x6a: {  	_ =	shalt  }
0x6b: {  	_ =	shalt  }
0x6c: {  	_ =	shalt  }
0x6d: {  	_ =	shalt  }
0x6e: {  	_ =	shalt  }
0x6f: {  	_ =	shalt  }
0x70: {  	_ =	shalt  }
0x71: {  	_ =	shalt  }
0x72: {  	_ =	shalt  }
0x73: {  	_ =	shalt  }
0x74: {  	_ =	shalt  }
0x75: {  	_ =	shalt  }
0x76: {  	_ =	shalt  }
0x77: {  	_ =	shalt  }
0x78: {  	_ =	shalt  }
0x79: {  	_ =	shalt  }
0x7a: {  	_ =	shalt  }
0x7b: {  	_ =	shalt  }
0x7c: {  	_ =	shalt  }
0x7d: {  	_ =	shalt  }
0x7e: {  	_ =	shalt  }
0x7f: {  	_ =	shalt  }
0x80: {  	_ =	shalt  }
0x81: {  	_ =	shalt  }
0x82: {  	_ =	shalt  }
0x83: {  	_ =	shalt  }
0x84: {  	_ =	shalt  }
0x85: {  	_ =	shalt  }
0x86: {  	_ =	shalt  }
0x87: {  	_ =	shalt  }
.Lfunc_end0:
.L_simem_size_0:
called_computation_lowered:
.L_overlay_start_0:
0x88: {  	s2 =	sld [smem:$0x3FD9]  }
0x89: {  	s3 =	sld [smem:$0x3FFE];
	_ =	sdelay $0x1  }
0x8a: {  	s1 =	srdreg.scid  }
0x8b: {  	s0 =	sand.u32 $0x1, s1  }
0x8c: {  	s17 =	sshll.u32 s0, $0xA;
	s2 =	sadd.s32 s3, s2  }
0x8d: {  	s2 =	sadd.s32 s2, s17  }
0x8e: {  	[smem:$0x3FC6] =	sst s2  }
0x8f: {  	_ = 	snop  }
0x90: {  	s2 =	sld [smem:$0x3FD0];
	(tm) =	ssettm $0x1  }
0x91: {  	s18 =	sld [smem:$0x3FFB];
	_ =	sdelay $0x3  }
0x92: {  	_ =	strace s18  }
0x93: {  	s3 =	sld [smem:$0x3FFC];
	_ =	sdelay $0x3  }
0x94: {  	_ =	strace s3  }
0x95: {  	s3 =	sld [smem:$0x3FFD];
	_ =	sdelay $0x3  }
0x96: {  	_ =	strace s3  }
0x97: {  	_ =	strace $0x8FFFFFFF  }
0x98: {  	s19 =	sld [smem:$0x3FDB];
	_ =	sdelay $0x1  }
0x99: {  	s4 =	simm.s32 $_scs_section_size  }
0x9a: {  	s5 =	simm.s32 $_size__tile_overlayer_lowered;
	s6 =	simm.s32 $_tile_overlayer_lowered  }
0x9b: {  	s22 =	simm.s32 $0x1BFF;
	s21 =	sshll.u32 s6, $0x1;
	s3 =	sadd.s32 s4, s19  }
0x9c: {  	s7 =	simm.s32 $0x0;
	s20 =	sshll.u32 s5, $0x1;
	s5 =	sadd.s32 s21, s3  }
0x9d: {  	[timem:s7], [sflag:s22] =	dma.local [hbm:s5], s20  }
0x9e: {  	_ =	swait.ge [sflag:s22], s20  }
0x9f: {  	s4 =	ssub.s32 $0x0, s20;
	[sflag:s22] =	ssyncset.done $0x0  }
0xa0: {  	[sflag:s22] =	ssyncadd.s32 s4;
	_ =	sdelay $0x1  }
0xa1: {  	s23 =	simm.s32 $0x1B8B  }
0xa2: {  	_ =	swait.ge [sflag:s23], $0x1  }
0xa3: {  	[sflag:s23] =	ssyncset.done $0x0  }
0xa4: {  	s25 =	simm.s32 $0x1B8E;
	s24 =	sld [smem:$0x3FFE];
	[sflag:s23] =	ssyncadd.s32 $0xFFFFFFFF  }
0xa5: {  	s26 =	simm.s32 $execute0_lowered;
	[smem:$0x3FD2] =	sst s25  }
0xa6: {  	s5 =	sshll.u32 s26, $0x1;
	_ =	strace $0x80000046;
	[dreg:$0x1] =	wrdreg $0xFFFFFFFF  }
0xa7: {  	s28 =	simm.s32 $_size_execute0_lowered;
	s3 =	sadd.s32 s3, s5;
	[dreg:$0x0] =	wrdreg $0x0  }
0xa8: {  	s5 =	sshll.u32 s28, $0x1;
	[dreg:$0x2] =	wrdreg s3  }
0xa9: {  	[dreg:$0x3] =	wrdreg s5  }
0xaa: {  	[dreg:$0x4] =	wrdreg $0xC0  }
0xab: {  	_ =	task [dreg:s7], $0x5FFFF  }
0xac: {  	[dreg:$0x1] =	wrdreg $0xFFFFFFFF  }
0xad: {  	[dreg:$0x0] =	wrdreg $0x60  }
0xae: {  	[dreg:$0x2] =	wrdreg s24  }
0xaf: {  	[dreg:$0x3] =	wrdreg s2  }
0xb0: {  	[dreg:$0x4] =	wrdreg $0x9  }
0xb1: {  	_ =	task.clear_ibuf [dreg:s7], $0x5FFFF;
	_ =	strace $0x90000046  }
0xb2: {  	s29 =	simm.s32 $0x9;
	_ =	strace $0x80000048  }
0xb3: {  	_ =	swait.ge [sflag:s29], $0x1  }
0xb4: {  	[sflag:s29] =	ssyncadd.s32 $0xFFFFFFFF  }
0xb5: {  	_ =	strace $0x90000048  }
0xb6: {  	_ =	sfence  }
0xb7: {  	s30 =	sld [smem:$0x0];
	_ =	sdelay $0x2  }
0xb8: {  	s31 =	sshll.u32 s1, $0xD;
	s1 =	sshrl.u32 s1, $0x2  }
0xb9: {  	s3 =	sand.u32 $0x4000, s31;
	s1 =	sadd.s32 s1, s30  }
0xba: {  	s0 =	sor.u32 s3, s0;
	s1 =	sshll.u32 s1, $0x11  }
0xbb: {  	s0 =	sor.u32 s1, s0  }
0xbc: {  	s0 =	sadd.s32 $0x8F2B, s0  }
0xbd: {  	[sflag:s0] =	ssyncadd.remote.s32 $0x1  }
0xbe: {  	_ =	sfence.sel $0xFFFF  }
0xbf: {  	[dreg:$0x0] =	wrdreg $0xFFFFFFFF;
	(pc) =	sbr.abs _section_cstart, $3  }
0xc0: {  	[dreg:$0x1] =	wrdreg $0xFFFFFFFF  }
0xc1: {  	_ =	task.clear_ibuf [dreg:s7], $0x2FFFF;
	_ =	strace $0x9FFFFFFF  }
0xc2: {  	(tm) =	ssettm $0x7FFFFFFF  }
0xc3: {  	_ =	shalt  }
tec
execute0_lowered:
.L_overlay_start_1:
0x0: {  	(tag) =	ssettag $0x1  }
0x1: {  	v6 =	vlaneseq.u32  }
0x2: {  	s0 =	srdreg.scid;
	v0 =	vmul.u32 $0xC8, v6  }
0x3: {  	s2 =	stileid.u32;
	s1 =	rddreg [dreg:$0x0];
	v9 =	vimm.s32 $0x0;
	vm0 =	vcmask $0x300;
	v6 =	vmul.u32 $0x88, v6  }
0x4: {  	s20 =	simm.s32 $0x1;
	s21 =	simm.s32 $0x10800;
	s18 =	simm.s32 $0x2;
	v9 =	vsel vm0, $0x3, v9;
	v1 =	vadd.s32 $0xC80, v0;
	v2 =	vadd.s32 $0x1900, v0  }
0x5: {  	s25 =	simm.s32 $0x147C0;
	s28 =	simm.s32 $0x148D0;
	s29 =	simm.s32 $0x14958;
	v3 =	vadd.s32 $0x2580, v0;
	v4 =	vadd.s32 $0x3200, v0;
	v5 =	vadd.s32 $0x3E80, v0  }
0x6: {  	s30 =	simm.s32 $0x149E0;
	s31 =	simm.s32 $0x14A68;
	s17 =	simm.s32 $0x4;
	v7 =	vadd.s32 $0x4B00, v0;
	v8 =	vadd.s32 $0x5780, v0;
	v10 =	vadd.s32 $0x880, v6  }
0x7: {  	s15 =	simm.s32 $0x0;
	s0 =	sand.u32 $0x1, s0;
	s3 =	sshll.u32 s2, $0x1;
	v11 =	vadd.s32 $0x1100, v6;
	v12 =	vadd.s32 $0x1980, v6;
	v13 =	vor.u32 $0x1, v6  }
0x8: {  	s2 =	rddreg [dreg:$0x1];
	s5 =	sor.u32 s0, s3;
	s3 =	simm.s32 $0x0;
	v14 =	vadd.s32 $0x881, v6;
	v15 =	vadd.s32 $0x1101, v6;
	v16 =	vadd.s32 $0x1981, v6  }
0x9: {  	s0 =	ssub.s32 $0x2, s0;
	s8 =	sadd.s32 $0x2000, s2;
	s9 =	sadd.s32 $0x3000, s2;
	v17 =	vor.u32 $0x2, v6;
	v18 =	vadd.s32 $0x882, v6;
	v19 =	vadd.s32 $0x1102, v6  }
0xa: {  	s10 =	sadd.s32 $0x4000, s2;
	s11 =	sadd.s32 $0x5000, s2;
	s12 =	sadd.s32 $0x6000, s2;
	v20 =	vadd.s32 $0x1982, v6;
	v21 =	vor.u32 $0x3, v6;
	v22 =	vadd.s32 $0x883, v6  }
0xb: {  	s4 =	smul.u32 $0xC80, s5;
	[smem:$0x7FF] =	sst s3;
	s7 =	sshrl.u32 s0, $0x1;
	v23 =	vadd.s32 $0x1103, v6;
	v24 =	vadd.s32 $0x1983, v6;
	v25 =	vor.u32 $0x4, v6  }
0xc: {  	s13 =	sadd.s32 $0x7000, s2;
	v26 =	vadd.s32 $0x884, v6;
	v27 =	vadd.s32 $0x1104, v6;
	v28 =	vadd.s32 $0x1984, v6;
	_ =	strace $0x80000047;
	s0 =	ssub.s32 s0, s7  }
0xd: {  	v29 =	vor.u32 $0x5, v6;
	v30 =	vadd.s32 $0x885, v6;
	v31 =	vadd.s32 $0x1105, v6;
	s7 =	sadd.s32 $0x1000, s2;
	s6 =	sadd.s32 s4, s1;
	s4 =	sadd.s32 $0xF42A00, s1  }
0xe: {  	v32 =	vadd.s32 $0x1985, v6;
	v33 =	vor.u32 $0x6, v6;
	v34 =	vadd.s32 $0x886, v6;
	s0 =	smax.u32 s0, $0x1;
	s1 =	simm.s32 $0x14AF0;
	s26 =	sadd.s32 $0x600, s6  }
0xf: {  	v35 =	vadd.s32 $0x1106, v6;
	v36 =	vadd.s32 $0x1986, v6;
	v37 =	vor.u32 $0x7, v6;
	s6 =	sshll.u32 s5, $0xA;
	[dreg:$0x4] =	wrdreg s0;
	s5 =	simm.s32 $0x12A00  }
0x10: {  	v38 =	vadd.s32 $0x887, v6;
	v39 =	vadd.s32 $0x1107, v6;
	v40 =	vadd.s32 $0x1987, v6;
	s0 =	simm.s32 $0x14B78;
	[dreg:$0x3] =	wrdreg s26;
	s26 =	simm.s32 $0x14848  }
.LBB2_1:
0x11: {  	[dreg:$0x5] =	wrdreg s15  }
0x12: {  	v41 =	vadd.s32 s3, v0;
	s14 =	rddreg [dreg:$0x3];
	s24 =	simm.s32 $0x5  }
0x13: {  	[tilespmem:s3], [sflag:$0x5] =	stream.linear.gather [hbm4b:s14+s3], $0x6400, $0x38;
	[tilespmem:$0x14C00] =	vst v63  }
0x14: {  	_ =	swait.ge [sflag:s24], $0x6400  }
0x15: {  	[sflag:s24] =	ssyncset.done $0x0  }
0x16: {  	[sflag:s24] =	ssyncadd.s32 $0xFFFF9C00  }
0x17: {  	v41 =	vld.idx.msk [tilespmem:v41+s3+$0x0], $0xffff  }
0x18: {  	v42 =	vadd.s32 s3, v1;
	_ =	sdelay $0x2  }
0x19: {  	s14 =	simm.s32 $0x6440  }
0x1a: {  	[tilespmem:s14+$0xFFFFFFC0] =	vst v41  }
0x1b: {  	v41 =	vld.idx.msk [tilespmem:v42+s3+$0x0], $0xffff  }
0x1c: {  	v58 =	vadd.s32 s3, v2;
	_ =	sdelay $0x3  }
0x1d: {  	[tilespmem:s14+$0xFFFFFFD0] =	vst v41  }
0x1e: {  	v41 =	vld.idx.msk [tilespmem:v58+s3+$0x0], $0xffff  }
0x1f: {  	v59 =	vadd.s32 s3, v3;
	_ =	sdelay $0x3  }
0x20: {  	[tilespmem:s14+$0xFFFFFFE0] =	vst v41  }
0x21: {  	v41 =	vld.idx.msk [tilespmem:v59+s3+$0x0], $0xffff  }
0x22: {  	v60 =	vadd.s32 s3, v4;
	_ =	sdelay $0x3  }
0x23: {  	[tilespmem:s14+$0xFFFFFFF0] =	vst v41  }
0x24: {  	v41 =	vld.idx.msk [tilespmem:v60+s3+$0x0], $0xffff  }
0x25: {  	v61 =	vadd.s32 s3, v5;
	_ =	sdelay $0x3  }
0x26: {  	[tilespmem:s14+$0x0] =	vst v41  }
0x27: {  	v41 =	vld.idx.msk [tilespmem:v61+s3+$0x0], $0xffff  }
0x28: {  	v62 =	vadd.s32 s3, v7;
	_ =	sdelay $0x3  }
0x29: {  	[tilespmem:s14+$0x10] =	vst v41  }
0x2a: {  	v41 =	vld.idx.msk [tilespmem:v62+s3+$0x0], $0xffff  }
0x2b: {  	v63 =	vadd.s32 s3, v8;
	_ =	sdelay $0x3  }
0x2c: {  	[tilespmem:s14+$0x20] =	vst v41  }
0x2d: {  	s15 =	simm.s32 $0x1;
	v41 =	vld.idx.msk [tilespmem:v63+s3+$0x0], $0xffff  }
0x2e: {  	s19 =	simm.s32 $0x2;
	v42 =	vadd.s32 s15, v0  }
.LBB2_2:
0x2f: {  	p0 =	sne.s32 s19, $0xC7;
	_ =	sdelay $0x2  }
0x30: {  	[tilespmem:s14+$0x30] =	vst v41  }
0x31: {  	v41 =	vld.idx.msk [tilespmem:v42+s3+$0x0], $0xffff;
	_ =	sdelay $0x1  }
0x32: {  	v42 =	vadd.s32 s15, v1;
	_ =	sdelay $0x2  }
0x33: {  	s14 =	sadd.s32 $0x80, s14  }
0x34: {  	[tilespmem:s14+$0xFFFFFFC0] =	vst v41  }
0x35: {  	v41 =	vld.idx.msk [tilespmem:v42+s3+$0x0], $0xffff;
	_ =	sdelay $0x1  }
0x36: {  	v42 =	vadd.s32 s15, v2;
	_ =	sdelay $0x3  }
0x37: {  	[tilespmem:s14+$0xFFFFFFD0] =	vst v41  }
0x38: {  	v41 =	vld.idx.msk [tilespmem:v42+s3+$0x0], $0xffff;
	_ =	sdelay $0x1  }
0x39: {  	v42 =	vadd.s32 s15, v3;
	_ =	sdelay $0x3  }
0x3a: {  	[tilespmem:s14+$0xFFFFFFE0] =	vst v41  }
0x3b: {  	v41 =	vld.idx.msk [tilespmem:v42+s3+$0x0], $0xffff;
	_ =	sdelay $0x1  }
0x3c: {  	v42 =	vadd.s32 s15, v4;
	_ =	sdelay $0x3  }
0x3d: {  	[tilespmem:s14+$0xFFFFFFF0] =	vst v41  }
0x3e: {  	v41 =	vld.idx.msk [tilespmem:v42+s3+$0x0], $0xffff;
	_ =	sdelay $0x1  }
0x3f: {  	v42 =	vadd.s32 s15, v5;
	_ =	sdelay $0x3  }
0x40: {  	[tilespmem:s14+$0x0] =	vst v41  }
0x41: {  	v41 =	vld.idx.msk [tilespmem:v42+s3+$0x0], $0xffff;
	_ =	sdelay $0x1  }
0x42: {  	v42 =	vadd.s32 s15, v7;
	_ =	sdelay $0x3  }
0x43: {  	[tilespmem:s14+$0x10] =	vst v41  }
0x44: {  	v41 =	vld.idx.msk [tilespmem:v42+s3+$0x0], $0xffff;
	_ =	sdelay $0x1  }
0x45: {  	v42 =	vadd.s32 s15, v8;
	s15 =	smov.u32 s19;
	_ =	sdelay $0x2  }
.Ltmp0:
0x46: {  	(pc) =	sbr.rel @p0 .LBB2_2-.Ltmp0, $3  }
0x47: {  	[tilespmem:s14+$0x20] =	vst v41  }
0x48: {  	v41 =	vld.idx.msk [tilespmem:v42+s3+$0x0], $0xffff;
	_ =	sdelay $0x1  }
0x49: {  	s19 =	sadd.s32 $0x1, s19;
	v42 =	vadd.s32 s15, v0  }
0x4a: {  	_ =	sdelay $0x2  }
0x4b: {  	[tilespmem:s14+$0x30] =	vst v41  }
0x4c: {  	v41 =	vld.idx.msk [tilespmem:v42+s3+$0x0], $0xffff  }
0x4d: {  	v57 =	vadd.s32 s15, v1;
	_ =	sdelay $0x2  }
0x4e: {  	s22 =	sadd.s32 $0x80, s14  }
0x4f: {  	[tilespmem:s22+$0xFFFFFFC0] =	vst v41  }
0x50: {  	v41 =	vld.idx.msk [tilespmem:v57+s3+$0x0], $0xffff  }
0x51: {  	v58 =	vadd.s32 s15, v2;
	_ =	sdelay $0x3  }
0x52: {  	[tilespmem:s22+$0xFFFFFFD0] =	vst v41  }
0x53: {  	v41 =	vld.idx.msk [tilespmem:v58+s3+$0x0], $0xffff  }
0x54: {  	v59 =	vadd.s32 s15, v3;
	_ =	sdelay $0x3  }
0x55: {  	[tilespmem:s22+$0xFFFFFFE0] =	vst v41  }
0x56: {  	v41 =	vld.idx.msk [tilespmem:v59+s3+$0x0], $0xffff  }
0x57: {  	v60 =	vadd.s32 s15, v4;
	_ =	sdelay $0x3  }
0x58: {  	[tilespmem:s22+$0xFFFFFFF0] =	vst v41  }
0x59: {  	v41 =	vld.idx.msk [tilespmem:v60+s3+$0x0], $0xffff  }
0x5a: {  	v61 =	vadd.s32 s15, v5;
	_ =	sdelay $0x3  }
0x5b: {  	[tilespmem:s22+$0x0] =	vst v41  }
0x5c: {  	v41 =	vld.idx.msk [tilespmem:v61+s3+$0x0], $0xffff  }
0x5d: {  	v62 =	vadd.s32 s15, v7;
	_ =	sdelay $0x3  }
0x5e: {  	[tilespmem:s22+$0x10] =	vst v41  }
0x5f: {  	v41 =	vld.idx.msk [tilespmem:v62+s3+$0x0], $0xffff  }
0x60: {  	v63 =	vadd.s32 s15, v8;
	_ =	sdelay $0x3  }
0x61: {  	[tilespmem:s22+$0x20] =	vst v41  }
0x62: {  	v41 =	vld.idx.msk [tilespmem:v63+s3+$0x0], $0xffff;
	_ =	sdelay $0x3  }
0x63: {  	s23 =	simm.s32 $0x80;
	s24 =	simm.s32 $0x6400  }
0x64: {  	s16 =	simm.s32 $0xC800;
	s15 =	simm.s32 $0x0;
	s14 =	simm.s32 $0x0;
	[tilespmem:s22+$0x30] =	vst v41  }
0x65: {  	[tilespmem:s16], [sflag:$0x1] =	stream.indirect.gather [hbm4b:s4+s23], $0x40, s24, s23, $0xb8;
	[tilespmem:$0x14C00] =	vst v63  }
.LBB2_4:
0x66: {  	s19 =	sshllo.u32 s15, $0x1  }
0x67: {  	s22 =	sshll.u32 s19, $0x7  }
0x68: {  	s16 =	simm.s32 $0x80;
	s22 =	sand.u32 $0x3FFFFF80, s22  }
0x69: {  	s23 =	simm.s32 $0xE800;
	p0 =	seq.s32 s15, $0x0;
	s22 =	sadd.s32 $0x6400, s22  }
0x6a: {  	[tilespmem:s23], [sflag:$0x2] =	stream.indirect.gather [hbm4b:s4+s16], $0x40, s22, s16, $0xb8;
	[tilespmem:$0x14C00] =	vst v63  }
0x6b: {  	s22 =	simm.s32 @!p0 $0x3  }
0x6c: {  	_ =	swait.ge @!p0 [sflag:s22], $0x400  }
0x6d: {  	[sflag:s22] =	ssyncset.done @!p0 $0x0  }
0x6e: {  	[sflag:s22] =	ssyncadd.s32 @!p0 $0xFFFFFC00  }
0x6f: {  	_ =	swait.ge @!p0 [sflag:s22], $0x400  }
0x70: {  	[sflag:s22] =	ssyncset.done @!p0 $0x0  }
0x71: {  	[sflag:s22] =	ssyncadd.s32 @!p0 $0xFFFFFC00  }
0x72: {  	_ =	swait.ge @!p0 [sflag:s22], $0x400  }
0x73: {  	[sflag:s22] =	ssyncset.done @!p0 $0x0  }
0x74: {  	[sflag:s22] =	ssyncadd.s32 @!p0 $0xFFFFFC00  }
0x75: {  	_ =	swait.ge @!p0 [sflag:s22], $0x400  }
0x76: {  	[sflag:s22] =	ssyncset.done @!p0 $0x0  }
0x77: {  	[sflag:s22] =	ssyncadd.s32 @!p0 $0xFFFFFC00  }
0x78: {  	_ =	swait.ge @!p0 [sflag:s22], $0x400  }
0x79: {  	[sflag:s22] =	ssyncset.done @!p0 $0x0  }
0x7a: {  	[sflag:s22] =	ssyncadd.s32 @!p0 $0xFFFFFC00  }
0x7b: {  	_ =	swait.ge @!p0 [sflag:s22], $0x400  }
0x7c: {  	[sflag:s22] =	ssyncset.done @!p0 $0x0  }
0x7d: {  	[sflag:s22] =	ssyncadd.s32 @!p0 $0xFFFFFC00  }
0x7e: {  	_ =	swait.ge @!p0 [sflag:s22], $0x400  }
0x7f: {  	[sflag:s22] =	ssyncset.done @!p0 $0x0  }
0x80: {  	[sflag:s22] =	ssyncadd.s32 @!p0 $0xFFFFFC00  }
0x81: {  	_ =	swait.ge @!p0 [sflag:s22], $0x400  }
0x82: {  	v41 =	vmov s14;
	[sflag:s22] =	ssyncset.done @!p0 $0x0  }
0x83: {  	v41 =	vshrl.u32 v41, $0x3;
	[sflag:s22] =	ssyncadd.s32 @!p0 $0xFFFFFC00  }
0x84: {  	v41 =	vshll.u32 v41, v9;
	_ =	swait.ge [sflag:s20], $0x2000  }
0x85: {  	v41 =	vbroadcast v41, $0x0;
	[sflag:s20] =	ssyncset.done $0x0  }
0x86: {  	s22 =	simm.s32 $0xC900;
	[sflag:s20] =	ssyncadd.s32 $0xFFFFE000  }
0x87: {  	v43 =	vadd.s32 v6, v41;
	v42 =	vld [tilespmem:s22+$0xFFFFFF00];
	_ =	sdelay $0x4  }
0x88: {  	[tilespmem:v43+s21+$0x0] =	vst.idx.msk $0xffff, v42  }
0x89: {  	v47 =	vadd.s32 v10, v41;
	v42 =	vld [tilespmem:s22+$0xFFFFFF10];
	_ =	sdelay $0x4  }
0x8a: {  	[tilespmem:v47+s21+$0x0] =	vst.idx.msk $0xffff, v42  }
0x8b: {  	v48 =	vadd.s32 v11, v41;
	v42 =	vld [tilespmem:s22+$0xFFFFFF20];
	_ =	sdelay $0x4  }
0x8c: {  	[tilespmem:v48+s21+$0x0] =	vst.idx.msk $0xffff, v42  }
0x8d: {  	s24 =	simm.s32 $0x1;
	v41 =	vadd.s32 v12, v41;
	v42 =	vld [tilespmem:s22+$0xFFFFFF30]  }
0x8e: {  	v49 =	vmov s24  }
0x8f: {  	v43 =	vshrl.u32 v49, $0x3  }
0x90: {  	v43 =	vshll.u32 v43, v9  }
0x91: {  	v43 =	vbroadcast v43, $0x0  }
0x92: {  	[tilespmem:v41+s21+$0x0] =	vst.idx.msk $0xffff, v42  }
0x93: {  	v50 =	vadd.s32 v13, v43;
	v41 =	vld [tilespmem:s22+$0xFFFFFF40];
	_ =	sdelay $0x4  }
0x94: {  	[tilespmem:v50+s21+$0x0] =	vst.idx.msk $0xffff, v41  }
0x95: {  	v51 =	vadd.s32 v14, v43;
	v41 =	vld [tilespmem:s22+$0xFFFFFF50];
	_ =	sdelay $0x4  }
0x96: {  	[tilespmem:v51+s21+$0x0] =	vst.idx.msk $0xffff, v41  }
0x97: {  	v52 =	vadd.s32 v15, v43;
	v41 =	vld [tilespmem:s22+$0xFFFFFF60];
	_ =	sdelay $0x4  }
0x98: {  	[tilespmem:v52+s21+$0x0] =	vst.idx.msk $0xffff, v41  }
0x99: {  	s16 =	simm.s32 $0x2;
	v53 =	vadd.s32 v16, v43;
	v41 =	vld [tilespmem:s22+$0xFFFFFF70]  }
0x9a: {  	v54 =	vmov s16  }
0x9b: {  	v43 =	vshrl.u32 v54, $0x3  }
0x9c: {  	v43 =	vshll.u32 v43, v9  }
0x9d: {  	v43 =	vbroadcast v43, $0x0  }
0x9e: {  	[tilespmem:v53+s21+$0x0] =	vst.idx.msk $0xffff, v41  }
0x9f: {  	v55 =	vadd.s32 v17, v43;
	v41 =	vld [tilespmem:s22+$0xFFFFFF80];
	_ =	sdelay $0x4  }
0xa0: {  	[tilespmem:v55+s21+$0x0] =	vst.idx.msk $0xffff, v41  }
0xa1: {  	v56 =	vadd.s32 v18, v43;
	v41 =	vld [tilespmem:s22+$0xFFFFFF90];
	_ =	sdelay $0x4  }
0xa2: {  	[tilespmem:v56+s21+$0x0] =	vst.idx.msk $0xffff, v41  }
0xa3: {  	v57 =	vadd.s32 v19, v43;
	v41 =	vld [tilespmem:s22+$0xFFFFFFA0];
	_ =	sdelay $0x4  }
0xa4: {  	[tilespmem:v57+s21+$0x0] =	vst.idx.msk $0xffff, v41  }
0xa5: {  	s24 =	simm.s32 $0x3;
	v58 =	vadd.s32 v20, v43;
	v41 =	vld [tilespmem:s22+$0xFFFFFFB0]  }
0xa6: {  	v59 =	vmov s24  }
0xa7: {  	v43 =	vshrl.u32 v59, $0x3  }
0xa8: {  	v43 =	vshll.u32 v43, v9  }
0xa9: {  	v43 =	vbroadcast v43, $0x0  }
0xaa: {  	[tilespmem:v58+s21+$0x0] =	vst.idx.msk $0xffff, v41  }
0xab: {  	v60 =	vadd.s32 v21, v43;
	v41 =	vld [tilespmem:s22+$0xFFFFFFC0];
	_ =	sdelay $0x4  }
0xac: {  	[tilespmem:v60+s21+$0x0] =	vst.idx.msk $0xffff, v41  }
0xad: {  	v61 =	vadd.s32 v22, v43;
	v41 =	vld [tilespmem:s22+$0xFFFFFFD0];
	_ =	sdelay $0x4  }
0xae: {  	[tilespmem:v61+s21+$0x0] =	vst.idx.msk $0xffff, v41  }
0xaf: {  	v62 =	vadd.s32 v23, v43;
	v41 =	vld [tilespmem:s22+$0xFFFFFFE0];
	_ =	sdelay $0x4  }
0xb0: {  	[tilespmem:v62+s21+$0x0] =	vst.idx.msk $0xffff, v41  }
0xb1: {  	s16 =	simm.s32 $0x4;
	v63 =	vadd.s32 v24, v43;
	v41 =	vld [tilespmem:s22+$0xFFFFFFF0]  }
0xb2: {  	v45 =	vmov s16  }
0xb3: {  	v43 =	vshrl.u32 v45, $0x3  }
0xb4: {  	v43 =	vshll.u32 v43, v9  }
0xb5: {  	v43 =	vbroadcast v43, $0x0  }
0xb6: {  	[tilespmem:v63+s21+$0x0] =	vst.idx.msk $0xffff, v41  }
0xb7: {  	v46 =	vadd.s32 v25, v43;
	v41 =	vld [tilespmem:s22+$0x0];
	_ =	sdelay $0x4  }
0xb8: {  	[tilespmem:v46+s21+$0x0] =	vst.idx.msk $0xffff, v41  }
0xb9: {  	v47 =	vadd.s32 v26, v43;
	v41 =	vld [tilespmem:s22+$0x10];
	_ =	sdelay $0x4  }
0xba: {  	[tilespmem:v47+s21+$0x0] =	vst.idx.msk $0xffff, v41  }
0xbb: {  	v48 =	vadd.s32 v27, v43;
	v41 =	vld [tilespmem:s22+$0x20];
	_ =	sdelay $0x4  }
0xbc: {  	[tilespmem:v48+s21+$0x0] =	vst.idx.msk $0xffff, v41  }
0xbd: {  	s24 =	simm.s32 $0x5;
	v49 =	vadd.s32 v28, v43;
	v41 =	vld [tilespmem:s22+$0x30]  }
0xbe: {  	v50 =	vmov s24  }
0xbf: {  	v43 =	vshrl.u32 v50, $0x3  }
0xc0: {  	v43 =	vshll.u32 v43, v9  }
0xc1: {  	v43 =	vbroadcast v43, $0x0  }
0xc2: {  	[tilespmem:v49+s21+$0x0] =	vst.idx.msk $0xffff, v41  }
0xc3: {  	v51 =	vadd.s32 v29, v43;
	v41 =	vld [tilespmem:s22+$0x40];
	_ =	sdelay $0x4  }
0xc4: {  	[tilespmem:v51+s21+$0x0] =	vst.idx.msk $0xffff, v41  }
0xc5: {  	v52 =	vadd.s32 v30, v43;
	v41 =	vld [tilespmem:s22+$0x50];
	_ =	sdelay $0x4  }
0xc6: {  	[tilespmem:v52+s21+$0x0] =	vst.idx.msk $0xffff, v41  }
0xc7: {  	v53 =	vadd.s32 v31, v43;
	v41 =	vld [tilespmem:s22+$0x60];
	_ =	sdelay $0x4  }
0xc8: {  	[tilespmem:v53+s21+$0x0] =	vst.idx.msk $0xffff, v41  }
0xc9: {  	s16 =	simm.s32 $0x6;
	v54 =	vadd.s32 v32, v43;
	v41 =	vld [tilespmem:s22+$0x70]  }
0xca: {  	v55 =	vmov s16  }
0xcb: {  	v43 =	vshrl.u32 v55, $0x3  }
0xcc: {  	v43 =	vshll.u32 v43, v9  }
0xcd: {  	v43 =	vbroadcast v43, $0x0  }
0xce: {  	[tilespmem:v54+s21+$0x0] =	vst.idx.msk $0xffff, v41  }
0xcf: {  	v56 =	vadd.s32 v33, v43;
	v41 =	vld [tilespmem:s22+$0x80];
	_ =	sdelay $0x4  }
0xd0: {  	[tilespmem:v56+s21+$0x0] =	vst.idx.msk $0xffff, v41  }
0xd1: {  	v57 =	vadd.s32 v34, v43;
	v41 =	vld [tilespmem:s22+$0x90];
	_ =	sdelay $0x4  }
0xd2: {  	[tilespmem:v57+s21+$0x0] =	vst.idx.msk $0xffff, v41  }
0xd3: {  	v58 =	vadd.s32 v35, v43;
	v41 =	vld [tilespmem:s22+$0xA0];
	_ =	sdelay $0x4  }
0xd4: {  	[tilespmem:v58+s21+$0x0] =	vst.idx.msk $0xffff, v41  }
0xd5: {  	s24 =	simm.s32 $0x7;
	v59 =	vadd.s32 v36, v43;
	v41 =	vld [tilespmem:s22+$0xB0]  }
0xd6: {  	v60 =	vmov s24  }
0xd7: {  	v43 =	vshrl.u32 v60, $0x3  }
0xd8: {  	v43 =	vshll.u32 v43, v9  }
0xd9: {  	v43 =	vbroadcast v43, $0x0  }
0xda: {  	[tilespmem:v59+s21+$0x0] =	vst.idx.msk $0xffff, v41  }
0xdb: {  	v61 =	vadd.s32 v37, v43;
	v41 =	vld [tilespmem:s22+$0xC0];
	_ =	sdelay $0x4  }
0xdc: {  	[tilespmem:v61+s21+$0x0] =	vst.idx.msk $0xffff, v41  }
0xdd: {  	v62 =	vadd.s32 v38, v43;
	v41 =	vld [tilespmem:s22+$0xD0];
	_ =	sdelay $0x4  }
0xde: {  	[tilespmem:v62+s21+$0x0] =	vst.idx.msk $0xffff, v41  }
0xdf: {  	v63 =	vadd.s32 v39, v43;
	v41 =	vld [tilespmem:s22+$0xE0];
	_ =	sdelay $0x4  }
0xe0: {  	[tilespmem:v63+s21+$0x0] =	vst.idx.msk $0xffff, v41  }
0xe1: {  	s23 =	simm.s32 $0x8;
	v42 =	vadd.s32 v40, v43;
	v41 =	vld [tilespmem:s22+$0xF0]  }
0xe2: {  	s24 =	simm.s32 $0x10;
	v43 =	vmov s23  }
.LBB2_5:
0xe3: {  	p0 =	slt.u32 s24, $0x78;
	v43 =	vshrl.u32 v43, $0x3  }
0xe4: {  	v43 =	vshll.u32 v43, v9  }
0xe5: {  	v43 =	vbroadcast v43, $0x0  }
0xe6: {  	s22 =	sadd.s32 $0x200, s22;
	[tilespmem:v42+s21+$0x0] =	vst.idx.msk $0xffff, v41  }
0xe7: {  	v41 =	vld [tilespmem:s22+$0xFFFFFF00];
	v42 =	vadd.s32 v6, v43;
	_ =	sdelay $0x4  }
0xe8: {  	[tilespmem:v42+s21+$0x0] =	vst.idx.msk $0xffff, v41  }
0xe9: {  	v42 =	vadd.s32 v10, v43;
	v41 =	vld [tilespmem:s22+$0xFFFFFF10];
	_ =	sdelay $0x4  }
0xea: {  	[tilespmem:v42+s21+$0x0] =	vst.idx.msk $0xffff, v41  }
0xeb: {  	v42 =	vadd.s32 v11, v43;
	v41 =	vld [tilespmem:s22+$0xFFFFFF20];
	_ =	sdelay $0x4  }
0xec: {  	[tilespmem:v42+s21+$0x0] =	vst.idx.msk $0xffff, v41  }
0xed: {  	s16 =	sadd.s32 $0x1, s23;
	v42 =	vadd.s32 v12, v43;
	v41 =	vld [tilespmem:s22+$0xFFFFFF30]  }
0xee: {  	v43 =	vmov s16  }
0xef: {  	v43 =	vshrl.u32 v43, $0x3  }
0xf0: {  	v43 =	vshll.u32 v43, v9  }
0xf1: {  	v43 =	vbroadcast v43, $0x0  }
0xf2: {  	[tilespmem:v42+s21+$0x0] =	vst.idx.msk $0xffff, v41  }
0xf3: {  	v42 =	vadd.s32 v13, v43;
	v41 =	vld [tilespmem:s22+$0xFFFFFF40];
	_ =	sdelay $0x4  }
0xf4: {  	[tilespmem:v42+s21+$0x0] =	vst.idx.msk $0xffff, v41  }
0xf5: {  	v42 =	vadd.s32 v14, v43;
	v41 =	vld [tilespmem:s22+$0xFFFFFF50];
	_ =	sdelay $0x4  }
0xf6: {  	[tilespmem:v42+s21+$0x0] =	vst.idx.msk $0xffff, v41  }
0xf7: {  	v42 =	vadd.s32 v15, v43;
	v41 =	vld [tilespmem:s22+$0xFFFFFF60];
	_ =	sdelay $0x4  }
0xf8: {  	[tilespmem:v42+s21+$0x0] =	vst.idx.msk $0xffff, v41  }
0xf9: {  	s16 =	sadd.s32 $0x2, s23;
	v42 =	vadd.s32 v16, v43;
	v41 =	vld [tilespmem:s22+$0xFFFFFF70]  }
0xfa: {  	v43 =	vmov s16  }
0xfb: {  	v43 =	vshrl.u32 v43, $0x3  }
0xfc: {  	v43 =	vshll.u32 v43, v9  }
0xfd: {  	v43 =	vbroadcast v43, $0x0  }
0xfe: {  	[tilespmem:v42+s21+$0x0] =	vst.idx.msk $0xffff, v41  }
0xff: {  	v42 =	vadd.s32 v17, v43;
	v41 =	vld [tilespmem:s22+$0xFFFFFF80];
	_ =	sdelay $0x4  }
0x100: {  	[tilespmem:v42+s21+$0x0] =	vst.idx.msk $0xffff, v41  }
0x101: {  	v42 =	vadd.s32 v18, v43;
	v41 =	vld [tilespmem:s22+$0xFFFFFF90];
	_ =	sdelay $0x4  }
0x102: {  	[tilespmem:v42+s21+$0x0] =	vst.idx.msk $0xffff, v41  }
0x103: {  	v42 =	vadd.s32 v19, v43;
	v41 =	vld [tilespmem:s22+$0xFFFFFFA0];
	_ =	sdelay $0x4  }
0x104: {  	[tilespmem:v42+s21+$0x0] =	vst.idx.msk $0xffff, v41  }
0x105: {  	s16 =	sadd.s32 $0x3, s23;
	v42 =	vadd.s32 v20, v43;
	v41 =	vld [tilespmem:s22+$0xFFFFFFB0]  }
0x106: {  	v43 =	vmov s16  }
0x107: {  	v43 =	vshrl.u32 v43, $0x3  }
0x108: {  	v43 =	vshll.u32 v43, v9  }
0x109: {  	v43 =	vbroadcast v43, $0x0  }
0x10a: {  	[tilespmem:v42+s21+$0x0] =	vst.idx.msk $0xffff, v41  }
0x10b: {  	v42 =	vadd.s32 v21, v43;
	v41 =	vld [tilespmem:s22+$0xFFFFFFC0];
	_ =	sdelay $0x4  }
0x10c: {  	[tilespmem:v42+s21+$0x0] =	vst.idx.msk $0xffff, v41  }
0x10d: {  	v42 =	vadd.s32 v22, v43;
	v41 =	vld [tilespmem:s22+$0xFFFFFFD0];
	_ =	sdelay $0x4  }
0x10e: {  	[tilespmem:v42+s21+$0x0] =	vst.idx.msk $0xffff, v41  }
0x10f: {  	v42 =	vadd.s32 v23, v43;
	v41 =	vld [tilespmem:s22+$0xFFFFFFE0];
	_ =	sdelay $0x4  }
0x110: {  	[tilespmem:v42+s21+$0x0] =	vst.idx.msk $0xffff, v41  }
0x111: {  	s16 =	sadd.s32 $0x4, s23;
	v42 =	vadd.s32 v24, v43;
	v41 =	vld [tilespmem:s22+$0xFFFFFFF0]  }
0x112: {  	v43 =	vmov s16  }
0x113: {  	v43 =	vshrl.u32 v43, $0x3  }
0x114: {  	v43 =	vshll.u32 v43, v9  }
0x115: {  	v43 =	vbroadcast v43, $0x0  }
0x116: {  	[tilespmem:v42+s21+$0x0] =	vst.idx.msk $0xffff, v41  }
0x117: {  	v42 =	vadd.s32 v25, v43;
	v41 =	vld [tilespmem:s22+$0x0];
	_ =	sdelay $0x4  }
0x118: {  	[tilespmem:v42+s21+$0x0] =	vst.idx.msk $0xffff, v41  }
0x119: {  	v42 =	vadd.s32 v26, v43;
	v41 =	vld [tilespmem:s22+$0x10];
	_ =	sdelay $0x4  }
0x11a: {  	[tilespmem:v42+s21+$0x0] =	vst.idx.msk $0xffff, v41  }
0x11b: {  	v42 =	vadd.s32 v27, v43;
	v41 =	vld [tilespmem:s22+$0x20];
	_ =	sdelay $0x4  }
0x11c: {  	[tilespmem:v42+s21+$0x0] =	vst.idx.msk $0xffff, v41  }
0x11d: {  	s16 =	sadd.s32 $0x5, s23;
	v42 =	vadd.s32 v28, v43;
	v41 =	vld [tilespmem:s22+$0x30]  }
0x11e: {  	v43 =	vmov s16  }
0x11f: {  	v43 =	vshrl.u32 v43, $0x3  }
0x120: {  	v43 =	vshll.u32 v43, v9  }
0x121: {  	v43 =	vbroadcast v43, $0x0  }
0x122: {  	[tilespmem:v42+s21+$0x0] =	vst.idx.msk $0xffff, v41  }
0x123: {  	v42 =	vadd.s32 v29, v43;
	v41 =	vld [tilespmem:s22+$0x40];
	_ =	sdelay $0x4  }
0x124: {  	[tilespmem:v42+s21+$0x0] =	vst.idx.msk $0xffff, v41  }
0x125: {  	v42 =	vadd.s32 v30, v43;
	v41 =	vld [tilespmem:s22+$0x50];
	_ =	sdelay $0x4  }
0x126: {  	[tilespmem:v42+s21+$0x0] =	vst.idx.msk $0xffff, v41  }
0x127: {  	v42 =	vadd.s32 v31, v43;
	v41 =	vld [tilespmem:s22+$0x60];
	_ =	sdelay $0x4  }
0x128: {  	[tilespmem:v42+s21+$0x0] =	vst.idx.msk $0xffff, v41  }
0x129: {  	s16 =	sadd.s32 $0x6, s23;
	v42 =	vadd.s32 v32, v43;
	v41 =	vld [tilespmem:s22+$0x70]  }
0x12a: {  	v43 =	vmov s16  }
0x12b: {  	v43 =	vshrl.u32 v43, $0x3  }
0x12c: {  	v43 =	vshll.u32 v43, v9  }
0x12d: {  	v43 =	vbroadcast v43, $0x0  }
0x12e: {  	[tilespmem:v42+s21+$0x0] =	vst.idx.msk $0xffff, v41  }
0x12f: {  	v42 =	vadd.s32 v33, v43;
	v41 =	vld [tilespmem:s22+$0x80];
	_ =	sdelay $0x4  }
0x130: {  	[tilespmem:v42+s21+$0x0] =	vst.idx.msk $0xffff, v41  }
0x131: {  	v42 =	vadd.s32 v34, v43;
	v41 =	vld [tilespmem:s22+$0x90];
	_ =	sdelay $0x4  }
0x132: {  	[tilespmem:v42+s21+$0x0] =	vst.idx.msk $0xffff, v41  }
0x133: {  	v42 =	vadd.s32 v35, v43;
	v41 =	vld [tilespmem:s22+$0xA0];
	_ =	sdelay $0x4  }
0x134: {  	[tilespmem:v42+s21+$0x0] =	vst.idx.msk $0xffff, v41  }
0x135: {  	s16 =	sadd.s32 $0x7, s23;
	s23 =	smov.u32 s24;
	v42 =	vadd.s32 v36, v43;
	v41 =	vld [tilespmem:s22+$0xB0]  }
0x136: {  	v43 =	vmov s16  }
0x137: {  	v43 =	vshrl.u32 v43, $0x3  }
0x138: {  	v43 =	vshll.u32 v43, v9  }
0x139: {  	v43 =	vbroadcast v43, $0x0  }
0x13a: {  	[tilespmem:v42+s21+$0x0] =	vst.idx.msk $0xffff, v41  }
0x13b: {  	v42 =	vadd.s32 v37, v43;
	v41 =	vld [tilespmem:s22+$0xC0];
	_ =	sdelay $0x4  }
0x13c: {  	[tilespmem:v42+s21+$0x0] =	vst.idx.msk $0xffff, v41  }
0x13d: {  	v42 =	vadd.s32 v38, v43;
	v41 =	vld [tilespmem:s22+$0xD0];
	_ =	sdelay $0x4  }
0x13e: {  	[tilespmem:v42+s21+$0x0] =	vst.idx.msk $0xffff, v41  }
0x13f: {  	v42 =	vadd.s32 v39, v43;
	v41 =	vld [tilespmem:s22+$0xE0];
	_ =	sdelay $0x2  }
.Ltmp1:
0x140: {  	(pc) =	sbr.rel @p0 .LBB2_5-.Ltmp1, $4  }
0x141: {  	_ = 	snop  }
0x142: {  	[tilespmem:v42+s21+$0x0] =	vst.idx.msk $0xffff, v41  }
0x143: {  	v42 =	vadd.s32 v40, v43;
	v41 =	vld [tilespmem:s22+$0xF0]  }
0x144: {  	s24 =	sadd.s32 $0x8, s24;
	v43 =	vmov s23  }
0x145: {  	_ = 	snop  }
0x146: {  	v43 =	vshrl.u32 v43, $0x3  }
0x147: {  	v43 =	vshll.u32 v43, v9  }
0x148: {  	v43 =	vbroadcast v43, $0x0  }
0x149: {  	s22 =	sadd.s32 $0x200, s22;
	[tilespmem:v42+s21+$0x0] =	vst.idx.msk $0xffff, v41  }
0x14a: {  	v41 =	vld [tilespmem:s22+$0xFFFFFF00];
	v63 =	vadd.s32 v6, v43;
	_ =	sdelay $0x4  }
0x14b: {  	[tilespmem:v63+s21+$0x0] =	vst.idx.msk $0xffff, v41  }
0x14c: {  	v45 =	vadd.s32 v10, v43;
	v41 =	vld [tilespmem:s22+$0xFFFFFF10];
	_ =	sdelay $0x4  }
0x14d: {  	[tilespmem:v45+s21+$0x0] =	vst.idx.msk $0xffff, v41  }
0x14e: {  	v46 =	vadd.s32 v11, v43;
	v41 =	vld [tilespmem:s22+$0xFFFFFF20];
	_ =	sdelay $0x4  }
0x14f: {  	[tilespmem:v46+s21+$0x0] =	vst.idx.msk $0xffff, v41  }
0x150: {  	s16 =	sadd.s32 $0x1, s23;
	v47 =	vadd.s32 v12, v43;
	v41 =	vld [tilespmem:s22+$0xFFFFFF30]  }
0x151: {  	v48 =	vmov s16  }
0x152: {  	v43 =	vshrl.u32 v48, $0x3  }
0x153: {  	v43 =	vshll.u32 v43, v9  }
0x154: {  	v43 =	vbroadcast v43, $0x0  }
0x155: {  	[tilespmem:v47+s21+$0x0] =	vst.idx.msk $0xffff, v41  }
0x156: {  	v49 =	vadd.s32 v13, v43;
	v41 =	vld [tilespmem:s22+$0xFFFFFF40];
	_ =	sdelay $0x4  }
0x157: {  	[tilespmem:v49+s21+$0x0] =	vst.idx.msk $0xffff, v41  }
0x158: {  	v50 =	vadd.s32 v14, v43;
	v41 =	vld [tilespmem:s22+$0xFFFFFF50];
	_ =	sdelay $0x4  }
0x159: {  	[tilespmem:v50+s21+$0x0] =	vst.idx.msk $0xffff, v41  }
0x15a: {  	v51 =	vadd.s32 v15, v43;
	v41 =	vld [tilespmem:s22+$0xFFFFFF60];
	_ =	sdelay $0x4  }
0x15b: {  	[tilespmem:v51+s21+$0x0] =	vst.idx.msk $0xffff, v41  }
0x15c: {  	s24 =	sadd.s32 $0x2, s23;
	v52 =	vadd.s32 v16, v43;
	v41 =	vld [tilespmem:s22+$0xFFFFFF70]  }
0x15d: {  	v53 =	vmov s24  }
0x15e: {  	v43 =	vshrl.u32 v53, $0x3  }
0x15f: {  	v43 =	vshll.u32 v43, v9  }
0x160: {  	v43 =	vbroadcast v43, $0x0  }
0x161: {  	[tilespmem:v52+s21+$0x0] =	vst.idx.msk $0xffff, v41  }
0x162: {  	v54 =	vadd.s32 v17, v43;
	v41 =	vld [tilespmem:s22+$0xFFFFFF80];
	_ =	sdelay $0x4  }
0x163: {  	[tilespmem:v54+s21+$0x0] =	vst.idx.msk $0xffff, v41  }
0x164: {  	v55 =	vadd.s32 v18, v43;
	v41 =	vld [tilespmem:s22+$0xFFFFFF90];
	_ =	sdelay $0x4  }
0x165: {  	[tilespmem:v55+s21+$0x0] =	vst.idx.msk $0xffff, v41  }
0x166: {  	v56 =	vadd.s32 v19, v43;
	v41 =	vld [tilespmem:s22+$0xFFFFFFA0];
	_ =	sdelay $0x4  }
0x167: {  	[tilespmem:v56+s21+$0x0] =	vst.idx.msk $0xffff, v41  }
0x168: {  	s24 =	sadd.s32 $0x3, s23;
	v57 =	vadd.s32 v20, v43;
	v41 =	vld [tilespmem:s22+$0xFFFFFFB0]  }
0x169: {  	v58 =	vmov s24  }
0x16a: {  	v43 =	vshrl.u32 v58, $0x3  }
0x16b: {  	v43 =	vshll.u32 v43, v9  }
0x16c: {  	v43 =	vbroadcast v43, $0x0  }
0x16d: {  	[tilespmem:v57+s21+$0x0] =	vst.idx.msk $0xffff, v41  }
0x16e: {  	v59 =	vadd.s32 v21, v43;
	v41 =	vld [tilespmem:s22+$0xFFFFFFC0];
	_ =	sdelay $0x4  }
0x16f: {  	[tilespmem:v59+s21+$0x0] =	vst.idx.msk $0xffff, v41  }
0x170: {  	v60 =	vadd.s32 v22, v43;
	v41 =	vld [tilespmem:s22+$0xFFFFFFD0];
	_ =	sdelay $0x4  }
0x171: {  	[tilespmem:v60+s21+$0x0] =	vst.idx.msk $0xffff, v41  }
0x172: {  	v61 =	vadd.s32 v23, v43;
	v41 =	vld [tilespmem:s22+$0xFFFFFFE0];
	_ =	sdelay $0x4  }
0x173: {  	[tilespmem:v61+s21+$0x0] =	vst.idx.msk $0xffff, v41  }
0x174: {  	s24 =	sadd.s32 $0x4, s23;
	v62 =	vadd.s32 v24, v43;
	v41 =	vld [tilespmem:s22+$0xFFFFFFF0]  }
0x175: {  	v63 =	vmov s24  }
0x176: {  	v43 =	vshrl.u32 v63, $0x3  }
0x177: {  	v43 =	vshll.u32 v43, v9  }
0x178: {  	v43 =	vbroadcast v43, $0x0  }
0x179: {  	[tilespmem:v62+s21+$0x0] =	vst.idx.msk $0xffff, v41  }
0x17a: {  	v45 =	vadd.s32 v25, v43;
	v41 =	vld [tilespmem:s22+$0x0];
	_ =	sdelay $0x4  }
0x17b: {  	[tilespmem:v45+s21+$0x0] =	vst.idx.msk $0xffff, v41  }
0x17c: {  	v46 =	vadd.s32 v26, v43;
	v41 =	vld [tilespmem:s22+$0x10];
	_ =	sdelay $0x4  }
0x17d: {  	[tilespmem:v46+s21+$0x0] =	vst.idx.msk $0xffff, v41  }
0x17e: {  	v47 =	vadd.s32 v27, v43;
	v41 =	vld [tilespmem:s22+$0x20];
	_ =	sdelay $0x4  }
0x17f: {  	[tilespmem:v47+s21+$0x0] =	vst.idx.msk $0xffff, v41  }
0x180: {  	s24 =	sadd.s32 $0x5, s23;
	v48 =	vadd.s32 v28, v43;
	v41 =	vld [tilespmem:s22+$0x30]  }
0x181: {  	v49 =	vmov s24  }
0x182: {  	v43 =	vshrl.u32 v49, $0x3  }
0x183: {  	v43 =	vshll.u32 v43, v9  }
0x184: {  	v43 =	vbroadcast v43, $0x0  }
0x185: {  	[tilespmem:v48+s21+$0x0] =	vst.idx.msk $0xffff, v41  }
0x186: {  	v50 =	vadd.s32 v29, v43;
	v41 =	vld [tilespmem:s22+$0x40];
	_ =	sdelay $0x4  }
0x187: {  	[tilespmem:v50+s21+$0x0] =	vst.idx.msk $0xffff, v41  }
0x188: {  	v51 =	vadd.s32 v30, v43;
	v41 =	vld [tilespmem:s22+$0x50];
	_ =	sdelay $0x4  }
0x189: {  	[tilespmem:v51+s21+$0x0] =	vst.idx.msk $0xffff, v41  }
0x18a: {  	v52 =	vadd.s32 v31, v43;
	v41 =	vld [tilespmem:s22+$0x60];
	_ =	sdelay $0x4  }
0x18b: {  	[tilespmem:v52+s21+$0x0] =	vst.idx.msk $0xffff, v41  }
0x18c: {  	s24 =	sadd.s32 $0x6, s23;
	v53 =	vadd.s32 v32, v43;
	v41 =	vld [tilespmem:s22+$0x70]  }
0x18d: {  	v54 =	vmov s24  }
0x18e: {  	v43 =	vshrl.u32 v54, $0x3  }
0x18f: {  	v43 =	vshll.u32 v43, v9  }
0x190: {  	v43 =	vbroadcast v43, $0x0  }
0x191: {  	[tilespmem:v53+s21+$0x0] =	vst.idx.msk $0xffff, v41  }
0x192: {  	v55 =	vadd.s32 v33, v43;
	v41 =	vld [tilespmem:s22+$0x80];
	_ =	sdelay $0x4  }
0x193: {  	[tilespmem:v55+s21+$0x0] =	vst.idx.msk $0xffff, v41  }
0x194: {  	v56 =	vadd.s32 v34, v43;
	v41 =	vld [tilespmem:s22+$0x90];
	_ =	sdelay $0x4  }
0x195: {  	[tilespmem:v56+s21+$0x0] =	vst.idx.msk $0xffff, v41  }
0x196: {  	v57 =	vadd.s32 v35, v43;
	v41 =	vld [tilespmem:s22+$0xA0];
	_ =	sdelay $0x4  }
0x197: {  	[tilespmem:v57+s21+$0x0] =	vst.idx.msk $0xffff, v41  }
0x198: {  	s24 =	sadd.s32 $0x7, s23;
	v58 =	vadd.s32 v36, v43;
	v41 =	vld [tilespmem:s22+$0xB0]  }
0x199: {  	v59 =	vmov s24  }
0x19a: {  	v43 =	vshrl.u32 v59, $0x3  }
0x19b: {  	v43 =	vshll.u32 v43, v9  }
0x19c: {  	v43 =	vbroadcast v43, $0x0  }
0x19d: {  	[tilespmem:v58+s21+$0x0] =	vst.idx.msk $0xffff, v41  }
0x19e: {  	v60 =	vadd.s32 v37, v43;
	v41 =	vld [tilespmem:s22+$0xC0];
	_ =	sdelay $0x4  }
0x19f: {  	[tilespmem:v60+s21+$0x0] =	vst.idx.msk $0xffff, v41  }
0x1a0: {  	v61 =	vadd.s32 v38, v43;
	v41 =	vld [tilespmem:s22+$0xD0];
	_ =	sdelay $0x4  }
0x1a1: {  	[tilespmem:v61+s21+$0x0] =	vst.idx.msk $0xffff, v41  }
0x1a2: {  	v62 =	vadd.s32 v39, v43;
	v41 =	vld [tilespmem:s22+$0xE0];
	_ =	sdelay $0x4  }
0x1a3: {  	[tilespmem:v62+s21+$0x0] =	vst.idx.msk $0xffff, v41  }
0x1a4: {  	v63 =	vadd.s32 v40, v43;
	v41 =	vld [tilespmem:s22+$0xF0];
	_ =	sdelay $0x1  }
0x1a5: {  	s23 =	sshll.u32 s15, $0x13  }
0x1a6: {  	s16 =	sor.u32 s6, s23  }
0x1a7: {  	s22 =	sshrl.u32 s16, $0x3  }
0x1a8: {  	s16 =	sadd.s32 s2, s22;
	[tilespmem:v63+s21+$0x0] =	vst.idx.msk $0xffff, v41  }
0x1a9: {  	[hbm4b:s16+s3] =	stream.linear.scatter [tilespmem:s21], [sflag:$0x3], $0x80, $0x38;
	[tilespmem:$0x14C00] =	vst v63  }
0x1aa: {  	s24 =	simm.s32 $0x10888;
	s23 =	sadd.s32 $0x10, s16  }
0x1ab: {  	[hbm4b:s23+s3] =	stream.linear.scatter [tilespmem:s24], [sflag:$0x3], $0x80, $0x38;
	[tilespmem:$0x14C00] =	vst v63  }
0x1ac: {  	s23 =	sadd.s32 $0x20, s16;
	s24 =	simm.s32 $0x10910  }
0x1ad: {  	[hbm4b:s23+s3] =	stream.linear.scatter [tilespmem:s24], [sflag:$0x3], $0x80, $0x38;
	[tilespmem:$0x14C00] =	vst v63  }
0x1ae: {  	s23 =	sadd.s32 $0x30, s16;
	s24 =	simm.s32 $0x10998  }
0x1af: {  	[hbm4b:s23+s3] =	stream.linear.scatter [tilespmem:s24], [sflag:$0x3], $0x80, $0x38;
	[tilespmem:$0x14C00] =	vst v63  }
0x1b0: {  	s23 =	sadd.s32 $0x40, s16;
	s24 =	simm.s32 $0x10A20  }
0x1b1: {  	[hbm4b:s23+s3] =	stream.linear.scatter [tilespmem:s24], [sflag:$0x3], $0x80, $0x38;
	[tilespmem:$0x14C00] =	vst v63  }
0x1b2: {  	s23 =	sadd.s32 $0x50, s16;
	s24 =	simm.s32 $0x10AA8  }
0x1b3: {  	[hbm4b:s23+s3] =	stream.linear.scatter [tilespmem:s24], [sflag:$0x3], $0x80, $0x38;
	[tilespmem:$0x14C00] =	vst v63  }
0x1b4: {  	s23 =	sadd.s32 $0x60, s16;
	s24 =	simm.s32 $0x10B30  }
0x1b5: {  	[hbm4b:s23+s3] =	stream.linear.scatter [tilespmem:s24], [sflag:$0x3], $0x80, $0x38;
	[tilespmem:$0x14C00] =	vst v63  }
0x1b6: {  	s16 =	sadd.s32 $0x70, s16;
	s24 =	simm.s32 $0x10BB8  }
0x1b7: {  	[hbm4b:s16+s3] =	stream.linear.scatter [tilespmem:s24], [sflag:$0x3], $0x80, $0x38;
	[tilespmem:$0x14C00] =	vst v63  }
0x1b8: {  	s16 =	sadd.s32 s22, s7;
	s24 =	simm.s32 $0x10C40  }
0x1b9: {  	[hbm4b:s16+s3] =	stream.linear.scatter [tilespmem:s24], [sflag:$0x3], $0x80, $0x38;
	[tilespmem:$0x14C00] =	vst v63  }
0x1ba: {  	s23 =	sadd.s32 $0x10, s16;
	s24 =	simm.s32 $0x10CC8  }
0x1bb: {  	[hbm4b:s23+s3] =	stream.linear.scatter [tilespmem:s24], [sflag:$0x3], $0x80, $0x38;
	[tilespmem:$0x14C00] =	vst v63  }
0x1bc: {  	s23 =	sadd.s32 $0x20, s16;
	s24 =	simm.s32 $0x10D50  }
0x1bd: {  	[hbm4b:s23+s3] =	stream.linear.scatter [tilespmem:s24], [sflag:$0x3], $0x80, $0x38;
	[tilespmem:$0x14C00] =	vst v63  }
0x1be: {  	s23 =	sadd.s32 $0x30, s16;
	s24 =	simm.s32 $0x10DD8  }
0x1bf: {  	[hbm4b:s23+s3] =	stream.linear.scatter [tilespmem:s24], [sflag:$0x3], $0x80, $0x38;
	[tilespmem:$0x14C00] =	vst v63  }
0x1c0: {  	s23 =	sadd.s32 $0x40, s16;
	s24 =	simm.s32 $0x10E60  }
0x1c1: {  	[hbm4b:s23+s3] =	stream.linear.scatter [tilespmem:s24], [sflag:$0x3], $0x80, $0x38;
	[tilespmem:$0x14C00] =	vst v63  }
0x1c2: {  	s23 =	sadd.s32 $0x50, s16;
	s24 =	simm.s32 $0x10EE8  }
0x1c3: {  	[hbm4b:s23+s3] =	stream.linear.scatter [tilespmem:s24], [sflag:$0x3], $0x80, $0x38;
	[tilespmem:$0x14C00] =	vst v63  }
0x1c4: {  	s23 =	sadd.s32 $0x60, s16;
	s24 =	simm.s32 $0x10F70  }
0x1c5: {  	[hbm4b:s23+s3] =	stream.linear.scatter [tilespmem:s24], [sflag:$0x3], $0x80, $0x38;
	[tilespmem:$0x14C00] =	vst v63  }
0x1c6: {  	s16 =	sadd.s32 $0x70, s16;
	s24 =	simm.s32 $0x10FF8  }
0x1c7: {  	[hbm4b:s16+s3] =	stream.linear.scatter [tilespmem:s24], [sflag:$0x3], $0x80, $0x38;
	[tilespmem:$0x14C00] =	vst v63  }
0x1c8: {  	s16 =	sadd.s32 s22, s8;
	s24 =	simm.s32 $0x11080  }
0x1c9: {  	[hbm4b:s16+s3] =	stream.linear.scatter [tilespmem:s24], [sflag:$0x3], $0x80, $0x38;
	[tilespmem:$0x14C00] =	vst v63  }
0x1ca: {  	s23 =	sadd.s32 $0x10, s16;
	s24 =	simm.s32 $0x11108  }
0x1cb: {  	[hbm4b:s23+s3] =	stream.linear.scatter [tilespmem:s24], [sflag:$0x3], $0x80, $0x38;
	[tilespmem:$0x14C00] =	vst v63  }
0x1cc: {  	s23 =	sadd.s32 $0x20, s16;
	s24 =	simm.s32 $0x11190  }
0x1cd: {  	[hbm4b:s23+s3] =	stream.linear.scatter [tilespmem:s24], [sflag:$0x3], $0x80, $0x38;
	[tilespmem:$0x14C00] =	vst v63  }
0x1ce: {  	s23 =	sadd.s32 $0x30, s16;
	s24 =	simm.s32 $0x11218  }
0x1cf: {  	[hbm4b:s23+s3] =	stream.linear.scatter [tilespmem:s24], [sflag:$0x3], $0x80, $0x38;
	[tilespmem:$0x14C00] =	vst v63  }
0x1d0: {  	s23 =	sadd.s32 $0x40, s16;
	s24 =	simm.s32 $0x112A0  }
0x1d1: {  	[hbm4b:s23+s3] =	stream.linear.scatter [tilespmem:s24], [sflag:$0x3], $0x80, $0x38;
	[tilespmem:$0x14C00] =	vst v63  }
0x1d2: {  	s23 =	sadd.s32 $0x50, s16;
	s24 =	simm.s32 $0x11328  }
0x1d3: {  	[hbm4b:s23+s3] =	stream.linear.scatter [tilespmem:s24], [sflag:$0x3], $0x80, $0x38;
	[tilespmem:$0x14C00] =	vst v63  }
0x1d4: {  	s23 =	sadd.s32 $0x60, s16;
	s24 =	simm.s32 $0x113B0  }
0x1d5: {  	[hbm4b:s23+s3] =	stream.linear.scatter [tilespmem:s24], [sflag:$0x3], $0x80, $0x38;
	[tilespmem:$0x14C00] =	vst v63  }
0x1d6: {  	s16 =	sadd.s32 $0x70, s16;
	s24 =	simm.s32 $0x11438  }
0x1d7: {  	[hbm4b:s16+s3] =	stream.linear.scatter [tilespmem:s24], [sflag:$0x3], $0x80, $0x38;
	[tilespmem:$0x14C00] =	vst v63  }
0x1d8: {  	s16 =	sadd.s32 s22, s9;
	s24 =	simm.s32 $0x114C0  }
0x1d9: {  	[hbm4b:s16+s3] =	stream.linear.scatter [tilespmem:s24], [sflag:$0x3], $0x80, $0x38;
	[tilespmem:$0x14C00] =	vst v63  }
0x1da: {  	s23 =	sadd.s32 $0x10, s16;
	s24 =	simm.s32 $0x11548  }
0x1db: {  	[hbm4b:s23+s3] =	stream.linear.scatter [tilespmem:s24], [sflag:$0x3], $0x80, $0x38;
	[tilespmem:$0x14C00] =	vst v63  }
0x1dc: {  	s23 =	sadd.s32 $0x20, s16;
	s24 =	simm.s32 $0x115D0  }
0x1dd: {  	[hbm4b:s23+s3] =	stream.linear.scatter [tilespmem:s24], [sflag:$0x3], $0x80, $0x38;
	[tilespmem:$0x14C00] =	vst v63  }
0x1de: {  	s23 =	sadd.s32 $0x30, s16;
	s24 =	simm.s32 $0x11658  }
0x1df: {  	[hbm4b:s23+s3] =	stream.linear.scatter [tilespmem:s24], [sflag:$0x3], $0x80, $0x38;
	[tilespmem:$0x14C00] =	vst v63  }
0x1e0: {  	s23 =	sadd.s32 $0x40, s16;
	s24 =	simm.s32 $0x116E0  }
0x1e1: {  	[hbm4b:s23+s3] =	stream.linear.scatter [tilespmem:s24], [sflag:$0x3], $0x80, $0x38;
	[tilespmem:$0x14C00] =	vst v63  }
0x1e2: {  	s23 =	sadd.s32 $0x50, s16;
	s24 =	simm.s32 $0x11768  }
0x1e3: {  	[hbm4b:s23+s3] =	stream.linear.scatter [tilespmem:s24], [sflag:$0x3], $0x80, $0x38;
	[tilespmem:$0x14C00] =	vst v63  }
0x1e4: {  	s23 =	sadd.s32 $0x60, s16;
	s24 =	simm.s32 $0x117F0  }
0x1e5: {  	[hbm4b:s23+s3] =	stream.linear.scatter [tilespmem:s24], [sflag:$0x3], $0x80, $0x38;
	[tilespmem:$0x14C00] =	vst v63  }
0x1e6: {  	s16 =	sadd.s32 $0x70, s16;
	s24 =	simm.s32 $0x11878  }
0x1e7: {  	[hbm4b:s16+s3] =	stream.linear.scatter [tilespmem:s24], [sflag:$0x3], $0x80, $0x38;
	[tilespmem:$0x14C00] =	vst v63  }
0x1e8: {  	s16 =	sadd.s32 s22, s10;
	s24 =	simm.s32 $0x11900  }
0x1e9: {  	[hbm4b:s16+s3] =	stream.linear.scatter [tilespmem:s24], [sflag:$0x3], $0x80, $0x38;
	[tilespmem:$0x14C00] =	vst v63  }
0x1ea: {  	s23 =	sadd.s32 $0x10, s16;
	s24 =	simm.s32 $0x11988  }
0x1eb: {  	[hbm4b:s23+s3] =	stream.linear.scatter [tilespmem:s24], [sflag:$0x3], $0x80, $0x38;
	[tilespmem:$0x14C00] =	vst v63  }
0x1ec: {  	s23 =	sadd.s32 $0x20, s16;
	s24 =	simm.s32 $0x11A10  }
0x1ed: {  	[hbm4b:s23+s3] =	stream.linear.scatter [tilespmem:s24], [sflag:$0x3], $0x80, $0x38;
	[tilespmem:$0x14C00] =	vst v63  }
0x1ee: {  	s23 =	sadd.s32 $0x30, s16;
	s24 =	simm.s32 $0x11A98  }
0x1ef: {  	[hbm4b:s23+s3] =	stream.linear.scatter [tilespmem:s24], [sflag:$0x3], $0x80, $0x38;
	[tilespmem:$0x14C00] =	vst v63  }
0x1f0: {  	s23 =	sadd.s32 $0x40, s16;
	s24 =	simm.s32 $0x11B20  }
0x1f1: {  	[hbm4b:s23+s3] =	stream.linear.scatter [tilespmem:s24], [sflag:$0x3], $0x80, $0x38;
	[tilespmem:$0x14C00] =	vst v63  }
0x1f2: {  	s23 =	sadd.s32 $0x50, s16;
	s24 =	simm.s32 $0x11BA8  }
0x1f3: {  	[hbm4b:s23+s3] =	stream.linear.scatter [tilespmem:s24], [sflag:$0x3], $0x80, $0x38;
	[tilespmem:$0x14C00] =	vst v63  }
0x1f4: {  	s23 =	sadd.s32 $0x60, s16;
	s24 =	simm.s32 $0x11C30  }
0x1f5: {  	[hbm4b:s23+s3] =	stream.linear.scatter [tilespmem:s24], [sflag:$0x3], $0x80, $0x38;
	[tilespmem:$0x14C00] =	vst v63  }
0x1f6: {  	s16 =	sadd.s32 $0x70, s16;
	s24 =	simm.s32 $0x11CB8  }
0x1f7: {  	[hbm4b:s16+s3] =	stream.linear.scatter [tilespmem:s24], [sflag:$0x3], $0x80, $0x38;
	[tilespmem:$0x14C00] =	vst v63  }
0x1f8: {  	s16 =	sadd.s32 s22, s11;
	s24 =	simm.s32 $0x11D40  }
0x1f9: {  	[hbm4b:s16+s3] =	stream.linear.scatter [tilespmem:s24], [sflag:$0x3], $0x80, $0x38;
	[tilespmem:$0x14C00] =	vst v63  }
0x1fa: {  	s23 =	sadd.s32 $0x10, s16;
	s24 =	simm.s32 $0x11DC8  }
0x1fb: {  	[hbm4b:s23+s3] =	stream.linear.scatter [tilespmem:s24], [sflag:$0x3], $0x80, $0x38;
	[tilespmem:$0x14C00] =	vst v63  }
0x1fc: {  	s23 =	sadd.s32 $0x20, s16;
	s24 =	simm.s32 $0x11E50  }
0x1fd: {  	[hbm4b:s23+s3] =	stream.linear.scatter [tilespmem:s24], [sflag:$0x3], $0x80, $0x38;
	[tilespmem:$0x14C00] =	vst v63  }
0x1fe: {  	s23 =	sadd.s32 $0x30, s16;
	s24 =	simm.s32 $0x11ED8  }
0x1ff: {  	[hbm4b:s23+s3] =	stream.linear.scatter [tilespmem:s24], [sflag:$0x3], $0x80, $0x38;
	[tilespmem:$0x14C00] =	vst v63  }
0x200: {  	s23 =	sadd.s32 $0x40, s16;
	s24 =	simm.s32 $0x11F60  }
0x201: {  	[hbm4b:s23+s3] =	stream.linear.scatter [tilespmem:s24], [sflag:$0x3], $0x80, $0x38;
	[tilespmem:$0x14C00] =	vst v63  }
0x202: {  	s23 =	sadd.s32 $0x50, s16;
	s24 =	simm.s32 $0x11FE8  }
0x203: {  	[hbm4b:s23+s3] =	stream.linear.scatter [tilespmem:s24], [sflag:$0x3], $0x80, $0x38;
	[tilespmem:$0x14C00] =	vst v63  }
0x204: {  	s23 =	sadd.s32 $0x60, s16;
	s24 =	simm.s32 $0x12070  }
0x205: {  	[hbm4b:s23+s3] =	stream.linear.scatter [tilespmem:s24], [sflag:$0x3], $0x80, $0x38;
	[tilespmem:$0x14C00] =	vst v63  }
0x206: {  	s16 =	sadd.s32 $0x70, s16;
	s24 =	simm.s32 $0x120F8  }
0x207: {  	[hbm4b:s16+s3] =	stream.linear.scatter [tilespmem:s24], [sflag:$0x3], $0x80, $0x38;
	[tilespmem:$0x14C00] =	vst v63  }
0x208: {  	s16 =	sadd.s32 s22, s12;
	s24 =	simm.s32 $0x12180  }
0x209: {  	[hbm4b:s16+s3] =	stream.linear.scatter [tilespmem:s24], [sflag:$0x3], $0x80, $0x38;
	[tilespmem:$0x14C00] =	vst v63  }
0x20a: {  	s23 =	sadd.s32 $0x10, s16;
	s24 =	simm.s32 $0x12208  }
0x20b: {  	[hbm4b:s23+s3] =	stream.linear.scatter [tilespmem:s24], [sflag:$0x3], $0x80, $0x38;
	[tilespmem:$0x14C00] =	vst v63  }
0x20c: {  	s23 =	sadd.s32 $0x20, s16;
	s24 =	simm.s32 $0x12290  }
0x20d: {  	[hbm4b:s23+s3] =	stream.linear.scatter [tilespmem:s24], [sflag:$0x3], $0x80, $0x38;
	[tilespmem:$0x14C00] =	vst v63  }
0x20e: {  	s23 =	sadd.s32 $0x30, s16;
	s24 =	simm.s32 $0x12318  }
0x20f: {  	[hbm4b:s23+s3] =	stream.linear.scatter [tilespmem:s24], [sflag:$0x3], $0x80, $0x38;
	[tilespmem:$0x14C00] =	vst v63  }
0x210: {  	s23 =	sadd.s32 $0x40, s16;
	s24 =	simm.s32 $0x123A0  }
0x211: {  	[hbm4b:s23+s3] =	stream.linear.scatter [tilespmem:s24], [sflag:$0x3], $0x80, $0x38;
	[tilespmem:$0x14C00] =	vst v63  }
0x212: {  	s23 =	sadd.s32 $0x50, s16;
	s24 =	simm.s32 $0x12428  }
0x213: {  	[hbm4b:s23+s3] =	stream.linear.scatter [tilespmem:s24], [sflag:$0x3], $0x80, $0x38;
	[tilespmem:$0x14C00] =	vst v63  }
0x214: {  	s23 =	sadd.s32 $0x60, s16;
	s24 =	simm.s32 $0x124B0  }
0x215: {  	[hbm4b:s23+s3] =	stream.linear.scatter [tilespmem:s24], [sflag:$0x3], $0x80, $0x38;
	[tilespmem:$0x14C00] =	vst v63  }
0x216: {  	s16 =	sadd.s32 $0x70, s16;
	s24 =	simm.s32 $0x12538  }
0x217: {  	[hbm4b:s16+s3] =	stream.linear.scatter [tilespmem:s24], [sflag:$0x3], $0x80, $0x38;
	[tilespmem:$0x14C00] =	vst v63  }
0x218: {  	s16 =	sadd.s32 s22, s13;
	s24 =	simm.s32 $0x125C0  }
0x219: {  	[hbm4b:s16+s3] =	stream.linear.scatter [tilespmem:s24], [sflag:$0x3], $0x80, $0x38;
	[tilespmem:$0x14C00] =	vst v63  }
0x21a: {  	s23 =	sadd.s32 $0x10, s16;
	s24 =	simm.s32 $0x12648  }
0x21b: {  	[hbm4b:s23+s3] =	stream.linear.scatter [tilespmem:s24], [sflag:$0x3], $0x80, $0x38;
	[tilespmem:$0x14C00] =	vst v63  }
0x21c: {  	s23 =	sadd.s32 $0x20, s16;
	s24 =	simm.s32 $0x126D0  }
0x21d: {  	[hbm4b:s23+s3] =	stream.linear.scatter [tilespmem:s24], [sflag:$0x3], $0x80, $0x38;
	[tilespmem:$0x14C00] =	vst v63  }
0x21e: {  	s23 =	sadd.s32 $0x30, s16;
	s24 =	simm.s32 $0x12758  }
0x21f: {  	[hbm4b:s23+s3] =	stream.linear.scatter [tilespmem:s24], [sflag:$0x3], $0x80, $0x38;
	[tilespmem:$0x14C00] =	vst v63  }
0x220: {  	s23 =	sadd.s32 $0x40, s16;
	s24 =	simm.s32 $0x127E0  }
0x221: {  	[hbm4b:s23+s3] =	stream.linear.scatter [tilespmem:s24], [sflag:$0x3], $0x80, $0x38;
	[tilespmem:$0x14C00] =	vst v63  }
0x222: {  	s23 =	sadd.s32 $0x50, s16;
	s24 =	simm.s32 $0x12868  }
0x223: {  	[hbm4b:s23+s3] =	stream.linear.scatter [tilespmem:s24], [sflag:$0x3], $0x80, $0x38;
	[tilespmem:$0x14C00] =	vst v63  }
0x224: {  	s23 =	sadd.s32 $0x60, s16;
	s24 =	simm.s32 $0x128F0  }
0x225: {  	[hbm4b:s23+s3] =	stream.linear.scatter [tilespmem:s24], [sflag:$0x3], $0x80, $0x38;
	[tilespmem:$0x14C00] =	vst v63  }
0x226: {  	p0 =	seq.s32 s15, $0x63;
	s16 =	sadd.s32 $0x70, s16;
	s24 =	simm.s32 $0x12978  }
0x227: {  	[hbm4b:s16+s3] =	stream.linear.scatter [tilespmem:s24], [sflag:$0x3], $0x80, $0x38;
	[tilespmem:$0x14C00] =	vst v63  }
0x228: {  	s16 =	sshll.u32 @!p0 s15, $0x8  }
0x229: {  	p1 =	seq.s32 @!p0 s15, $0x0;
	s16 =	sand.u32 @!p0 $0x3FFFFF00, s16  }
0x22a: {  	s22 =	simm.s32 @!p0 $0x80;
	s23 =	simm.s32 @!p0 $0xC800;
	s16 =	sadd.s32 @!p0 $0x6500, s16  }
0x22b: {  	[tilespmem:s23], [sflag:$0x1] =	stream.indirect.gather @!p0 [hbm4b:s4+s22], $0x40, s16, s22, $0xb8;
	[tilespmem:$0x14C00] =	vst v63  }
0x22c: {  	p0 =	por p0, !p1  }
0x22d: {  	_ =	swait.ge @p0 [sflag:s17], $0x400  }
0x22e: {  	[sflag:s17] =	ssyncset.done @p0 $0x0  }
0x22f: {  	[sflag:s17] =	ssyncadd.s32 @p0 $0xFFFFFC00  }
0x230: {  	_ =	swait.ge @p0 [sflag:s17], $0x400  }
0x231: {  	[sflag:s17] =	ssyncset.done @p0 $0x0  }
0x232: {  	[sflag:s17] =	ssyncadd.s32 @p0 $0xFFFFFC00  }
0x233: {  	_ =	swait.ge @p0 [sflag:s17], $0x400  }
0x234: {  	[sflag:s17] =	ssyncset.done @p0 $0x0  }
0x235: {  	[sflag:s17] =	ssyncadd.s32 @p0 $0xFFFFFC00  }
0x236: {  	_ =	swait.ge @p0 [sflag:s17], $0x400  }
0x237: {  	[sflag:s17] =	ssyncset.done @p0 $0x0  }
0x238: {  	[sflag:s17] =	ssyncadd.s32 @p0 $0xFFFFFC00  }
0x239: {  	_ =	swait.ge @p0 [sflag:s17], $0x400  }
0x23a: {  	[sflag:s17] =	ssyncset.done @p0 $0x0  }
0x23b: {  	[sflag:s17] =	ssyncadd.s32 @p0 $0xFFFFFC00  }
0x23c: {  	_ =	swait.ge @p0 [sflag:s17], $0x400  }
0x23d: {  	[sflag:s17] =	ssyncset.done @p0 $0x0  }
0x23e: {  	[sflag:s17] =	ssyncadd.s32 @p0 $0xFFFFFC00  }
0x23f: {  	_ =	swait.ge @p0 [sflag:s17], $0x400  }
0x240: {  	[sflag:s17] =	ssyncset.done @p0 $0x0  }
0x241: {  	[sflag:s17] =	ssyncadd.s32 @p0 $0xFFFFFC00  }
0x242: {  	s23 =	simm.s32 $0x0;
	_ =	swait.ge @p0 [sflag:s17], $0x400  }
0x243: {  	v44 =	vmov s23;
	[sflag:s17] =	ssyncset.done @p0 $0x0  }
0x244: {  	v41 =	vshrl.u32 v44, $0x3;
	[sflag:s17] =	ssyncadd.s32 @p0 $0xFFFFFC00  }
0x245: {  	v41 =	vshll.u32 v41, v9;
	_ =	swait.ge [sflag:s18], $0x2000  }
0x246: {  	v41 =	vbroadcast v41, $0x0;
	[sflag:s18] =	ssyncset.done $0x0  }
0x247: {  	s22 =	simm.s32 $0xE900;
	[sflag:s18] =	ssyncadd.s32 $0xFFFFE000  }
0x248: {  	v46 =	vadd.s32 v6, v41;
	v45 =	vld [tilespmem:s22+$0xFFFFFF00];
	_ =	sdelay $0x4  }
0x249: {  	[tilespmem:v46+s5+$0x0] =	vst.idx.msk $0xffff, v45  }
0x24a: {  	v47 =	vadd.s32 v10, v41;
	v42 =	vld [tilespmem:s22+$0xFFFFFF10];
	_ =	sdelay $0x4  }
0x24b: {  	[tilespmem:v47+s5+$0x0] =	vst.idx.msk $0xffff, v42  }
0x24c: {  	v48 =	vadd.s32 v11, v41;
	v42 =	vld [tilespmem:s22+$0xFFFFFF20];
	_ =	sdelay $0x4  }
0x24d: {  	[tilespmem:v48+s5+$0x0] =	vst.idx.msk $0xffff, v42  }
0x24e: {  	s24 =	simm.s32 $0x1;
	v41 =	vadd.s32 v12, v41;
	v42 =	vld [tilespmem:s22+$0xFFFFFF30]  }
0x24f: {  	v49 =	vmov s24  }
0x250: {  	v43 =	vshrl.u32 v49, $0x3  }
0x251: {  	v43 =	vshll.u32 v43, v9  }
0x252: {  	v43 =	vbroadcast v43, $0x0  }
0x253: {  	[tilespmem:v41+s5+$0x0] =	vst.idx.msk $0xffff, v42  }
0x254: {  	v50 =	vadd.s32 v13, v43;
	v41 =	vld [tilespmem:s22+$0xFFFFFF40];
	_ =	sdelay $0x4  }
0x255: {  	[tilespmem:v50+s5+$0x0] =	vst.idx.msk $0xffff, v41  }
0x256: {  	v51 =	vadd.s32 v14, v43;
	v41 =	vld [tilespmem:s22+$0xFFFFFF50];
	_ =	sdelay $0x4  }
0x257: {  	[tilespmem:v51+s5+$0x0] =	vst.idx.msk $0xffff, v41  }
0x258: {  	v52 =	vadd.s32 v15, v43;
	v41 =	vld [tilespmem:s22+$0xFFFFFF60];
	_ =	sdelay $0x4  }
0x259: {  	[tilespmem:v52+s5+$0x0] =	vst.idx.msk $0xffff, v41  }
0x25a: {  	s23 =	simm.s32 $0x2;
	v53 =	vadd.s32 v16, v43;
	v41 =	vld [tilespmem:s22+$0xFFFFFF70]  }
0x25b: {  	v54 =	vmov s23  }
0x25c: {  	v43 =	vshrl.u32 v54, $0x3  }
0x25d: {  	v43 =	vshll.u32 v43, v9  }
0x25e: {  	v43 =	vbroadcast v43, $0x0  }
0x25f: {  	[tilespmem:v53+s5+$0x0] =	vst.idx.msk $0xffff, v41  }
0x260: {  	v55 =	vadd.s32 v17, v43;
	v41 =	vld [tilespmem:s22+$0xFFFFFF80];
	_ =	sdelay $0x4  }
0x261: {  	[tilespmem:v55+s5+$0x0] =	vst.idx.msk $0xffff, v41  }
0x262: {  	v56 =	vadd.s32 v18, v43;
	v41 =	vld [tilespmem:s22+$0xFFFFFF90];
	_ =	sdelay $0x4  }
0x263: {  	[tilespmem:v56+s5+$0x0] =	vst.idx.msk $0xffff, v41  }
0x264: {  	v57 =	vadd.s32 v19, v43;
	v41 =	vld [tilespmem:s22+$0xFFFFFFA0];
	_ =	sdelay $0x4  }
0x265: {  	[tilespmem:v57+s5+$0x0] =	vst.idx.msk $0xffff, v41  }
0x266: {  	s24 =	simm.s32 $0x3;
	v58 =	vadd.s32 v20, v43;
	v41 =	vld [tilespmem:s22+$0xFFFFFFB0]  }
0x267: {  	v59 =	vmov s24  }
0x268: {  	v43 =	vshrl.u32 v59, $0x3  }
0x269: {  	v43 =	vshll.u32 v43, v9  }
0x26a: {  	v43 =	vbroadcast v43, $0x0  }
0x26b: {  	[tilespmem:v58+s5+$0x0] =	vst.idx.msk $0xffff, v41  }
0x26c: {  	v60 =	vadd.s32 v21, v43;
	v41 =	vld [tilespmem:s22+$0xFFFFFFC0];
	_ =	sdelay $0x4  }
0x26d: {  	[tilespmem:v60+s5+$0x0] =	vst.idx.msk $0xffff, v41  }
0x26e: {  	v61 =	vadd.s32 v22, v43;
	v41 =	vld [tilespmem:s22+$0xFFFFFFD0];
	_ =	sdelay $0x4  }
0x26f: {  	[tilespmem:v61+s5+$0x0] =	vst.idx.msk $0xffff, v41  }
0x270: {  	v62 =	vadd.s32 v23, v43;
	v41 =	vld [tilespmem:s22+$0xFFFFFFE0];
	_ =	sdelay $0x4  }
0x271: {  	[tilespmem:v62+s5+$0x0] =	vst.idx.msk $0xffff, v41  }
0x272: {  	s23 =	simm.s32 $0x4;
	v63 =	vadd.s32 v24, v43;
	v41 =	vld [tilespmem:s22+$0xFFFFFFF0]  }
0x273: {  	v45 =	vmov s23  }
0x274: {  	v43 =	vshrl.u32 v45, $0x3  }
0x275: {  	v43 =	vshll.u32 v43, v9  }
0x276: {  	v43 =	vbroadcast v43, $0x0  }
0x277: {  	[tilespmem:v63+s5+$0x0] =	vst.idx.msk $0xffff, v41  }
0x278: {  	v46 =	vadd.s32 v25, v43;
	v41 =	vld [tilespmem:s22+$0x0];
	_ =	sdelay $0x4  }
0x279: {  	[tilespmem:v46+s5+$0x0] =	vst.idx.msk $0xffff, v41  }
0x27a: {  	v47 =	vadd.s32 v26, v43;
	v41 =	vld [tilespmem:s22+$0x10];
	_ =	sdelay $0x4  }
0x27b: {  	[tilespmem:v47+s5+$0x0] =	vst.idx.msk $0xffff, v41  }
0x27c: {  	v48 =	vadd.s32 v27, v43;
	v41 =	vld [tilespmem:s22+$0x20];
	_ =	sdelay $0x4  }
0x27d: {  	[tilespmem:v48+s5+$0x0] =	vst.idx.msk $0xffff, v41  }
0x27e: {  	s24 =	simm.s32 $0x5;
	v49 =	vadd.s32 v28, v43;
	v41 =	vld [tilespmem:s22+$0x30]  }
0x27f: {  	v50 =	vmov s24  }
0x280: {  	v43 =	vshrl.u32 v50, $0x3  }
0x281: {  	v43 =	vshll.u32 v43, v9  }
0x282: {  	v43 =	vbroadcast v43, $0x0  }
0x283: {  	[tilespmem:v49+s5+$0x0] =	vst.idx.msk $0xffff, v41  }
0x284: {  	v51 =	vadd.s32 v29, v43;
	v41 =	vld [tilespmem:s22+$0x40];
	_ =	sdelay $0x4  }
0x285: {  	[tilespmem:v51+s5+$0x0] =	vst.idx.msk $0xffff, v41  }
0x286: {  	v52 =	vadd.s32 v30, v43;
	v41 =	vld [tilespmem:s22+$0x50];
	_ =	sdelay $0x4  }
0x287: {  	[tilespmem:v52+s5+$0x0] =	vst.idx.msk $0xffff, v41  }
0x288: {  	v53 =	vadd.s32 v31, v43;
	v41 =	vld [tilespmem:s22+$0x60];
	_ =	sdelay $0x4  }
0x289: {  	[tilespmem:v53+s5+$0x0] =	vst.idx.msk $0xffff, v41  }
0x28a: {  	s23 =	simm.s32 $0x6;
	v54 =	vadd.s32 v32, v43;
	v41 =	vld [tilespmem:s22+$0x70]  }
0x28b: {  	v55 =	vmov s23  }
0x28c: {  	v43 =	vshrl.u32 v55, $0x3  }
0x28d: {  	v43 =	vshll.u32 v43, v9  }
0x28e: {  	v43 =	vbroadcast v43, $0x0  }
0x28f: {  	[tilespmem:v54+s5+$0x0] =	vst.idx.msk $0xffff, v41  }
0x290: {  	v56 =	vadd.s32 v33, v43;
	v41 =	vld [tilespmem:s22+$0x80];
	_ =	sdelay $0x4  }
0x291: {  	[tilespmem:v56+s5+$0x0] =	vst.idx.msk $0xffff, v41  }
0x292: {  	v57 =	vadd.s32 v34, v43;
	v41 =	vld [tilespmem:s22+$0x90];
	_ =	sdelay $0x4  }
0x293: {  	[tilespmem:v57+s5+$0x0] =	vst.idx.msk $0xffff, v41  }
0x294: {  	v58 =	vadd.s32 v35, v43;
	v41 =	vld [tilespmem:s22+$0xA0];
	_ =	sdelay $0x4  }
0x295: {  	[tilespmem:v58+s5+$0x0] =	vst.idx.msk $0xffff, v41  }
0x296: {  	s24 =	simm.s32 $0x7;
	v59 =	vadd.s32 v36, v43;
	v41 =	vld [tilespmem:s22+$0xB0]  }
0x297: {  	v60 =	vmov s24  }
0x298: {  	v43 =	vshrl.u32 v60, $0x3  }
0x299: {  	v43 =	vshll.u32 v43, v9  }
0x29a: {  	v43 =	vbroadcast v43, $0x0  }
0x29b: {  	[tilespmem:v59+s5+$0x0] =	vst.idx.msk $0xffff, v41  }
0x29c: {  	v61 =	vadd.s32 v37, v43;
	v41 =	vld [tilespmem:s22+$0xC0];
	_ =	sdelay $0x4  }
0x29d: {  	[tilespmem:v61+s5+$0x0] =	vst.idx.msk $0xffff, v41  }
0x29e: {  	v62 =	vadd.s32 v38, v43;
	v41 =	vld [tilespmem:s22+$0xD0];
	_ =	sdelay $0x4  }
0x29f: {  	[tilespmem:v62+s5+$0x0] =	vst.idx.msk $0xffff, v41  }
0x2a0: {  	v63 =	vadd.s32 v39, v43;
	v41 =	vld [tilespmem:s22+$0xE0];
	_ =	sdelay $0x4  }
0x2a1: {  	[tilespmem:v63+s5+$0x0] =	vst.idx.msk $0xffff, v41  }
0x2a2: {  	s23 =	simm.s32 $0x8;
	v42 =	vadd.s32 v40, v43;
	v41 =	vld [tilespmem:s22+$0xF0]  }
0x2a3: {  	s24 =	simm.s32 $0x10;
	v43 =	vmov s23  }
.LBB2_7:
0x2a4: {  	p0 =	slt.u32 s24, $0x78;
	v43 =	vshrl.u32 v43, $0x3  }
0x2a5: {  	v43 =	vshll.u32 v43, v9  }
0x2a6: {  	v43 =	vbroadcast v43, $0x0  }
0x2a7: {  	s22 =	sadd.s32 $0x200, s22;
	[tilespmem:v42+s5+$0x0] =	vst.idx.msk $0xffff, v41  }
0x2a8: {  	v41 =	vld [tilespmem:s22+$0xFFFFFF00];
	v42 =	vadd.s32 v6, v43;
	_ =	sdelay $0x4  }
0x2a9: {  	[tilespmem:v42+s5+$0x0] =	vst.idx.msk $0xffff, v41  }
0x2aa: {  	v42 =	vadd.s32 v10, v43;
	v41 =	vld [tilespmem:s22+$0xFFFFFF10];
	_ =	sdelay $0x4  }
0x2ab: {  	[tilespmem:v42+s5+$0x0] =	vst.idx.msk $0xffff, v41  }
0x2ac: {  	v42 =	vadd.s32 v11, v43;
	v41 =	vld [tilespmem:s22+$0xFFFFFF20];
	_ =	sdelay $0x4  }
0x2ad: {  	[tilespmem:v42+s5+$0x0] =	vst.idx.msk $0xffff, v41  }
0x2ae: {  	s16 =	sadd.s32 $0x1, s23;
	v42 =	vadd.s32 v12, v43;
	v41 =	vld [tilespmem:s22+$0xFFFFFF30]  }
0x2af: {  	v43 =	vmov s16  }
0x2b0: {  	v43 =	vshrl.u32 v43, $0x3  }
0x2b1: {  	v43 =	vshll.u32 v43, v9  }
0x2b2: {  	v43 =	vbroadcast v43, $0x0  }
0x2b3: {  	[tilespmem:v42+s5+$0x0] =	vst.idx.msk $0xffff, v41  }
0x2b4: {  	v42 =	vadd.s32 v13, v43;
	v41 =	vld [tilespmem:s22+$0xFFFFFF40];
	_ =	sdelay $0x4  }
0x2b5: {  	[tilespmem:v42+s5+$0x0] =	vst.idx.msk $0xffff, v41  }
0x2b6: {  	v42 =	vadd.s32 v14, v43;
	v41 =	vld [tilespmem:s22+$0xFFFFFF50];
	_ =	sdelay $0x4  }
0x2b7: {  	[tilespmem:v42+s5+$0x0] =	vst.idx.msk $0xffff, v41  }
0x2b8: {  	v42 =	vadd.s32 v15, v43;
	v41 =	vld [tilespmem:s22+$0xFFFFFF60];
	_ =	sdelay $0x4  }
0x2b9: {  	[tilespmem:v42+s5+$0x0] =	vst.idx.msk $0xffff, v41  }
0x2ba: {  	s16 =	sadd.s32 $0x2, s23;
	v42 =	vadd.s32 v16, v43;
	v41 =	vld [tilespmem:s22+$0xFFFFFF70]  }
0x2bb: {  	v43 =	vmov s16  }
0x2bc: {  	v43 =	vshrl.u32 v43, $0x3  }
0x2bd: {  	v43 =	vshll.u32 v43, v9  }
0x2be: {  	v43 =	vbroadcast v43, $0x0  }
0x2bf: {  	[tilespmem:v42+s5+$0x0] =	vst.idx.msk $0xffff, v41  }
0x2c0: {  	v42 =	vadd.s32 v17, v43;
	v41 =	vld [tilespmem:s22+$0xFFFFFF80];
	_ =	sdelay $0x4  }
0x2c1: {  	[tilespmem:v42+s5+$0x0] =	vst.idx.msk $0xffff, v41  }
0x2c2: {  	v42 =	vadd.s32 v18, v43;
	v41 =	vld [tilespmem:s22+$0xFFFFFF90];
	_ =	sdelay $0x4  }
0x2c3: {  	[tilespmem:v42+s5+$0x0] =	vst.idx.msk $0xffff, v41  }
0x2c4: {  	v42 =	vadd.s32 v19, v43;
	v41 =	vld [tilespmem:s22+$0xFFFFFFA0];
	_ =	sdelay $0x4  }
0x2c5: {  	[tilespmem:v42+s5+$0x0] =	vst.idx.msk $0xffff, v41  }
0x2c6: {  	s16 =	sadd.s32 $0x3, s23;
	v42 =	vadd.s32 v20, v43;
	v41 =	vld [tilespmem:s22+$0xFFFFFFB0]  }
0x2c7: {  	v43 =	vmov s16  }
0x2c8: {  	v43 =	vshrl.u32 v43, $0x3  }
0x2c9: {  	v43 =	vshll.u32 v43, v9  }
0x2ca: {  	v43 =	vbroadcast v43, $0x0  }
0x2cb: {  	[tilespmem:v42+s5+$0x0] =	vst.idx.msk $0xffff, v41  }
0x2cc: {  	v42 =	vadd.s32 v21, v43;
	v41 =	vld [tilespmem:s22+$0xFFFFFFC0];
	_ =	sdelay $0x4  }
0x2cd: {  	[tilespmem:v42+s5+$0x0] =	vst.idx.msk $0xffff, v41  }
0x2ce: {  	v42 =	vadd.s32 v22, v43;
	v41 =	vld [tilespmem:s22+$0xFFFFFFD0];
	_ =	sdelay $0x4  }
0x2cf: {  	[tilespmem:v42+s5+$0x0] =	vst.idx.msk $0xffff, v41  }
0x2d0: {  	v42 =	vadd.s32 v23, v43;
	v41 =	vld [tilespmem:s22+$0xFFFFFFE0];
	_ =	sdelay $0x4  }
0x2d1: {  	[tilespmem:v42+s5+$0x0] =	vst.idx.msk $0xffff, v41  }
0x2d2: {  	s16 =	sadd.s32 $0x4, s23;
	v42 =	vadd.s32 v24, v43;
	v41 =	vld [tilespmem:s22+$0xFFFFFFF0]  }
0x2d3: {  	v43 =	vmov s16  }
0x2d4: {  	v43 =	vshrl.u32 v43, $0x3  }
0x2d5: {  	v43 =	vshll.u32 v43, v9  }
0x2d6: {  	v43 =	vbroadcast v43, $0x0  }
0x2d7: {  	[tilespmem:v42+s5+$0x0] =	vst.idx.msk $0xffff, v41  }
0x2d8: {  	v42 =	vadd.s32 v25, v43;
	v41 =	vld [tilespmem:s22+$0x0];
	_ =	sdelay $0x4  }
0x2d9: {  	[tilespmem:v42+s5+$0x0] =	vst.idx.msk $0xffff, v41  }
0x2da: {  	v42 =	vadd.s32 v26, v43;
	v41 =	vld [tilespmem:s22+$0x10];
	_ =	sdelay $0x4  }
0x2db: {  	[tilespmem:v42+s5+$0x0] =	vst.idx.msk $0xffff, v41  }
0x2dc: {  	v42 =	vadd.s32 v27, v43;
	v41 =	vld [tilespmem:s22+$0x20];
	_ =	sdelay $0x4  }
0x2dd: {  	[tilespmem:v42+s5+$0x0] =	vst.idx.msk $0xffff, v41  }
0x2de: {  	s16 =	sadd.s32 $0x5, s23;
	v42 =	vadd.s32 v28, v43;
	v41 =	vld [tilespmem:s22+$0x30]  }
0x2df: {  	v43 =	vmov s16  }
0x2e0: {  	v43 =	vshrl.u32 v43, $0x3  }
0x2e1: {  	v43 =	vshll.u32 v43, v9  }
0x2e2: {  	v43 =	vbroadcast v43, $0x0  }
0x2e3: {  	[tilespmem:v42+s5+$0x0] =	vst.idx.msk $0xffff, v41  }
0x2e4: {  	v42 =	vadd.s32 v29, v43;
	v41 =	vld [tilespmem:s22+$0x40];
	_ =	sdelay $0x4  }
0x2e5: {  	[tilespmem:v42+s5+$0x0] =	vst.idx.msk $0xffff, v41  }
0x2e6: {  	v42 =	vadd.s32 v30, v43;
	v41 =	vld [tilespmem:s22+$0x50];
	_ =	sdelay $0x4  }
0x2e7: {  	[tilespmem:v42+s5+$0x0] =	vst.idx.msk $0xffff, v41  }
0x2e8: {  	v42 =	vadd.s32 v31, v43;
	v41 =	vld [tilespmem:s22+$0x60];
	_ =	sdelay $0x4  }
0x2e9: {  	[tilespmem:v42+s5+$0x0] =	vst.idx.msk $0xffff, v41  }
0x2ea: {  	s16 =	sadd.s32 $0x6, s23;
	v42 =	vadd.s32 v32, v43;
	v41 =	vld [tilespmem:s22+$0x70]  }
0x2eb: {  	v43 =	vmov s16  }
0x2ec: {  	v43 =	vshrl.u32 v43, $0x3  }
0x2ed: {  	v43 =	vshll.u32 v43, v9  }
0x2ee: {  	v43 =	vbroadcast v43, $0x0  }
0x2ef: {  	[tilespmem:v42+s5+$0x0] =	vst.idx.msk $0xffff, v41  }
0x2f0: {  	v42 =	vadd.s32 v33, v43;
	v41 =	vld [tilespmem:s22+$0x80];
	_ =	sdelay $0x4  }
0x2f1: {  	[tilespmem:v42+s5+$0x0] =	vst.idx.msk $0xffff, v41  }
0x2f2: {  	v42 =	vadd.s32 v34, v43;
	v41 =	vld [tilespmem:s22+$0x90];
	_ =	sdelay $0x4  }
0x2f3: {  	[tilespmem:v42+s5+$0x0] =	vst.idx.msk $0xffff, v41  }
0x2f4: {  	v42 =	vadd.s32 v35, v43;
	v41 =	vld [tilespmem:s22+$0xA0];
	_ =	sdelay $0x4  }
0x2f5: {  	[tilespmem:v42+s5+$0x0] =	vst.idx.msk $0xffff, v41  }
0x2f6: {  	s16 =	sadd.s32 $0x7, s23;
	s23 =	smov.u32 s24;
	v42 =	vadd.s32 v36, v43;
	v41 =	vld [tilespmem:s22+$0xB0]  }
0x2f7: {  	v43 =	vmov s16  }
0x2f8: {  	v43 =	vshrl.u32 v43, $0x3  }
0x2f9: {  	v43 =	vshll.u32 v43, v9  }
0x2fa: {  	v43 =	vbroadcast v43, $0x0  }
0x2fb: {  	[tilespmem:v42+s5+$0x0] =	vst.idx.msk $0xffff, v41  }
0x2fc: {  	v42 =	vadd.s32 v37, v43;
	v41 =	vld [tilespmem:s22+$0xC0];
	_ =	sdelay $0x4  }
0x2fd: {  	[tilespmem:v42+s5+$0x0] =	vst.idx.msk $0xffff, v41  }
0x2fe: {  	v42 =	vadd.s32 v38, v43;
	v41 =	vld [tilespmem:s22+$0xD0];
	_ =	sdelay $0x4  }
0x2ff: {  	[tilespmem:v42+s5+$0x0] =	vst.idx.msk $0xffff, v41  }
0x300: {  	v42 =	vadd.s32 v39, v43;
	v41 =	vld [tilespmem:s22+$0xE0];
	_ =	sdelay $0x2  }
.Ltmp2:
0x301: {  	(pc) =	sbr.rel @p0 .LBB2_7-.Ltmp2, $4  }
0x302: {  	_ = 	snop  }
0x303: {  	[tilespmem:v42+s5+$0x0] =	vst.idx.msk $0xffff, v41  }
0x304: {  	v42 =	vadd.s32 v40, v43;
	v41 =	vld [tilespmem:s22+$0xF0]  }
0x305: {  	s24 =	sadd.s32 $0x8, s24;
	v43 =	vmov s23  }
0x306: {  	_ = 	snop  }
0x307: {  	v43 =	vshrl.u32 v43, $0x3  }
0x308: {  	v43 =	vshll.u32 v43, v9  }
0x309: {  	v43 =	vbroadcast v43, $0x0  }
0x30a: {  	s22 =	sadd.s32 $0x200, s22;
	[tilespmem:v42+s5+$0x0] =	vst.idx.msk $0xffff, v41  }
0x30b: {  	v41 =	vld [tilespmem:s22+$0xFFFFFF00];
	v63 =	vadd.s32 v6, v43;
	_ =	sdelay $0x4  }
0x30c: {  	[tilespmem:v63+s5+$0x0] =	vst.idx.msk $0xffff, v41  }
0x30d: {  	v45 =	vadd.s32 v10, v43;
	v41 =	vld [tilespmem:s22+$0xFFFFFF10];
	_ =	sdelay $0x4  }
0x30e: {  	[tilespmem:v45+s5+$0x0] =	vst.idx.msk $0xffff, v41  }
0x30f: {  	v46 =	vadd.s32 v11, v43;
	v41 =	vld [tilespmem:s22+$0xFFFFFF20];
	_ =	sdelay $0x4  }
0x310: {  	[tilespmem:v46+s5+$0x0] =	vst.idx.msk $0xffff, v41  }
0x311: {  	s16 =	sadd.s32 $0x1, s23;
	v47 =	vadd.s32 v12, v43;
	v41 =	vld [tilespmem:s22+$0xFFFFFF30]  }
0x312: {  	v48 =	vmov s16  }
0x313: {  	v43 =	vshrl.u32 v48, $0x3  }
0x314: {  	v43 =	vshll.u32 v43, v9  }
0x315: {  	v43 =	vbroadcast v43, $0x0  }
0x316: {  	[tilespmem:v47+s5+$0x0] =	vst.idx.msk $0xffff, v41  }
0x317: {  	v49 =	vadd.s32 v13, v43;
	v41 =	vld [tilespmem:s22+$0xFFFFFF40];
	_ =	sdelay $0x4  }
0x318: {  	[tilespmem:v49+s5+$0x0] =	vst.idx.msk $0xffff, v41  }
0x319: {  	v50 =	vadd.s32 v14, v43;
	v41 =	vld [tilespmem:s22+$0xFFFFFF50];
	_ =	sdelay $0x4  }
0x31a: {  	[tilespmem:v50+s5+$0x0] =	vst.idx.msk $0xffff, v41  }
0x31b: {  	v51 =	vadd.s32 v15, v43;
	v41 =	vld [tilespmem:s22+$0xFFFFFF60];
	_ =	sdelay $0x4  }
0x31c: {  	[tilespmem:v51+s5+$0x0] =	vst.idx.msk $0xffff, v41  }
0x31d: {  	s24 =	sadd.s32 $0x2, s23;
	v52 =	vadd.s32 v16, v43;
	v41 =	vld [tilespmem:s22+$0xFFFFFF70]  }
0x31e: {  	v53 =	vmov s24  }
0x31f: {  	v43 =	vshrl.u32 v53, $0x3  }
0x320: {  	v43 =	vshll.u32 v43, v9  }
0x321: {  	v43 =	vbroadcast v43, $0x0  }
0x322: {  	[tilespmem:v52+s5+$0x0] =	vst.idx.msk $0xffff, v41  }
0x323: {  	v54 =	vadd.s32 v17, v43;
	v41 =	vld [tilespmem:s22+$0xFFFFFF80];
	_ =	sdelay $0x4  }
0x324: {  	[tilespmem:v54+s5+$0x0] =	vst.idx.msk $0xffff, v41  }
0x325: {  	v55 =	vadd.s32 v18, v43;
	v41 =	vld [tilespmem:s22+$0xFFFFFF90];
	_ =	sdelay $0x4  }
0x326: {  	[tilespmem:v55+s5+$0x0] =	vst.idx.msk $0xffff, v41  }
0x327: {  	v56 =	vadd.s32 v19, v43;
	v41 =	vld [tilespmem:s22+$0xFFFFFFA0];
	_ =	sdelay $0x4  }
0x328: {  	[tilespmem:v56+s5+$0x0] =	vst.idx.msk $0xffff, v41  }
0x329: {  	s24 =	sadd.s32 $0x3, s23;
	v57 =	vadd.s32 v20, v43;
	v41 =	vld [tilespmem:s22+$0xFFFFFFB0]  }
0x32a: {  	v58 =	vmov s24  }
0x32b: {  	v43 =	vshrl.u32 v58, $0x3  }
0x32c: {  	v43 =	vshll.u32 v43, v9  }
0x32d: {  	v43 =	vbroadcast v43, $0x0  }
0x32e: {  	[tilespmem:v57+s5+$0x0] =	vst.idx.msk $0xffff, v41  }
0x32f: {  	v59 =	vadd.s32 v21, v43;
	v41 =	vld [tilespmem:s22+$0xFFFFFFC0];
	_ =	sdelay $0x4  }
0x330: {  	[tilespmem:v59+s5+$0x0] =	vst.idx.msk $0xffff, v41  }
0x331: {  	v60 =	vadd.s32 v22, v43;
	v41 =	vld [tilespmem:s22+$0xFFFFFFD0];
	_ =	sdelay $0x4  }
0x332: {  	[tilespmem:v60+s5+$0x0] =	vst.idx.msk $0xffff, v41  }
0x333: {  	v61 =	vadd.s32 v23, v43;
	v41 =	vld [tilespmem:s22+$0xFFFFFFE0];
	_ =	sdelay $0x4  }
0x334: {  	[tilespmem:v61+s5+$0x0] =	vst.idx.msk $0xffff, v41  }
0x335: {  	s24 =	sadd.s32 $0x4, s23;
	v62 =	vadd.s32 v24, v43;
	v41 =	vld [tilespmem:s22+$0xFFFFFFF0]  }
0x336: {  	v63 =	vmov s24  }
0x337: {  	v43 =	vshrl.u32 v63, $0x3  }
0x338: {  	v43 =	vshll.u32 v43, v9  }
0x339: {  	v43 =	vbroadcast v43, $0x0  }
0x33a: {  	[tilespmem:v62+s5+$0x0] =	vst.idx.msk $0xffff, v41  }
0x33b: {  	v45 =	vadd.s32 v25, v43;
	v41 =	vld [tilespmem:s22+$0x0];
	_ =	sdelay $0x4  }
0x33c: {  	[tilespmem:v45+s5+$0x0] =	vst.idx.msk $0xffff, v41  }
0x33d: {  	v46 =	vadd.s32 v26, v43;
	v41 =	vld [tilespmem:s22+$0x10];
	_ =	sdelay $0x4  }
0x33e: {  	[tilespmem:v46+s5+$0x0] =	vst.idx.msk $0xffff, v41  }
0x33f: {  	v47 =	vadd.s32 v27, v43;
	v41 =	vld [tilespmem:s22+$0x20];
	_ =	sdelay $0x4  }
0x340: {  	[tilespmem:v47+s5+$0x0] =	vst.idx.msk $0xffff, v41  }
0x341: {  	s24 =	sadd.s32 $0x5, s23;
	v48 =	vadd.s32 v28, v43;
	v41 =	vld [tilespmem:s22+$0x30]  }
0x342: {  	v49 =	vmov s24  }
0x343: {  	v43 =	vshrl.u32 v49, $0x3  }
0x344: {  	v43 =	vshll.u32 v43, v9  }
0x345: {  	v43 =	vbroadcast v43, $0x0  }
0x346: {  	[tilespmem:v48+s5+$0x0] =	vst.idx.msk $0xffff, v41  }
0x347: {  	v50 =	vadd.s32 v29, v43;
	v41 =	vld [tilespmem:s22+$0x40];
	_ =	sdelay $0x4  }
0x348: {  	[tilespmem:v50+s5+$0x0] =	vst.idx.msk $0xffff, v41  }
0x349: {  	v51 =	vadd.s32 v30, v43;
	v41 =	vld [tilespmem:s22+$0x50];
	_ =	sdelay $0x4  }
0x34a: {  	[tilespmem:v51+s5+$0x0] =	vst.idx.msk $0xffff, v41  }
0x34b: {  	v52 =	vadd.s32 v31, v43;
	v41 =	vld [tilespmem:s22+$0x60];
	_ =	sdelay $0x4  }
0x34c: {  	[tilespmem:v52+s5+$0x0] =	vst.idx.msk $0xffff, v41  }
0x34d: {  	s24 =	sadd.s32 $0x6, s23;
	v53 =	vadd.s32 v32, v43;
	v41 =	vld [tilespmem:s22+$0x70]  }
0x34e: {  	v54 =	vmov s24  }
0x34f: {  	v43 =	vshrl.u32 v54, $0x3  }
0x350: {  	v43 =	vshll.u32 v43, v9  }
0x351: {  	v43 =	vbroadcast v43, $0x0  }
0x352: {  	[tilespmem:v53+s5+$0x0] =	vst.idx.msk $0xffff, v41  }
0x353: {  	v55 =	vadd.s32 v33, v43;
	v41 =	vld [tilespmem:s22+$0x80];
	_ =	sdelay $0x4  }
0x354: {  	[tilespmem:v55+s5+$0x0] =	vst.idx.msk $0xffff, v41  }
0x355: {  	v56 =	vadd.s32 v34, v43;
	v41 =	vld [tilespmem:s22+$0x90];
	_ =	sdelay $0x4  }
0x356: {  	[tilespmem:v56+s5+$0x0] =	vst.idx.msk $0xffff, v41  }
0x357: {  	v57 =	vadd.s32 v35, v43;
	v41 =	vld [tilespmem:s22+$0xA0];
	_ =	sdelay $0x4  }
0x358: {  	[tilespmem:v57+s5+$0x0] =	vst.idx.msk $0xffff, v41  }
0x359: {  	s24 =	sadd.s32 $0x7, s23;
	v58 =	vadd.s32 v36, v43;
	v41 =	vld [tilespmem:s22+$0xB0]  }
0x35a: {  	v59 =	vmov s24  }
0x35b: {  	v43 =	vshrl.u32 v59, $0x3  }
0x35c: {  	v43 =	vshll.u32 v43, v9  }
0x35d: {  	v43 =	vbroadcast v43, $0x0  }
0x35e: {  	[tilespmem:v58+s5+$0x0] =	vst.idx.msk $0xffff, v41  }
0x35f: {  	v60 =	vadd.s32 v37, v43;
	v41 =	vld [tilespmem:s22+$0xC0];
	_ =	sdelay $0x4  }
0x360: {  	[tilespmem:v60+s5+$0x0] =	vst.idx.msk $0xffff, v41  }
0x361: {  	v61 =	vadd.s32 v38, v43;
	v41 =	vld [tilespmem:s22+$0xD0];
	_ =	sdelay $0x4  }
0x362: {  	[tilespmem:v61+s5+$0x0] =	vst.idx.msk $0xffff, v41  }
0x363: {  	v62 =	vadd.s32 v39, v43;
	v41 =	vld [tilespmem:s22+$0xE0];
	_ =	sdelay $0x4  }
0x364: {  	[tilespmem:v62+s5+$0x0] =	vst.idx.msk $0xffff, v41  }
0x365: {  	v63 =	vadd.s32 v40, v43;
	v41 =	vld [tilespmem:s22+$0xF0];
	_ =	sdelay $0x1  }
0x366: {  	s22 =	sshll.u32 s19, $0x12  }
0x367: {  	s16 =	sor.u32 s6, s22  }
0x368: {  	s19 =	sshrl.u32 s16, $0x3  }
0x369: {  	s16 =	sadd.s32 s2, s19;
	[tilespmem:v63+s5+$0x0] =	vst.idx.msk $0xffff, v41  }
0x36a: {  	[hbm4b:s16+s3] =	stream.linear.scatter [tilespmem:s5], [sflag:$0x4], $0x80, $0x38;
	[tilespmem:$0x14C00] =	vst v63  }
0x36b: {  	s24 =	simm.s32 $0x12A88;
	s23 =	sadd.s32 $0x10, s16  }
0x36c: {  	[hbm4b:s23+s3] =	stream.linear.scatter [tilespmem:s24], [sflag:$0x4], $0x80, $0x38;
	[tilespmem:$0x14C00] =	vst v63  }
0x36d: {  	s23 =	sadd.s32 $0x20, s16;
	s24 =	simm.s32 $0x12B10  }
0x36e: {  	[hbm4b:s23+s3] =	stream.linear.scatter [tilespmem:s24], [sflag:$0x4], $0x80, $0x38;
	[tilespmem:$0x14C00] =	vst v63  }
0x36f: {  	s23 =	sadd.s32 $0x30, s16;
	s24 =	simm.s32 $0x12B98  }
0x370: {  	[hbm4b:s23+s3] =	stream.linear.scatter [tilespmem:s24], [sflag:$0x4], $0x80, $0x38;
	[tilespmem:$0x14C00] =	vst v63  }
0x371: {  	s23 =	sadd.s32 $0x40, s16;
	s24 =	simm.s32 $0x12C20  }
0x372: {  	[hbm4b:s23+s3] =	stream.linear.scatter [tilespmem:s24], [sflag:$0x4], $0x80, $0x38;
	[tilespmem:$0x14C00] =	vst v63  }
0x373: {  	s23 =	sadd.s32 $0x50, s16;
	s24 =	simm.s32 $0x12CA8  }
0x374: {  	[hbm4b:s23+s3] =	stream.linear.scatter [tilespmem:s24], [sflag:$0x4], $0x80, $0x38;
	[tilespmem:$0x14C00] =	vst v63  }
0x375: {  	s23 =	sadd.s32 $0x60, s16;
	s24 =	simm.s32 $0x12D30  }
0x376: {  	[hbm4b:s23+s3] =	stream.linear.scatter [tilespmem:s24], [sflag:$0x4], $0x80, $0x38;
	[tilespmem:$0x14C00] =	vst v63  }
0x377: {  	s16 =	sadd.s32 $0x70, s16;
	s23 =	simm.s32 $0x12DB8  }
0x378: {  	[hbm4b:s16+s3] =	stream.linear.scatter [tilespmem:s23], [sflag:$0x4], $0x80, $0x38;
	[tilespmem:$0x14C00] =	vst v63  }
0x379: {  	s24 =	simm.s32 $0x12E40;
	s16 =	sadd.s32 s19, s7  }
0x37a: {  	[hbm4b:s16+s3] =	stream.linear.scatter [tilespmem:s24], [sflag:$0x4], $0x80, $0x38;
	[tilespmem:$0x14C00] =	vst v63  }
0x37b: {  	s23 =	sadd.s32 $0x10, s16;
	s24 =	simm.s32 $0x12EC8  }
0x37c: {  	[hbm4b:s23+s3] =	stream.linear.scatter [tilespmem:s24], [sflag:$0x4], $0x80, $0x38;
	[tilespmem:$0x14C00] =	vst v63  }
0x37d: {  	s23 =	sadd.s32 $0x20, s16;
	s24 =	simm.s32 $0x12F50  }
0x37e: {  	[hbm4b:s23+s3] =	stream.linear.scatter [tilespmem:s24], [sflag:$0x4], $0x80, $0x38;
	[tilespmem:$0x14C00] =	vst v63  }
0x37f: {  	s23 =	sadd.s32 $0x30, s16;
	s24 =	simm.s32 $0x12FD8  }
0x380: {  	[hbm4b:s23+s3] =	stream.linear.scatter [tilespmem:s24], [sflag:$0x4], $0x80, $0x38;
	[tilespmem:$0x14C00] =	vst v63  }
0x381: {  	s23 =	sadd.s32 $0x40, s16;
	s24 =	simm.s32 $0x13060  }
0x382: {  	[hbm4b:s23+s3] =	stream.linear.scatter [tilespmem:s24], [sflag:$0x4], $0x80, $0x38;
	[tilespmem:$0x14C00] =	vst v63  }
0x383: {  	s23 =	sadd.s32 $0x50, s16;
	s24 =	simm.s32 $0x130E8  }
0x384: {  	[hbm4b:s23+s3] =	stream.linear.scatter [tilespmem:s24], [sflag:$0x4], $0x80, $0x38;
	[tilespmem:$0x14C00] =	vst v63  }
0x385: {  	s23 =	sadd.s32 $0x60, s16;
	s24 =	simm.s32 $0x13170  }
0x386: {  	[hbm4b:s23+s3] =	stream.linear.scatter [tilespmem:s24], [sflag:$0x4], $0x80, $0x38;
	[tilespmem:$0x14C00] =	vst v63  }
0x387: {  	s16 =	sadd.s32 $0x70, s16;
	s23 =	simm.s32 $0x131F8  }
0x388: {  	[hbm4b:s16+s3] =	stream.linear.scatter [tilespmem:s23], [sflag:$0x4], $0x80, $0x38;
	[tilespmem:$0x14C00] =	vst v63  }
0x389: {  	s24 =	simm.s32 $0x13280;
	s16 =	sadd.s32 s19, s8  }
0x38a: {  	[hbm4b:s16+s3] =	stream.linear.scatter [tilespmem:s24], [sflag:$0x4], $0x80, $0x38;
	[tilespmem:$0x14C00] =	vst v63  }
0x38b: {  	s23 =	sadd.s32 $0x10, s16;
	s24 =	simm.s32 $0x13308  }
0x38c: {  	[hbm4b:s23+s3] =	stream.linear.scatter [tilespmem:s24], [sflag:$0x4], $0x80, $0x38;
	[tilespmem:$0x14C00] =	vst v63  }
0x38d: {  	s23 =	sadd.s32 $0x20, s16;
	s24 =	simm.s32 $0x13390  }
0x38e: {  	[hbm4b:s23+s3] =	stream.linear.scatter [tilespmem:s24], [sflag:$0x4], $0x80, $0x38;
	[tilespmem:$0x14C00] =	vst v63  }
0x38f: {  	s23 =	sadd.s32 $0x30, s16;
	s24 =	simm.s32 $0x13418  }
0x390: {  	[hbm4b:s23+s3] =	stream.linear.scatter [tilespmem:s24], [sflag:$0x4], $0x80, $0x38;
	[tilespmem:$0x14C00] =	vst v63  }
0x391: {  	s23 =	sadd.s32 $0x40, s16;
	s24 =	simm.s32 $0x134A0  }
0x392: {  	[hbm4b:s23+s3] =	stream.linear.scatter [tilespmem:s24], [sflag:$0x4], $0x80, $0x38;
	[tilespmem:$0x14C00] =	vst v63  }
0x393: {  	s23 =	sadd.s32 $0x50, s16;
	s24 =	simm.s32 $0x13528  }
0x394: {  	[hbm4b:s23+s3] =	stream.linear.scatter [tilespmem:s24], [sflag:$0x4], $0x80, $0x38;
	[tilespmem:$0x14C00] =	vst v63  }
0x395: {  	s23 =	sadd.s32 $0x60, s16;
	s24 =	simm.s32 $0x135B0  }
0x396: {  	[hbm4b:s23+s3] =	stream.linear.scatter [tilespmem:s24], [sflag:$0x4], $0x80, $0x38;
	[tilespmem:$0x14C00] =	vst v63  }
0x397: {  	s16 =	sadd.s32 $0x70, s16;
	s23 =	simm.s32 $0x13638  }
0x398: {  	[hbm4b:s16+s3] =	stream.linear.scatter [tilespmem:s23], [sflag:$0x4], $0x80, $0x38;
	[tilespmem:$0x14C00] =	vst v63  }
0x399: {  	s24 =	simm.s32 $0x136C0;
	s16 =	sadd.s32 s19, s9  }
0x39a: {  	[hbm4b:s16+s3] =	stream.linear.scatter [tilespmem:s24], [sflag:$0x4], $0x80, $0x38;
	[tilespmem:$0x14C00] =	vst v63  }
0x39b: {  	s23 =	sadd.s32 $0x10, s16;
	s24 =	simm.s32 $0x13748  }
0x39c: {  	[hbm4b:s23+s3] =	stream.linear.scatter [tilespmem:s24], [sflag:$0x4], $0x80, $0x38;
	[tilespmem:$0x14C00] =	vst v63  }
0x39d: {  	s23 =	sadd.s32 $0x20, s16;
	s24 =	simm.s32 $0x137D0  }
0x39e: {  	[hbm4b:s23+s3] =	stream.linear.scatter [tilespmem:s24], [sflag:$0x4], $0x80, $0x38;
	[tilespmem:$0x14C00] =	vst v63  }
0x39f: {  	s23 =	sadd.s32 $0x30, s16;
	s24 =	simm.s32 $0x13858  }
0x3a0: {  	[hbm4b:s23+s3] =	stream.linear.scatter [tilespmem:s24], [sflag:$0x4], $0x80, $0x38;
	[tilespmem:$0x14C00] =	vst v63  }
0x3a1: {  	s23 =	sadd.s32 $0x40, s16;
	s24 =	simm.s32 $0x138E0  }
0x3a2: {  	[hbm4b:s23+s3] =	stream.linear.scatter [tilespmem:s24], [sflag:$0x4], $0x80, $0x38;
	[tilespmem:$0x14C00] =	vst v63  }
0x3a3: {  	s23 =	sadd.s32 $0x50, s16;
	s24 =	simm.s32 $0x13968  }
0x3a4: {  	[hbm4b:s23+s3] =	stream.linear.scatter [tilespmem:s24], [sflag:$0x4], $0x80, $0x38;
	[tilespmem:$0x14C00] =	vst v63  }
0x3a5: {  	s23 =	sadd.s32 $0x60, s16;
	s24 =	simm.s32 $0x139F0  }
0x3a6: {  	[hbm4b:s23+s3] =	stream.linear.scatter [tilespmem:s24], [sflag:$0x4], $0x80, $0x38;
	[tilespmem:$0x14C00] =	vst v63  }
0x3a7: {  	s16 =	sadd.s32 $0x70, s16;
	s23 =	simm.s32 $0x13A78  }
0x3a8: {  	[hbm4b:s16+s3] =	stream.linear.scatter [tilespmem:s23], [sflag:$0x4], $0x80, $0x38;
	[tilespmem:$0x14C00] =	vst v63  }
0x3a9: {  	s24 =	simm.s32 $0x13B00;
	s16 =	sadd.s32 s19, s10  }
0x3aa: {  	[hbm4b:s16+s3] =	stream.linear.scatter [tilespmem:s24], [sflag:$0x4], $0x80, $0x38;
	[tilespmem:$0x14C00] =	vst v63  }
0x3ab: {  	s23 =	sadd.s32 $0x10, s16;
	s24 =	simm.s32 $0x13B88  }
0x3ac: {  	[hbm4b:s23+s3] =	stream.linear.scatter [tilespmem:s24], [sflag:$0x4], $0x80, $0x38;
	[tilespmem:$0x14C00] =	vst v63  }
0x3ad: {  	s23 =	sadd.s32 $0x20, s16;
	s24 =	simm.s32 $0x13C10  }
0x3ae: {  	[hbm4b:s23+s3] =	stream.linear.scatter [tilespmem:s24], [sflag:$0x4], $0x80, $0x38;
	[tilespmem:$0x14C00] =	vst v63  }
0x3af: {  	s23 =	sadd.s32 $0x30, s16;
	s24 =	simm.s32 $0x13C98  }
0x3b0: {  	[hbm4b:s23+s3] =	stream.linear.scatter [tilespmem:s24], [sflag:$0x4], $0x80, $0x38;
	[tilespmem:$0x14C00] =	vst v63  }
0x3b1: {  	s23 =	sadd.s32 $0x40, s16;
	s24 =	simm.s32 $0x13D20  }
0x3b2: {  	[hbm4b:s23+s3] =	stream.linear.scatter [tilespmem:s24], [sflag:$0x4], $0x80, $0x38;
	[tilespmem:$0x14C00] =	vst v63  }
0x3b3: {  	s23 =	sadd.s32 $0x50, s16;
	s24 =	simm.s32 $0x13DA8  }
0x3b4: {  	[hbm4b:s23+s3] =	stream.linear.scatter [tilespmem:s24], [sflag:$0x4], $0x80, $0x38;
	[tilespmem:$0x14C00] =	vst v63  }
0x3b5: {  	s23 =	sadd.s32 $0x60, s16;
	s24 =	simm.s32 $0x13E30  }
0x3b6: {  	[hbm4b:s23+s3] =	stream.linear.scatter [tilespmem:s24], [sflag:$0x4], $0x80, $0x38;
	[tilespmem:$0x14C00] =	vst v63  }
0x3b7: {  	s16 =	sadd.s32 $0x70, s16;
	s23 =	simm.s32 $0x13EB8  }
0x3b8: {  	[hbm4b:s16+s3] =	stream.linear.scatter [tilespmem:s23], [sflag:$0x4], $0x80, $0x38;
	[tilespmem:$0x14C00] =	vst v63  }
0x3b9: {  	s24 =	simm.s32 $0x13F40;
	s16 =	sadd.s32 s19, s11  }
0x3ba: {  	[hbm4b:s16+s3] =	stream.linear.scatter [tilespmem:s24], [sflag:$0x4], $0x80, $0x38;
	[tilespmem:$0x14C00] =	vst v63  }
0x3bb: {  	s23 =	sadd.s32 $0x10, s16;
	s24 =	simm.s32 $0x13FC8  }
0x3bc: {  	[hbm4b:s23+s3] =	stream.linear.scatter [tilespmem:s24], [sflag:$0x4], $0x80, $0x38;
	[tilespmem:$0x14C00] =	vst v63  }
0x3bd: {  	s23 =	sadd.s32 $0x20, s16;
	s24 =	simm.s32 $0x14050  }
0x3be: {  	[hbm4b:s23+s3] =	stream.linear.scatter [tilespmem:s24], [sflag:$0x4], $0x80, $0x38;
	[tilespmem:$0x14C00] =	vst v63  }
0x3bf: {  	s23 =	sadd.s32 $0x30, s16;
	s24 =	simm.s32 $0x140D8  }
0x3c0: {  	[hbm4b:s23+s3] =	stream.linear.scatter [tilespmem:s24], [sflag:$0x4], $0x80, $0x38;
	[tilespmem:$0x14C00] =	vst v63  }
0x3c1: {  	s23 =	sadd.s32 $0x40, s16;
	s24 =	simm.s32 $0x14160  }
0x3c2: {  	[hbm4b:s23+s3] =	stream.linear.scatter [tilespmem:s24], [sflag:$0x4], $0x80, $0x38;
	[tilespmem:$0x14C00] =	vst v63  }
0x3c3: {  	s23 =	sadd.s32 $0x50, s16;
	s24 =	simm.s32 $0x141E8  }
0x3c4: {  	[hbm4b:s23+s3] =	stream.linear.scatter [tilespmem:s24], [sflag:$0x4], $0x80, $0x38;
	[tilespmem:$0x14C00] =	vst v63  }
0x3c5: {  	s23 =	sadd.s32 $0x60, s16;
	s24 =	simm.s32 $0x14270  }
0x3c6: {  	[hbm4b:s23+s3] =	stream.linear.scatter [tilespmem:s24], [sflag:$0x4], $0x80, $0x38;
	[tilespmem:$0x14C00] =	vst v63  }
0x3c7: {  	s16 =	sadd.s32 $0x70, s16;
	s23 =	simm.s32 $0x142F8  }
0x3c8: {  	[hbm4b:s16+s3] =	stream.linear.scatter [tilespmem:s23], [sflag:$0x4], $0x80, $0x38;
	[tilespmem:$0x14C00] =	vst v63  }
0x3c9: {  	s24 =	simm.s32 $0x14380;
	s16 =	sadd.s32 s19, s12  }
0x3ca: {  	[hbm4b:s16+s3] =	stream.linear.scatter [tilespmem:s24], [sflag:$0x4], $0x80, $0x38;
	[tilespmem:$0x14C00] =	vst v63  }
0x3cb: {  	s23 =	sadd.s32 $0x10, s16;
	s24 =	simm.s32 $0x14408  }
0x3cc: {  	[hbm4b:s23+s3] =	stream.linear.scatter [tilespmem:s24], [sflag:$0x4], $0x80, $0x38;
	[tilespmem:$0x14C00] =	vst v63  }
0x3cd: {  	s23 =	sadd.s32 $0x20, s16;
	s24 =	simm.s32 $0x14490  }
0x3ce: {  	[hbm4b:s23+s3] =	stream.linear.scatter [tilespmem:s24], [sflag:$0x4], $0x80, $0x38;
	[tilespmem:$0x14C00] =	vst v63  }
0x3cf: {  	s23 =	sadd.s32 $0x30, s16;
	s24 =	simm.s32 $0x14518  }
0x3d0: {  	[hbm4b:s23+s3] =	stream.linear.scatter [tilespmem:s24], [sflag:$0x4], $0x80, $0x38;
	[tilespmem:$0x14C00] =	vst v63  }
0x3d1: {  	s23 =	sadd.s32 $0x40, s16;
	s24 =	simm.s32 $0x145A0  }
0x3d2: {  	[hbm4b:s23+s3] =	stream.linear.scatter [tilespmem:s24], [sflag:$0x4], $0x80, $0x38;
	[tilespmem:$0x14C00] =	vst v63  }
0x3d3: {  	s23 =	sadd.s32 $0x50, s16;
	s24 =	simm.s32 $0x14628  }
0x3d4: {  	[hbm4b:s23+s3] =	stream.linear.scatter [tilespmem:s24], [sflag:$0x4], $0x80, $0x38;
	[tilespmem:$0x14C00] =	vst v63  }
0x3d5: {  	s23 =	sadd.s32 $0x60, s16;
	s24 =	simm.s32 $0x146B0  }
0x3d6: {  	[hbm4b:s23+s3] =	stream.linear.scatter [tilespmem:s24], [sflag:$0x4], $0x80, $0x38;
	[tilespmem:$0x14C00] =	vst v63  }
0x3d7: {  	s16 =	sadd.s32 $0x70, s16;
	s24 =	simm.s32 $0x14738  }
0x3d8: {  	[hbm4b:s16+s3] =	stream.linear.scatter [tilespmem:s24], [sflag:$0x4], $0x80, $0x38;
	[tilespmem:$0x14C00] =	vst v63  }
0x3d9: {  	s16 =	sadd.s32 s19, s13  }
0x3da: {  	[hbm4b:s16+s3] =	stream.linear.scatter [tilespmem:s25], [sflag:$0x4], $0x80, $0x38;
	[tilespmem:$0x14C00] =	vst v63  }
0x3db: {  	s19 =	sadd.s32 $0x10, s16  }
0x3dc: {  	[hbm4b:s19+s3] =	stream.linear.scatter [tilespmem:s26], [sflag:$0x4], $0x80, $0x38;
	[tilespmem:$0x14C00] =	vst v63  }
0x3dd: {  	s23 =	sadd.s32 $0x20, s16  }
0x3de: {  	[hbm4b:s23+s3] =	stream.linear.scatter [tilespmem:s28], [sflag:$0x4], $0x80, $0x38;
	[tilespmem:$0x14C00] =	vst v63  }
0x3df: {  	s24 =	sadd.s32 $0x30, s16  }
0x3e0: {  	[hbm4b:s24+s3] =	stream.linear.scatter [tilespmem:s29], [sflag:$0x4], $0x80, $0x38;
	[tilespmem:$0x14C00] =	vst v63  }
0x3e1: {  	s15 =	sadd.s32 $0x1, s15;
	s22 =	sadd.s32 $0x40, s16  }
0x3e2: {  	[hbm4b:s22+s3] =	stream.linear.scatter [tilespmem:s30], [sflag:$0x4], $0x80, $0x38;
	[tilespmem:$0x14C00] =	vst v63  }
0x3e3: {  	p0 =	sne.s32 s15, $0x64;
	s23 =	sadd.s32 $0x50, s16  }
0x3e4: {  	[hbm4b:s23+s3] =	stream.linear.scatter [tilespmem:s31], [sflag:$0x4], $0x80, $0x38;
	[tilespmem:$0x14C00] =	vst v63  }
.Ltmp3:
0x3e5: {  	_ = 	snop;
	(pc) =	sbr.rel @p0 .LBB2_4-.Ltmp3, $4  }
0x3e6: {  	s24 =	sadd.s32 $0x60, s16  }
0x3e7: {  	[hbm4b:s24+s3] =	stream.linear.scatter [tilespmem:s1], [sflag:$0x4], $0x80, $0x38;
	[tilespmem:$0x14C00] =	vst v63  }
0x3e8: {  	s16 =	sadd.s32 $0x70, s16  }
0x3e9: {  	[hbm4b:s16+s3] =	stream.linear.scatter [tilespmem:s0], [sflag:$0x4], $0x80, $0x38;
	[tilespmem:$0x14C00] =	vst v63  }
0x3ea: {  	s14 =	simm.s32 $0x3  }
0x3eb: {  	_ =	swait.ge [sflag:s14], $0x400  }
0x3ec: {  	[sflag:s14] =	ssyncset.done $0x0  }
0x3ed: {  	[sflag:s14] =	ssyncadd.s32 $0xFFFFFC00  }
0x3ee: {  	_ =	swait.ge [sflag:s14], $0x400  }
0x3ef: {  	[sflag:s14] =	ssyncset.done $0x0  }
0x3f0: {  	[sflag:s14] =	ssyncadd.s32 $0xFFFFFC00  }
0x3f1: {  	_ =	swait.ge [sflag:s14], $0x400  }
0x3f2: {  	[sflag:s14] =	ssyncset.done $0x0  }
0x3f3: {  	[sflag:s14] =	ssyncadd.s32 $0xFFFFFC00  }
0x3f4: {  	_ =	swait.ge [sflag:s14], $0x400  }
0x3f5: {  	[sflag:s14] =	ssyncset.done $0x0  }
0x3f6: {  	[sflag:s14] =	ssyncadd.s32 $0xFFFFFC00  }
0x3f7: {  	_ =	swait.ge [sflag:s14], $0x400  }
0x3f8: {  	[sflag:s14] =	ssyncset.done $0x0  }
0x3f9: {  	[sflag:s14] =	ssyncadd.s32 $0xFFFFFC00  }
0x3fa: {  	_ =	swait.ge [sflag:s14], $0x400  }
0x3fb: {  	[sflag:s14] =	ssyncset.done $0x0  }
0x3fc: {  	[sflag:s14] =	ssyncadd.s32 $0xFFFFFC00  }
0x3fd: {  	_ =	swait.ge [sflag:s14], $0x400  }
0x3fe: {  	[sflag:s14] =	ssyncset.done $0x0  }
0x3ff: {  	[sflag:s14] =	ssyncadd.s32 $0xFFFFFC00  }
0x400: {  	_ =	swait.ge [sflag:s14], $0x400  }
0x401: {  	[sflag:s14] =	ssyncset.done $0x0  }
0x402: {  	[sflag:s14] =	ssyncadd.s32 $0xFFFFFC00  }
0x403: {  	_ =	swait.ge [sflag:s17], $0x400  }
0x404: {  	[sflag:s17] =	ssyncset.done $0x0  }
0x405: {  	[sflag:s17] =	ssyncadd.s32 $0xFFFFFC00  }
0x406: {  	_ =	swait.ge [sflag:s17], $0x400  }
0x407: {  	[sflag:s17] =	ssyncset.done $0x0  }
0x408: {  	[sflag:s17] =	ssyncadd.s32 $0xFFFFFC00  }
0x409: {  	_ =	swait.ge [sflag:s17], $0x400  }
0x40a: {  	[sflag:s17] =	ssyncset.done $0x0  }
0x40b: {  	[sflag:s17] =	ssyncadd.s32 $0xFFFFFC00  }
0x40c: {  	_ =	swait.ge [sflag:s17], $0x400  }
0x40d: {  	[sflag:s17] =	ssyncset.done $0x0  }
0x40e: {  	[sflag:s17] =	ssyncadd.s32 $0xFFFFFC00  }
0x40f: {  	_ =	swait.ge [sflag:s17], $0x400  }
0x410: {  	[sflag:s17] =	ssyncset.done $0x0  }
0x411: {  	[sflag:s17] =	ssyncadd.s32 $0xFFFFFC00  }
0x412: {  	_ =	swait.ge [sflag:s17], $0x400  }
0x413: {  	[sflag:s17] =	ssyncset.done $0x0  }
0x414: {  	[sflag:s17] =	ssyncadd.s32 $0xFFFFFC00  }
0x415: {  	_ =	swait.ge [sflag:s17], $0x400  }
0x416: {  	[sflag:s17] =	ssyncset.done $0x0  }
0x417: {  	[sflag:s17] =	ssyncadd.s32 $0xFFFFFC00  }
0x418: {  	_ =	swait.ge [sflag:s17], $0x400  }
0x419: {  	s15 =	rddreg [dreg:$0x5]  }
0x41a: {  	s24 =	rddreg [dreg:$0x4];
	s15 =	sadd.s32 $0x1, s15  }
0x41b: {  	p0 =	sne.s32 s15, s24  }
.Ltmp4:
0x41c: {  	_ = 	snop;
	(pc) =	sbr.rel @p0 .LBB2_1-.Ltmp4, $3  }
0x41d: {  	_ =	sdelay $0x1  }
0x41e: {  	[sflag:s17] =	ssyncset.done $0x0  }
0x41f: {  	[sflag:s17] =	ssyncadd.s32 $0xFFFFFC00  }
0x420: {  	_ =	sfence.sel $0x180000  }
0x421: {  	[bflag:$0x0] =	sbarrier.arrive $0xFFFF  }
0x422: {  	_ =	strace $0x90000047  }
0x423: {  	s0 =	stileid.u32;
	[bflag:$0x2] =	sbarrier.arrive $0xFFFF  }
0x424: {  	p0 =	sne.s32 s0, $0x0;
	s0 =	rddreg [dreg:$0x2]  }
0x425: {  	s0 =	sadd.s32 @!p0 $0x100000, s0  }
0x426: {  	[sflag:s0] =	ssyncadd.tile.s32 @!p0 $0x1;
	_ =	shalt  }
.Lfunc_end2:
_tile_overlayer_lowered:
.L_overlay_start_2:
0x427: {  	(tag) =	ssettag $0x2  }
0x428: {  	s0 =	rddreg [dreg:$0x0];
	s2 =	stileid.u32  }
0x429: {  	s1 =	rddreg [dreg:$0x1];
	p0 =	sne.s32 s2, $0x0  }
0x42a: {  	s3 =	rddreg [dreg:$0x2];
	[bflag:$0x3] =	sbarrier.arrive $0xFFFF;
	s2 =	simm.s32 @!p0 $0x1C05  }
0x42b: {  	[timem:s3], [sflag:s2] =	dma.local @!p0 [hbm:s0], s1  }
0x42c: {  	s0 =	simm.s32 @!p0 $0x5  }
0x42d: {  	_ =	swait.ge @!p0 [sflag:s0], s1  }
0x42e: {  	s1 =	ssub.s32 @!p0 $0x0, s1;
	[sflag:s0] =	ssyncset.done @!p0 $0x0  }
0x42f: {  	[sflag:s0] =	ssyncadd.s32 @!p0 s1  }
0x430: {  	[bflag:$0x3] =	sbarrier.arrive $0xFFFF  }
0x431: {  	_ =	shalt  }

</sc_bundles>
